<compile_context>
chip_gen: v7x
topology: tpu7x:2x2x1
jax: 0.10.2.dev20260603
libtpu: 0.0.44.dev20260713+nightly
codegen_flags: <defaults>
</compile_context>

<pallas_src>
import functools
import jax
import jax.numpy as jnp
from jax import lax
from jax.experimental import pallas as pl
from jax.experimental.pallas import tpu as pltpu
from jax.experimental.pallas import tpu_sc as plsc

H = 64
HH = 32
NCH = 10000
NRT = 10000
NPK = 10000
ACC_ROWS = 10000
OROWS = 624

CHUNK = 125
NCH_H = 50
NCH_P = 5

_mesh = plsc.VectorSubcoreMesh(core_axis_name="c", subcore_axis_name="s")
_sc_params = pltpu.CompilerParams(use_tc_tiling_on_sc=False)


def _zero_vmem(ref, nrows, width):
    z16 = jnp.zeros((16,), jnp.float32)

    def body(r, carry):
        for l in range(width // 16):
            ref[r, pl.ds(l * 16, 16)] = z16
        return carry

    lax.fori_loop(0, nrows, body, 0, unroll=False)


def _fill_acc(src, acc, s):
    for k in range(5):
        pltpu.sync_copy(src, acc.at[pl.ds(s * 625 + k * CHUNK, CHUNK)])


@functools.partial(
    pl.kernel,
    out_type=[
        jax.ShapeDtypeStruct((2, NCH, H), jnp.float32),
        jax.ShapeDtypeStruct((2, NCH, H), jnp.float32),
        jax.ShapeDtypeStruct((2, NCH, 16), jnp.float32),
    ],
    mesh=_mesh,
    compiler_params=_sc_params,
    scratch_types=[
        pltpu.VMEM_SHARED((ACC_ROWS, H), jnp.float32),
        pltpu.VMEM_SHARED((ACC_ROWS, H), jnp.float32),
        pltpu.VMEM_SHARED((ACC_ROWS, 16), jnp.float32),
        pltpu.VMEM((NCH_H, CHUNK), jnp.int32),
        pltpu.VMEM((NCH_H, CHUNK), jnp.int32),
        pltpu.VMEM((NCH_P, CHUNK), jnp.int32),
        pltpu.VMEM((NCH_P, CHUNK), jnp.int32),
        pltpu.VMEM((CHUNK, H), jnp.float32),
        pltpu.VMEM((CHUNK, H), jnp.float32),
        pltpu.VMEM((CHUNK, 16), jnp.float32),
        pltpu.VMEM((CHUNK, 16), jnp.float32),
        pltpu.SemaphoreType.DMA,
        pltpu.SemaphoreType.DMA,
        pltpu.SemaphoreType.DMA,
    ],
)
def _sc_bin_channels(hr, hp, eo_r, ei_r, ep_r,
                     hio, sp, cp,
                     acc_h, acc_s, acc_c, isrc, idst, psrc, pdst,
                     rows_a, rows_b, z16b, ones16, gsem_a, gsem_b, csem):
    c = lax.axis_index("c")
    s = lax.axis_index("s")

    _zero_vmem(rows_a, CHUNK, H)
    _zero_vmem(z16b, CHUNK, 16)
    _fill_acc(rows_a, acc_h, s)
    _fill_acc(rows_a, acc_s, s)
    _fill_acc(z16b, acc_c, s)

    def fill_ones(r, carry):
        ones16[r, pl.ds(0, 16)] = jnp.ones((16,), jnp.float32)
        return carry

    lax.fori_loop(0, CHUNK, fill_ones, 0, unroll=False)

    @pl.when(c == 0)
    def _():
        pltpu.sync_copy(eo_r.at[0, s], isrc)
        pltpu.sync_copy(eo_r.at[1, s], idst)

    @pl.when(c == 1)
    def _():
        pltpu.sync_copy(ei_r.at[1, s], isrc)
        pltpu.sync_copy(ei_r.at[0, s], idst)

    pltpu.sync_copy(ep_r.at[0, c, s], psrc)
    pltpu.sync_copy(ep_r.at[1, c, s], pdst)
    plsc.subcore_barrier()

    for k in range(NCH_P):
        pltpu.async_copy(ones16, acc_c.at[pdst.at[k]], csem, add=True)

    def _gwait(tbl, buf, sem):
        pltpu.make_async_copy(tbl.at[isrc.at[0]], buf, sem).wait()

    pltpu.async_copy(hr.at[isrc.at[0]], rows_a, gsem_a)

    def hstep(i, carry):
        k0 = 2 * i
        k1 = k0 + 1
        _gwait(hr, rows_a, gsem_a)
        pltpu.async_copy(hr.at[isrc.at[k1]], rows_b, gsem_b)
        pltpu.sync_copy(rows_a, acc_h.at[idst.at[k0]], add=True)
        _gwait(hr, rows_b, gsem_b)
        k2 = jnp.minimum(k0 + 2, NCH_H - 1)
        pltpu.async_copy(hr.at[isrc.at[k2]], rows_a, gsem_a)
        pltpu.sync_copy(rows_b, acc_h.at[idst.at[k1]], add=True)
        return carry

    lax.fori_loop(0, NCH_H // 2, hstep, 0, unroll=False)
    _gwait(hr, rows_a, gsem_a)

    pltpu.async_copy(hp.at[psrc.at[0]], rows_a, gsem_a)

    def pstep(i, carry):
        k0 = 2 * i
        k1 = k0 + 1
        _gwait(hp, rows_a, gsem_a)
        pltpu.async_copy(hp.at[psrc.at[k1]], rows_b, gsem_b)
        pltpu.sync_copy(rows_a, acc_s.at[pdst.at[k0]], add=True)
        _gwait(hp, rows_b, gsem_b)
        k2 = jnp.minimum(k0 + 2, NCH_P - 1)
        pltpu.async_copy(hp.at[psrc.at[k2]], rows_a, gsem_a)
        pltpu.sync_copy(rows_b, acc_s.at[pdst.at[k1]], add=True)
        return carry

    lax.fori_loop(0, NCH_P // 2, pstep, 0, unroll=False)
    _gwait(hp, rows_a, gsem_a)
    pltpu.sync_copy(rows_a, acc_s.at[pdst.at[NCH_P - 1]], add=True)

    for k in range(NCH_P):
        pltpu.make_async_copy(ones16, acc_c.at[pdst.at[0]], csem).wait()

    plsc.subcore_barrier()

    r0 = s * OROWS

    @pl.when(s < 15)
    def _():
        pltpu.sync_copy(acc_h.at[pl.ds(r0, OROWS)], hio.at[c, pl.ds(r0, OROWS)])
        pltpu.sync_copy(acc_s.at[pl.ds(r0, OROWS)], sp.at[c, pl.ds(r0, OROWS)])
        pltpu.sync_copy(acc_c.at[pl.ds(r0, OROWS)], cp.at[c, pl.ds(r0, OROWS)])

    @pl.when(s == 15)
    def _():
        pltpu.sync_copy(acc_h.at[pl.ds(15 * OROWS, 640)],
                        hio.at[c, pl.ds(15 * OROWS, 640)])
        pltpu.sync_copy(acc_s.at[pl.ds(15 * OROWS, 640)],
                        sp.at[c, pl.ds(15 * OROWS, 640)])
        pltpu.sync_copy(acc_c.at[pl.ds(15 * OROWS, 640)],
                        cp.at[c, pl.ds(15 * OROWS, 640)])


@functools.partial(
    pl.kernel,
    out_type=jax.ShapeDtypeStruct((2, NRT, HH), jnp.float32),
    mesh=_mesh,
    compiler_params=_sc_params,
    scratch_types=[
        pltpu.VMEM_SHARED((ACC_ROWS, HH), jnp.float32),
        pltpu.VMEM((NCH_H, CHUNK), jnp.int32),
        pltpu.VMEM((NCH_H, CHUNK), jnp.int32),
        pltpu.VMEM((CHUNK, HH), jnp.float32),
        pltpu.VMEM((CHUNK, HH), jnp.float32),
        pltpu.SemaphoreType.DMA,
        pltpu.SemaphoreType.DMA,
    ],
)
def _sc_bin_routers(mio, eo_r, ei_r, mr, acc32, isrc, idst,
                    rows_a, rows_b, gsem_a, gsem_b):
    c = lax.axis_index("c")
    s = lax.axis_index("s")

    _zero_vmem(rows_a, CHUNK, HH)
    _fill_acc(rows_a, acc32, s)

    @pl.when(c == 0)
    def _():
        pltpu.sync_copy(ei_r.at[0, s], isrc)
        pltpu.sync_copy(ei_r.at[1, s], idst)

    @pl.when(c == 1)
    def _():
        pltpu.sync_copy(eo_r.at[1, s], isrc)
        pltpu.sync_copy(eo_r.at[0, s], idst)

    plsc.subcore_barrier()
    tb = mio.at[c]

    def _gwait(buf, sem):
        pltpu.make_async_copy(tb.at[isrc.at[0]], buf, sem).wait()

    pltpu.async_copy(tb.at[isrc.at[0]], rows_a, gsem_a)

    def step(i, carry):
        k0 = 2 * i
        k1 = k0 + 1
        _gwait(rows_a, gsem_a)
        pltpu.async_copy(tb.at[isrc.at[k1]], rows_b, gsem_b)
        pltpu.sync_copy(rows_a, acc32.at[idst.at[k0]], add=True)
        _gwait(rows_b, gsem_b)
        k2 = jnp.minimum(k0 + 2, NCH_H - 1)
        pltpu.async_copy(tb.at[isrc.at[k2]], rows_a, gsem_a)
        pltpu.sync_copy(rows_b, acc32.at[idst.at[k1]], add=True)
        return carry

    lax.fori_loop(0, NCH_H // 2, step, 0, unroll=False)
    _gwait(rows_a, gsem_a)
    plsc.subcore_barrier()

    r0 = s * OROWS

    @pl.when(s < 15)
    def _():
        pltpu.sync_copy(acc32.at[pl.ds(r0, OROWS)], mr.at[c, pl.ds(r0, OROWS)])

    @pl.when(s == 15)
    def _():
        pltpu.sync_copy(acc32.at[pl.ds(15 * OROWS, 640)],
                        mr.at[c, pl.ds(15 * OROWS, 640)])


TCT = 1000

_RX_NP = None


def _expand_mat():
    global _RX_NP
    if _RX_NP is None:
        import numpy as _np
        r = _np.zeros((H, H * HH), _np.float32)
        for i in range(H):
            r[i, i * HH:(i + 1) * HH] = 1.0
        _RX_NP = r
    return _RX_NP


def _tree_fold(p):
    w = H * HH
    while w > HH:
        h = w // 2
        p = p[:, :h] + p[:, h:w]
        w = h
    return p


def _tc_dense_body(hio, sp, cp, wp, bp3, rx, mio):
    sv = sp[0] + sp[1]
    cnt = cp[0, :, :1] + cp[1, :, :1]
    e = jnp.dot(sv, wp[...], preferred_element_type=jnp.float32)
    hin_x = jnp.dot(hio[0], rx[...], preferred_element_type=jnp.float32)
    hout_x = jnp.dot(hio[1], rx[...], preferred_element_type=jnp.float32)
    mio[0] = _tree_fold(e * hin_x) + cnt * jnp.dot(
        hio[0], bp3[...], preferred_element_type=jnp.float32)
    mio[1] = _tree_fold(e * hout_x) + cnt * jnp.dot(
        hio[1], bp3[...], preferred_element_type=jnp.float32)


def _tc_dense(hio, sp, cp, wp, bp3):
    rx = _expand_mat()
    return pl.pallas_call(
        _tc_dense_body,
        grid=(NCH // TCT,),
        in_specs=[
            pl.BlockSpec((2, TCT, H), lambda t: (0, t, 0)),
            pl.BlockSpec((2, TCT, H), lambda t: (0, t, 0)),
            pl.BlockSpec((2, TCT, 16), lambda t: (0, t, 0)),
            pl.BlockSpec((H, H * HH), lambda t: (0, 0)),
            pl.BlockSpec((H, HH), lambda t: (0, 0)),
            pl.BlockSpec((H, H * HH), lambda t: (0, 0)),
        ],
        out_specs=pl.BlockSpec((2, TCT, HH), lambda t: (0, t, 0)),
        out_shape=jax.ShapeDtypeStruct((2, NCH, HH), jnp.float32),
    )(hio, sp, cp, wp, bp3, jnp.asarray(rx))


TCR = 2000


def _tc_relu_body(mr, om):
    om[...] = jnp.maximum(
        jnp.concatenate([mr[0], mr[1]], axis=1), 0.0)


def _tc_relu(mr):
    return pl.pallas_call(
        _tc_relu_body,
        grid=(NRT // TCR,),
        in_specs=[pl.BlockSpec((2, TCR, HH), lambda t: (0, t, 0))],
        out_specs=pl.BlockSpec((TCR, H), lambda t: (t, 0)),
        out_shape=jax.ShapeDtypeStruct((NRT, H), jnp.float32),
    )(mr)


def kernel(h_router, h_packet, W_p, b_p, W_c, b_c, edge_output, edge_input, edge_pass):
    del W_c, b_c

    eo_r = edge_output.reshape(2, 16, NCH_H, CHUNK)
    ei_r = edge_input.reshape(2, 16, NCH_H, CHUNK)
    ep_r = edge_pass.reshape(2, 2, 16, NCH_P, CHUNK)

    hio, sp, cp = _sc_bin_channels(h_router, h_packet, eo_r, ei_r, ep_r)

    mio = _tc_dense(hio, sp, cp, W_p, b_p.reshape(H, HH))

    mr = _sc_bin_routers(mio, eo_r, ei_r)
    return _tc_relu(mr)

# --- scband reference (transcript-rebuilt; emitter-appended) ---
"""Pipeline reference for scband-message-passing-60782377173290 (READ-ONLY COPY).

The authoritative reference and input builder live on the scoring server;
editing this copy changes nothing except your own understanding.
"""

import jax, jax.numpy as jnp
import numpy as np

H_DIM = 64
N_ROUTER = 10000
N_CHANNEL = 10000
N_PACKET = 10000
E_OUTPUT = 100000
E_INPUT = 100000
E_PASS = 20000


def setup_inputs(seed: int = 0):
    key = jax.random.key(seed)
    ks = jax.random.split(key, 10)
    h_router = jax.random.normal(ks[0], (N_ROUTER, H_DIM), dtype=jnp.float32)
    h_packet = jax.random.normal(ks[1], (N_PACKET, H_DIM), dtype=jnp.float32)
    # edge_output: router -> channel (row0 = src router id, row1 = dst channel id)
    edge_output = jax.random.randint(ks[2], (2, E_OUTPUT), 0, N_CHANNEL, dtype=jnp.int32)
    # edge_input: channel -> router (row0 = src channel id, row1 = dst router id)
    edge_input = jax.random.randint(ks[3], (2, E_INPUT), 0, N_CHANNEL, dtype=jnp.int32)
    # edge_pass: packet -> channel (row0 = src packet id, row1 = dst channel id)
    edge_pass = jax.random.randint(ks[4], (2, E_PASS), 0, N_CHANNEL, dtype=jnp.int32)
    kp = 1.0 / np.sqrt(H_DIM)
    W_p = jax.random.uniform(ks[5], (H_DIM, H_DIM * H_DIM // 2), minval=-kp, maxval=kp, dtype=jnp.float32)
    b_p = jax.random.uniform(ks[6], (H_DIM * H_DIM // 2,), minval=-kp, maxval=kp, dtype=jnp.float32)
    kc = 1.0 / np.sqrt(2 * H_DIM)
    W_c = jax.random.uniform(ks[7], (2 * H_DIM, H_DIM), minval=-kc, maxval=kc, dtype=jnp.float32)
    b_c = jax.random.uniform(ks[8], (H_DIM,), minval=-kc, maxval=kc, dtype=jnp.float32)
    return {"h_router": h_router, "h_packet": h_packet, "W_p": W_p, "b_p": b_p,
            "W_c": W_c, "b_c": b_c, "edge_output": edge_output,
            "edge_input": edge_input, "edge_pass": edge_pass}


def reference(h_router, h_packet, W_p, b_p, W_c, b_c, edge_output, edge_input, edge_pass):
    H = H_DIM
    # 'output': router->channel copy_u(h) sum -> h_in ; 'input_inv': reverse(input) router->channel -> h_out
    h_in = jax.ops.segment_sum(h_router[edge_output[0]], edge_output[1], num_segments=N_CHANNEL)
    h_out = jax.ops.segment_sum(h_router[edge_input[1]], edge_input[0], num_segments=N_CHANNEL)
    h_in = h_in[:, :, None]
    h_out = h_out[:, :, None]
    # packet edge operator e = lin_p(h_packet).reshape(-1, H, H//2)
    e = (h_packet @ W_p + b_p).reshape(-1, H, H // 2)
    # 'pass': packet->channel u_mul_v(e, h_in/h_out) sum -> m_in/m_out on channel
    e_src = e[edge_pass[0]]
    m_in_c = jax.ops.segment_sum(e_src * h_in[edge_pass[1]], edge_pass[1], num_segments=N_CHANNEL)
    m_out_c = jax.ops.segment_sum(e_src * h_out[edge_pass[1]], edge_pass[1], num_segments=N_CHANNEL)
    m_in_c = m_in_c.sum(axis=1)
    m_out_c = m_out_c.sum(axis=1)
    # 'input': channel->router ; 'output_inv': reverse(output) channel->router
    m_in_r = jax.ops.segment_sum(m_in_c[edge_input[0]], edge_input[1], num_segments=N_ROUTER)
    m_out_r = jax.ops.segment_sum(m_out_c[edge_output[1]], edge_output[0], num_segments=N_ROUTER)
    m = jax.nn.relu(jnp.concatenate([m_in_r, m_out_r], axis=1))
    h_router_new = m + h_router
    # channel summary c and 'pass_inv': channel->packet mean -> packet c
    c = jnp.concatenate([h_in, h_out], axis=1)[:, :, 0]
    c_sum = jax.ops.segment_sum(c[edge_pass[1]], edge_pass[0], num_segments=N_PACKET)
    cnt = jax.ops.segment_sum(jnp.ones((edge_pass.shape[1],), jnp.float32), edge_pass[0], num_segments=N_PACKET)
    c_pkt = c_sum / jnp.maximum(cnt, 1.0)[:, None]
    h_packet_new = jax.nn.relu(c_pkt @ W_c + b_c) + h_packet
    return m

if __name__ == "__main__":
    import jax
    _d = setup_inputs()
    print(jax.jit(kernel)(*tuple(_d.values())))

</pallas_src>

<mosaic_0001>
#map = affine_map<(d0, d1) -> (0, 0, 0)>
#map1 = affine_map<(d0, d1) -> (0, 0, 0, 0)>
module attributes {stable_mosaic.version = 14 : i64} {
  func.func @_sc_bin_routers(%arg0: i32, %arg1: i32, %arg2: memref<2x10000x32xf32, #tpu.memory_space<hbm>>, %arg3: memref<2x16x50x125xi32, #tpu.memory_space<hbm>>, %arg4: memref<2x16x50x125xi32, #tpu.memory_space<hbm>>, %arg5: memref<2x10000x32xf32, #tpu.memory_space<hbm>>, %arg6: memref<10000x32xf32, #tpu.memory_space<vmem_shared>>, %arg7: memref<50x125xi32, #tpu.memory_space<vmem>>, %arg8: memref<50x125xi32, #tpu.memory_space<vmem>>, %arg9: memref<125x32xf32, #tpu.memory_space<vmem>>, %arg10: memref<125x32xf32, #tpu.memory_space<vmem>>, %arg11: memref<!tpu.dma_semaphore, #tpu.memory_space<semaphore_mem>>, %arg12: memref<!tpu.dma_semaphore, #tpu.memory_space<semaphore_mem>>) attributes {dimension_semantics = [#tpu.dimension_semantics<core_parallel>, #tpu.dimension_semantics<subcore_parallel>], iteration_bounds = array<i64: 2, 16>, scalar_prefetch = 0 : i64, scratch_operands = 7 : i64, tpu.core_type = #tpu.core_type<sc_vector_subcore>, window_params = [{transform_indices = #map}, {transform_indices = #map1}, {transform_indices = #map1}, {transform_indices = #map}]} {
    %broadcast_in_dim3A = arith.constant 0.000000e+00 : f32
    %broadcast_in_dim3A_0 = vector.broadcast %broadcast_in_dim3A : f32 to vector<16xf32>
    %scan3A = arith.constant 0 : i32
    %scan3A_1 = arith.constant 0 : i32
    %scan3A_2 = arith.constant 125 : i32
    %scan3A_3 = arith.addi %scan3A_1, %scan3A_2 : i32
    %scan3A_4 = arith.constant 1 : i32
    scf.for %scan3A_69 = %scan3A_1 to %scan3A_3 step %scan3A_4  : i32 {
      %swap3A = arith.index_cast %scan3A_69 : i32 to index
      %swap3A_70 = arith.constant 0 : index
      %swap3A_71 = tpu.vector_load %arg9[%swap3A, %swap3A_70] {strides = array<i32>} : memref<125x32xf32, #tpu.memory_space<vmem>>, vector<1x16xf32>,
      %swap3A_72 = vector.shape_cast %swap3A_71 : vector<1x16xf32> to vector<16xf32>
      %swap3A_73 = vector.shape_cast %broadcast_in_dim3A_0 : vector<16xf32> to vector<1x16xf32>
      tpu.vector_store %arg9[%swap3A, %swap3A_70], %swap3A_73 {strides = array<i32>} : memref<125x32xf32, #tpu.memory_space<vmem>>, vector<1x16xf32>,
      %swap3A_74 = arith.index_cast %scan3A_69 : i32 to index
      %swap3A_75 = arith.constant 16 : index
      %swap3A_76 = tpu.vector_load %arg9[%swap3A_74, %swap3A_75] {strides = array<i32>} : memref<125x32xf32, #tpu.memory_space<vmem>>, vector<1x16xf32>,
      %swap3A_77 = vector.shape_cast %swap3A_76 : vector<1x16xf32> to vector<16xf32>
      %swap3A_78 = vector.shape_cast %broadcast_in_dim3A_0 : vector<16xf32> to vector<1x16xf32>
      tpu.vector_store %arg9[%swap3A_74, %swap3A_75], %swap3A_78 {strides = array<i32>} : memref<125x32xf32, #tpu.memory_space<vmem>>, vector<1x16xf32>,
    }
    %scan3A_5 = arith.constant 125 : i32
    %mul3A = arith.constant 625 : i32
    %mul3A_6 = arith.muli %arg1, %mul3A : i32
    %add3A = arith.constant 0 : i32
    %add3A_7 = arith.addi %mul3A_6, %add3A : i32
    "tpu.region"() ({
      %run_scoped3A = tpu.sem_alloc : memref<!tpu.dma_semaphore, #tpu.memory_space<semaphore_mem>>
      %dma_start3A_69 = arith.constant 0 : i32
      %dma_start3A_70 = tpu.memref_slice %arg6[%add3A_7, %dma_start3A_69] : memref<10000x32xf32, #tpu.memory_space<vmem_shared>> -> memref<125x32xf32, #tpu.memory_space<vmem_shared>>
      %dma_start3A_71 = arith.constant 0 : i32
      %dma_start3A_72 = tpu.memref_slice %arg6[%add3A_7, %dma_start3A_71] : memref<10000x32xf32, #tpu.memory_space<vmem_shared>> -> memref<125x32xf32, #tpu.memory_space<vmem_shared>>
      tpu.enqueue_dma source(%arg9 : memref<125x32xf32, #tpu.memory_space<vmem>>) target(%dma_start3A_72 : memref<125x32xf32, #tpu.memory_space<vmem_shared>>) target_semaphore(%run_scoped3A : memref<!tpu.dma_semaphore, #tpu.memory_space<semaphore_mem>>)
      %dma_wait3A_73 = arith.constant 0 : i32
      %dma_wait3A_74 = tpu.memref_slice %arg6[%add3A_7, %dma_wait3A_73] : memref<10000x32xf32, #tpu.memory_space<vmem_shared>> -> memref<125x32xf32, #tpu.memory_space<vmem_shared>>
      %dma_wait3A_75 = arith.constant 0 : i32
      %dma_wait3A_76 = tpu.memref_slice %arg6[%add3A_7, %dma_wait3A_75] : memref<10000x32xf32, #tpu.memory_space<vmem_shared>> -> memref<125x32xf32, #tpu.memory_space<vmem_shared>>
      tpu.wait_dma2 semaphore(%run_scoped3A : memref<!tpu.dma_semaphore, #tpu.memory_space<semaphore_mem>>) src(%arg9 : memref<125x32xf32, #tpu.memory_space<vmem>>) dst(%dma_wait3A_76 : memref<125x32xf32, #tpu.memory_space<vmem_shared>>)
      tpu.yield
    }) : () -> ()
    %mul3A_8 = arith.constant 625 : i32
    %mul3A_9 = arith.muli %arg1, %mul3A_8 : i32
    %add3A_10 = arith.constant 125 : i32
    %add3A_11 = arith.addi %mul3A_9, %add3A_10 : i32
    "tpu.region"() ({
      %run_scoped3A = tpu.sem_alloc : memref<!tpu.dma_semaphore, #tpu.memory_space<semaphore_mem>>
      %dma_start3A_69 = arith.constant 0 : i32
      %dma_start3A_70 = tpu.memref_slice %arg6[%add3A_11, %dma_start3A_69] : memref<10000x32xf32, #tpu.memory_space<vmem_shared>> -> memref<125x32xf32, #tpu.memory_space<vmem_shared>>
      %dma_start3A_71 = arith.constant 0 : i32
      %dma_start3A_72 = tpu.memref_slice %arg6[%add3A_11, %dma_start3A_71] : memref<10000x32xf32, #tpu.memory_space<vmem_shared>> -> memref<125x32xf32, #tpu.memory_space<vmem_shared>>
      tpu.enqueue_dma source(%arg9 : memref<125x32xf32, #tpu.memory_space<vmem>>) target(%dma_start3A_72 : memref<125x32xf32, #tpu.memory_space<vmem_shared>>) target_semaphore(%run_scoped3A : memref<!tpu.dma_semaphore, #tpu.memory_space<semaphore_mem>>)
      %dma_wait3A_73 = arith.constant 0 : i32
      %dma_wait3A_74 = tpu.memref_slice %arg6[%add3A_11, %dma_wait3A_73] : memref<10000x32xf32, #tpu.memory_space<vmem_shared>> -> memref<125x32xf32, #tpu.memory_space<vmem_shared>>
      %dma_wait3A_75 = arith.constant 0 : i32
      %dma_wait3A_76 = tpu.memref_slice %arg6[%add3A_11, %dma_wait3A_75] : memref<10000x32xf32, #tpu.memory_space<vmem_shared>> -> memref<125x32xf32, #tpu.memory_space<vmem_shared>>
      tpu.wait_dma2 semaphore(%run_scoped3A : memref<!tpu.dma_semaphore, #tpu.memory_space<semaphore_mem>>) src(%arg9 : memref<125x32xf32, #tpu.memory_space<vmem>>) dst(%dma_wait3A_76 : memref<125x32xf32, #tpu.memory_space<vmem_shared>>)
      tpu.yield
    }) : () -> ()
    %mul3A_12 = arith.constant 625 : i32
    %mul3A_13 = arith.muli %arg1, %mul3A_12 : i32
    %add3A_14 = arith.constant 250 : i32
    %add3A_15 = arith.addi %mul3A_13, %add3A_14 : i32
    "tpu.region"() ({
      %run_scoped3A = tpu.sem_alloc : memref<!tpu.dma_semaphore, #tpu.memory_space<semaphore_mem>>
      %dma_start3A_69 = arith.constant 0 : i32
      %dma_start3A_70 = tpu.memref_slice %arg6[%add3A_15, %dma_start3A_69] : memref<10000x32xf32, #tpu.memory_space<vmem_shared>> -> memref<125x32xf32, #tpu.memory_space<vmem_shared>>
      %dma_start3A_71 = arith.constant 0 : i32
      %dma_start3A_72 = tpu.memref_slice %arg6[%add3A_15, %dma_start3A_71] : memref<10000x32xf32, #tpu.memory_space<vmem_shared>> -> memref<125x32xf32, #tpu.memory_space<vmem_shared>>
      tpu.enqueue_dma source(%arg9 : memref<125x32xf32, #tpu.memory_space<vmem>>) target(%dma_start3A_72 : memref<125x32xf32, #tpu.memory_space<vmem_shared>>) target_semaphore(%run_scoped3A : memref<!tpu.dma_semaphore, #tpu.memory_space<semaphore_mem>>)
      %dma_wait3A_73 = arith.constant 0 : i32
      %dma_wait3A_74 = tpu.memref_slice %arg6[%add3A_15, %dma_wait3A_73] : memref<10000x32xf32, #tpu.memory_space<vmem_shared>> -> memref<125x32xf32, #tpu.memory_space<vmem_shared>>
      %dma_wait3A_75 = arith.constant 0 : i32
      %dma_wait3A_76 = tpu.memref_slice %arg6[%add3A_15, %dma_wait3A_75] : memref<10000x32xf32, #tpu.memory_space<vmem_shared>> -> memref<125x32xf32, #tpu.memory_space<vmem_shared>>
      tpu.wait_dma2 semaphore(%run_scoped3A : memref<!tpu.dma_semaphore, #tpu.memory_space<semaphore_mem>>) src(%arg9 : memref<125x32xf32, #tpu.memory_space<vmem>>) dst(%dma_wait3A_76 : memref<125x32xf32, #tpu.memory_space<vmem_shared>>)
      tpu.yield
    }) : () -> ()
    %mul3A_16 = arith.constant 625 : i32
    %mul3A_17 = arith.muli %arg1, %mul3A_16 : i32
    %add3A_18 = arith.constant 375 : i32
    %add3A_19 = arith.addi %mul3A_17, %add3A_18 : i32
    "tpu.region"() ({
      %run_scoped3A = tpu.sem_alloc : memref<!tpu.dma_semaphore, #tpu.memory_space<semaphore_mem>>
      %dma_start3A_69 = arith.constant 0 : i32
      %dma_start3A_70 = tpu.memref_slice %arg6[%add3A_19, %dma_start3A_69] : memref<10000x32xf32, #tpu.memory_space<vmem_shared>> -> memref<125x32xf32, #tpu.memory_space<vmem_shared>>
      %dma_start3A_71 = arith.constant 0 : i32
      %dma_start3A_72 = tpu.memref_slice %arg6[%add3A_19, %dma_start3A_71] : memref<10000x32xf32, #tpu.memory_space<vmem_shared>> -> memref<125x32xf32, #tpu.memory_space<vmem_shared>>
      tpu.enqueue_dma source(%arg9 : memref<125x32xf32, #tpu.memory_space<vmem>>) target(%dma_start3A_72 : memref<125x32xf32, #tpu.memory_space<vmem_shared>>) target_semaphore(%run_scoped3A : memref<!tpu.dma_semaphore, #tpu.memory_space<semaphore_mem>>)
      %dma_wait3A_73 = arith.constant 0 : i32
      %dma_wait3A_74 = tpu.memref_slice %arg6[%add3A_19, %dma_wait3A_73] : memref<10000x32xf32, #tpu.memory_space<vmem_shared>> -> memref<125x32xf32, #tpu.memory_space<vmem_shared>>
      %dma_wait3A_75 = arith.constant 0 : i32
      %dma_wait3A_76 = tpu.memref_slice %arg6[%add3A_19, %dma_wait3A_75] : memref<10000x32xf32, #tpu.memory_space<vmem_shared>> -> memref<125x32xf32, #tpu.memory_space<vmem_shared>>
      tpu.wait_dma2 semaphore(%run_scoped3A : memref<!tpu.dma_semaphore, #tpu.memory_space<semaphore_mem>>) src(%arg9 : memref<125x32xf32, #tpu.memory_space<vmem>>) dst(%dma_wait3A_76 : memref<125x32xf32, #tpu.memory_space<vmem_shared>>)
      tpu.yield
    }) : () -> ()
    %mul3A_20 = arith.constant 625 : i32
    %mul3A_21 = arith.muli %arg1, %mul3A_20 : i32
    %add3A_22 = arith.constant 500 : i32
    %add3A_23 = arith.addi %mul3A_21, %add3A_22 : i32
    "tpu.region"() ({
      %run_scoped3A = tpu.sem_alloc : memref<!tpu.dma_semaphore, #tpu.memory_space<semaphore_mem>>
      %dma_start3A_69 = arith.constant 0 : i32
      %dma_start3A_70 = tpu.memref_slice %arg6[%add3A_23, %dma_start3A_69] : memref<10000x32xf32, #tpu.memory_space<vmem_shared>> -> memref<125x32xf32, #tpu.memory_space<vmem_shared>>
      %dma_start3A_71 = arith.constant 0 : i32
      %dma_start3A_72 = tpu.memref_slice %arg6[%add3A_23, %dma_start3A_71] : memref<10000x32xf32, #tpu.memory_space<vmem_shared>> -> memref<125x32xf32, #tpu.memory_space<vmem_shared>>
      tpu.enqueue_dma source(%arg9 : memref<125x32xf32, #tpu.memory_space<vmem>>) target(%dma_start3A_72 : memref<125x32xf32, #tpu.memory_space<vmem_shared>>) target_semaphore(%run_scoped3A : memref<!tpu.dma_semaphore, #tpu.memory_space<semaphore_mem>>)
      %dma_wait3A_73 = arith.constant 0 : i32
      %dma_wait3A_74 = tpu.memref_slice %arg6[%add3A_23, %dma_wait3A_73] : memref<10000x32xf32, #tpu.memory_space<vmem_shared>> -> memref<125x32xf32, #tpu.memory_space<vmem_shared>>
      %dma_wait3A_75 = arith.constant 0 : i32
      %dma_wait3A_76 = tpu.memref_slice %arg6[%add3A_23, %dma_wait3A_75] : memref<10000x32xf32, #tpu.memory_space<vmem_shared>> -> memref<125x32xf32, #tpu.memory_space<vmem_shared>>
      tpu.wait_dma2 semaphore(%run_scoped3A : memref<!tpu.dma_semaphore, #tpu.memory_space<semaphore_mem>>) src(%arg9 : memref<125x32xf32, #tpu.memory_space<vmem>>) dst(%dma_wait3A_76 : memref<125x32xf32, #tpu.memory_space<vmem_shared>>)
      tpu.yield
    }) : () -> ()
    %eq3A = arith.constant 0 : i32
    %eq3A_24 = arith.cmpi eq, %arg0, %eq3A : i32
    %convert_element_type3A = arith.extui %eq3A_24 : i1 to i32
    %cond3A = arith.constant 0 : i32
    %cond3A_25 = arith.cmpi ne, %convert_element_type3A, %cond3A : i32
    scf.if %cond3A_25 {
      %run_scoped3A = arith.constant 0 : i32
      "tpu.region"() ({
        %run_scoped3A_70 = tpu.sem_alloc : memref<!tpu.dma_semaphore, #tpu.memory_space<semaphore_mem>>
        %dma_start3A_71 = arith.constant 0 : i32
        %dma_start3A_72 = arith.constant 0 : i32
        %dma_start3A_73 = tpu.memref_slice %arg4[%run_scoped3A, %arg1, %dma_start3A_71, %dma_start3A_72] : memref<2x16x50x125xi32, #tpu.memory_space<hbm>> -> memref<1x1x50x125xi32, #tpu.memory_space<hbm>>
        %dma_start3A_74 = tpu.memref_squeeze %dma_start3A_73 : memref<1x1x50x125xi32, #tpu.memory_space<hbm>> -> memref<50x125xi32, #tpu.memory_space<hbm>>
        %dma_start3A_75 = arith.constant 0 : i32
        %dma_start3A_76 = arith.constant 0 : i32
        %dma_start3A_77 = tpu.memref_slice %arg4[%run_scoped3A, %arg1, %dma_start3A_75, %dma_start3A_76] : memref<2x16x50x125xi32, #tpu.memory_space<hbm>> -> memref<1x1x50x125xi32, #tpu.memory_space<hbm>>
        %dma_start3A_78 = tpu.memref_squeeze %dma_start3A_77 : memref<1x1x50x125xi32, #tpu.memory_space<hbm>> -> memref<50x125xi32, #tpu.memory_space<hbm>>
        tpu.enqueue_dma source(%dma_start3A_78 : memref<50x125xi32, #tpu.memory_space<hbm>>) target(%arg7 : memref<50x125xi32, #tpu.memory_space<vmem>>) target_semaphore(%run_scoped3A_70 : memref<!tpu.dma_semaphore, #tpu.memory_space<semaphore_mem>>)
        %dma_wait3A_79 = arith.constant 0 : i32
        %dma_wait3A_80 = arith.constant 0 : i32
        %dma_wait3A_81 = tpu.memref_slice %arg4[%run_scoped3A, %arg1, %dma_wait3A_79, %dma_wait3A_80] : memref<2x16x50x125xi32, #tpu.memory_space<hbm>> -> memref<1x1x50x125xi32, #tpu.memory_space<hbm>>
        %dma_wait3A_82 = tpu.memref_squeeze %dma_wait3A_81 : memref<1x1x50x125xi32, #tpu.memory_space<hbm>> -> memref<50x125xi32, #tpu.memory_space<hbm>>
        %dma_wait3A_83 = arith.constant 0 : i32
        %dma_wait3A_84 = arith.constant 0 : i32
        %dma_wait3A_85 = tpu.memref_slice %arg4[%run_scoped3A, %arg1, %dma_wait3A_83, %dma_wait3A_84] : memref<2x16x50x125xi32, #tpu.memory_space<hbm>> -> memref<1x1x50x125xi32, #tpu.memory_space<hbm>>
        %dma_wait3A_86 = tpu.memref_squeeze %dma_wait3A_85 : memref<1x1x50x125xi32, #tpu.memory_space<hbm>> -> memref<50x125xi32, #tpu.memory_space<hbm>>
        tpu.wait_dma2 semaphore(%run_scoped3A_70 : memref<!tpu.dma_semaphore, #tpu.memory_space<semaphore_mem>>) src(%dma_wait3A_86 : memref<50x125xi32, #tpu.memory_space<hbm>>) dst(%arg7 : memref<50x125xi32, #tpu.memory_space<vmem>>)
        tpu.yield
      }) : () -> ()
      %run_scoped3A_69 = arith.constant 1 : i32
      "tpu.region"() ({
        %run_scoped3A_70 = tpu.sem_alloc : memref<!tpu.dma_semaphore, #tpu.memory_space<semaphore_mem>>
        %dma_start3A_71 = arith.constant 0 : i32
        %dma_start3A_72 = arith.constant 0 : i32
        %dma_start3A_73 = tpu.memref_slice %arg4[%run_scoped3A_69, %arg1, %dma_start3A_71, %dma_start3A_72] : memref<2x16x50x125xi32, #tpu.memory_space<hbm>> -> memref<1x1x50x125xi32, #tpu.memory_space<hbm>>
        %dma_start3A_74 = tpu.memref_squeeze %dma_start3A_73 : memref<1x1x50x125xi32, #tpu.memory_space<hbm>> -> memref<50x125xi32, #tpu.memory_space<hbm>>
        %dma_start3A_75 = arith.constant 0 : i32
        %dma_start3A_76 = arith.constant 0 : i32
        %dma_start3A_77 = tpu.memref_slice %arg4[%run_scoped3A_69, %arg1, %dma_start3A_75, %dma_start3A_76] : memref<2x16x50x125xi32, #tpu.memory_space<hbm>> -> memref<1x1x50x125xi32, #tpu.memory_space<hbm>>
        %dma_start3A_78 = tpu.memref_squeeze %dma_start3A_77 : memref<1x1x50x125xi32, #tpu.memory_space<hbm>> -> memref<50x125xi32, #tpu.memory_space<hbm>>
        tpu.enqueue_dma source(%dma_start3A_78 : memref<50x125xi32, #tpu.memory_space<hbm>>) target(%arg8 : memref<50x125xi32, #tpu.memory_space<vmem>>) target_semaphore(%run_scoped3A_70 : memref<!tpu.dma_semaphore, #tpu.memory_space<semaphore_mem>>)
        %dma_wait3A_79 = arith.constant 0 : i32
        %dma_wait3A_80 = arith.constant 0 : i32
        %dma_wait3A_81 = tpu.memref_slice %arg4[%run_scoped3A_69, %arg1, %dma_wait3A_79, %dma_wait3A_80] : memref<2x16x50x125xi32, #tpu.memory_space<hbm>> -> memref<1x1x50x125xi32, #tpu.memory_space<hbm>>
        %dma_wait3A_82 = tpu.memref_squeeze %dma_wait3A_81 : memref<1x1x50x125xi32, #tpu.memory_space<hbm>> -> memref<50x125xi32, #tpu.memory_space<hbm>>
        %dma_wait3A_83 = arith.constant 0 : i32
        %dma_wait3A_84 = arith.constant 0 : i32
        %dma_wait3A_85 = tpu.memref_slice %arg4[%run_scoped3A_69, %arg1, %dma_wait3A_83, %dma_wait3A_84] : memref<2x16x50x125xi32, #tpu.memory_space<hbm>> -> memref<1x1x50x125xi32, #tpu.memory_space<hbm>>
        %dma_wait3A_86 = tpu.memref_squeeze %dma_wait3A_85 : memref<1x1x50x125xi32, #tpu.memory_space<hbm>> -> memref<50x125xi32, #tpu.memory_space<hbm>>
        tpu.wait_dma2 semaphore(%run_scoped3A_70 : memref<!tpu.dma_semaphore, #tpu.memory_space<semaphore_mem>>) src(%dma_wait3A_86 : memref<50x125xi32, #tpu.memory_space<hbm>>) dst(%arg8 : memref<50x125xi32, #tpu.memory_space<vmem>>)
        tpu.yield
      }) : () -> ()
    } else {
    }
    %eq3A_26 = arith.constant 1 : i32
    %eq3A_27 = arith.cmpi eq, %arg0, %eq3A_26 : i32
    %convert_element_type3A_28 = arith.extui %eq3A_27 : i1 to i32
    %cond3A_29 = arith.constant 0 : i32
    %cond3A_30 = arith.cmpi ne, %convert_element_type3A_28, %cond3A_29 : i32
    scf.if %cond3A_30 {
      %run_scoped3A = arith.constant 1 : i32
      "tpu.region"() ({
        %run_scoped3A_70 = tpu.sem_alloc : memref<!tpu.dma_semaphore, #tpu.memory_space<semaphore_mem>>
        %dma_start3A_71 = arith.constant 0 : i32
        %dma_start3A_72 = arith.constant 0 : i32
        %dma_start3A_73 = tpu.memref_slice %arg3[%run_scoped3A, %arg1, %dma_start3A_71, %dma_start3A_72] : memref<2x16x50x125xi32, #tpu.memory_space<hbm>> -> memref<1x1x50x125xi32, #tpu.memory_space<hbm>>
        %dma_start3A_74 = tpu.memref_squeeze %dma_start3A_73 : memref<1x1x50x125xi32, #tpu.memory_space<hbm>> -> memref<50x125xi32, #tpu.memory_space<hbm>>
        %dma_start3A_75 = arith.constant 0 : i32
        %dma_start3A_76 = arith.constant 0 : i32
        %dma_start3A_77 = tpu.memref_slice %arg3[%run_scoped3A, %arg1, %dma_start3A_75, %dma_start3A_76] : memref<2x16x50x125xi32, #tpu.memory_space<hbm>> -> memref<1x1x50x125xi32, #tpu.memory_space<hbm>>
        %dma_start3A_78 = tpu.memref_squeeze %dma_start3A_77 : memref<1x1x50x125xi32, #tpu.memory_space<hbm>> -> memref<50x125xi32, #tpu.memory_space<hbm>>
        tpu.enqueue_dma source(%dma_start3A_78 : memref<50x125xi32, #tpu.memory_space<hbm>>) target(%arg7 : memref<50x125xi32, #tpu.memory_space<vmem>>) target_semaphore(%run_scoped3A_70 : memref<!tpu.dma_semaphore, #tpu.memory_space<semaphore_mem>>)
        %dma_wait3A_79 = arith.constant 0 : i32
        %dma_wait3A_80 = arith.constant 0 : i32
        %dma_wait3A_81 = tpu.memref_slice %arg3[%run_scoped3A, %arg1, %dma_wait3A_79, %dma_wait3A_80] : memref<2x16x50x125xi32, #tpu.memory_space<hbm>> -> memref<1x1x50x125xi32, #tpu.memory_space<hbm>>
        %dma_wait3A_82 = tpu.memref_squeeze %dma_wait3A_81 : memref<1x1x50x125xi32, #tpu.memory_space<hbm>> -> memref<50x125xi32, #tpu.memory_space<hbm>>
        %dma_wait3A_83 = arith.constant 0 : i32
        %dma_wait3A_84 = arith.constant 0 : i32
        %dma_wait3A_85 = tpu.memref_slice %arg3[%run_scoped3A, %arg1, %dma_wait3A_83, %dma_wait3A_84] : memref<2x16x50x125xi32, #tpu.memory_space<hbm>> -> memref<1x1x50x125xi32, #tpu.memory_space<hbm>>
        %dma_wait3A_86 = tpu.memref_squeeze %dma_wait3A_85 : memref<1x1x50x125xi32, #tpu.memory_space<hbm>> -> memref<50x125xi32, #tpu.memory_space<hbm>>
        tpu.wait_dma2 semaphore(%run_scoped3A_70 : memref<!tpu.dma_semaphore, #tpu.memory_space<semaphore_mem>>) src(%dma_wait3A_86 : memref<50x125xi32, #tpu.memory_space<hbm>>) dst(%arg7 : memref<50x125xi32, #tpu.memory_space<vmem>>)
        tpu.yield
      }) : () -> ()
      %run_scoped3A_69 = arith.constant 0 : i32
      "tpu.region"() ({
        %run_scoped3A_70 = tpu.sem_alloc : memref<!tpu.dma_semaphore, #tpu.memory_space<semaphore_mem>>
        %dma_start3A_71 = arith.constant 0 : i32
        %dma_start3A_72 = arith.constant 0 : i32
        %dma_start3A_73 = tpu.memref_slice %arg3[%run_scoped3A_69, %arg1, %dma_start3A_71, %dma_start3A_72] : memref<2x16x50x125xi32, #tpu.memory_space<hbm>> -> memref<1x1x50x125xi32, #tpu.memory_space<hbm>>
        %dma_start3A_74 = tpu.memref_squeeze %dma_start3A_73 : memref<1x1x50x125xi32, #tpu.memory_space<hbm>> -> memref<50x125xi32, #tpu.memory_space<hbm>>
        %dma_start3A_75 = arith.constant 0 : i32
        %dma_start3A_76 = arith.constant 0 : i32
        %dma_start3A_77 = tpu.memref_slice %arg3[%run_scoped3A_69, %arg1, %dma_start3A_75, %dma_start3A_76] : memref<2x16x50x125xi32, #tpu.memory_space<hbm>> -> memref<1x1x50x125xi32, #tpu.memory_space<hbm>>
        %dma_start3A_78 = tpu.memref_squeeze %dma_start3A_77 : memref<1x1x50x125xi32, #tpu.memory_space<hbm>> -> memref<50x125xi32, #tpu.memory_space<hbm>>
        tpu.enqueue_dma source(%dma_start3A_78 : memref<50x125xi32, #tpu.memory_space<hbm>>) target(%arg8 : memref<50x125xi32, #tpu.memory_space<vmem>>) target_semaphore(%run_scoped3A_70 : memref<!tpu.dma_semaphore, #tpu.memory_space<semaphore_mem>>)
        %dma_wait3A_79 = arith.constant 0 : i32
        %dma_wait3A_80 = arith.constant 0 : i32
        %dma_wait3A_81 = tpu.memref_slice %arg3[%run_scoped3A_69, %arg1, %dma_wait3A_79, %dma_wait3A_80] : memref<2x16x50x125xi32, #tpu.memory_space<hbm>> -> memref<1x1x50x125xi32, #tpu.memory_space<hbm>>
        %dma_wait3A_82 = tpu.memref_squeeze %dma_wait3A_81 : memref<1x1x50x125xi32, #tpu.memory_space<hbm>> -> memref<50x125xi32, #tpu.memory_space<hbm>>
        %dma_wait3A_83 = arith.constant 0 : i32
        %dma_wait3A_84 = arith.constant 0 : i32
        %dma_wait3A_85 = tpu.memref_slice %arg3[%run_scoped3A_69, %arg1, %dma_wait3A_83, %dma_wait3A_84] : memref<2x16x50x125xi32, #tpu.memory_space<hbm>> -> memref<1x1x50x125xi32, #tpu.memory_space<hbm>>
        %dma_wait3A_86 = tpu.memref_squeeze %dma_wait3A_85 : memref<1x1x50x125xi32, #tpu.memory_space<hbm>> -> memref<50x125xi32, #tpu.memory_space<hbm>>
        tpu.wait_dma2 semaphore(%run_scoped3A_70 : memref<!tpu.dma_semaphore, #tpu.memory_space<semaphore_mem>>) src(%dma_wait3A_86 : memref<50x125xi32, #tpu.memory_space<hbm>>) dst(%arg8 : memref<50x125xi32, #tpu.memory_space<vmem>>)
        tpu.yield
      }) : () -> ()
    } else {
    }
    %barrier3A = arith.constant 0 : index
    tpu.barrier barrier_id(%barrier3A)
    %dma_start3A = arith.constant 0 : i32
    %dma_start3A_31 = arith.constant 0 : i32
    %dma_start3A_32 = tpu.memref_slice %arg7[%dma_start3A, %dma_start3A_31] : memref<50x125xi32, #tpu.memory_space<vmem>> -> memref<1x125xi32, #tpu.memory_space<vmem>>
    %dma_start3A_33 = tpu.memref_squeeze %dma_start3A_32 : memref<1x125xi32, #tpu.memory_space<vmem>> -> memref<125xi32, #tpu.memory_space<vmem>>
    %dma_start3A_34 = arith.constant 0 : i32
    %dma_start3A_35 = arith.constant 0 : i32
    %dma_start3A_36 = tpu.memref_slice %arg2[%arg0, %dma_start3A_34, %dma_start3A_35] : memref<2x10000x32xf32, #tpu.memory_space<hbm>> -> memref<1x10000x32xf32, #tpu.memory_space<hbm>>
    %dma_start3A_37 = tpu.memref_squeeze %dma_start3A_36 : memref<1x10000x32xf32, #tpu.memory_space<hbm>> -> memref<10000x32xf32, #tpu.memory_space<hbm>>
    %dma_start3A_38 = arith.constant 0 : i32
    %dma_start3A_39 = arith.constant 0 : i32
    %dma_start3A_40 = tpu.memref_slice %dma_start3A_37[%dma_start3A_38, %dma_start3A_39] : memref<10000x32xf32, #tpu.memory_space<hbm>> -> memref<10000x32xf32, #tpu.memory_space<hbm>>
    tpu.enqueue_indirect_dma source(%dma_start3A_40 : memref<10000x32xf32, #tpu.memory_space<hbm>>) target(%arg9 : memref<125x32xf32, #tpu.memory_space<vmem>>) offsets(%dma_start3A_33 : memref<125xi32, #tpu.memory_space<vmem>>) semaphore(%arg11 : memref<!tpu.dma_semaphore, #tpu.memory_space<semaphore_mem>>)
    %scan3A_41 = arith.constant 0 : i32
    %scan3A_42 = arith.constant 0 : i32
    %scan3A_43 = arith.constant 25 : i32
    %scan3A_44 = arith.addi %scan3A_42, %scan3A_43 : i32
    %scan3A_45 = arith.constant 1 : i32
    scf.for %scan3A_69 = %scan3A_42 to %scan3A_44 step %scan3A_45  : i32 {
      %mul3A_70 = arith.constant 2 : i32
      %mul3A_71 = arith.muli %mul3A_70, %scan3A_69 : i32
      %add3A_72 = arith.constant 1 : i32
      %add3A_73 = arith.addi %mul3A_71, %add3A_72 : i32
      %dma_wait3A_74 = arith.constant 0 : i32
      %dma_wait3A_75 = arith.constant 0 : i32
      %dma_wait3A_76 = tpu.memref_slice %arg7[%dma_wait3A_74, %dma_wait3A_75] : memref<50x125xi32, #tpu.memory_space<vmem>> -> memref<1x125xi32, #tpu.memory_space<vmem>>
      %dma_wait3A_77 = tpu.memref_squeeze %dma_wait3A_76 : memref<1x125xi32, #tpu.memory_space<vmem>> -> memref<125xi32, #tpu.memory_space<vmem>>
      %dma_wait3A_78 = arith.constant 0 : i32
      %dma_wait3A_79 = arith.constant 0 : i32
      %dma_wait3A_80 = tpu.memref_slice %arg2[%arg0, %dma_wait3A_78, %dma_wait3A_79] : memref<2x10000x32xf32, #tpu.memory_space<hbm>> -> memref<1x10000x32xf32, #tpu.memory_space<hbm>>
      %dma_wait3A_81 = tpu.memref_squeeze %dma_wait3A_80 : memref<1x10000x32xf32, #tpu.memory_space<hbm>> -> memref<10000x32xf32, #tpu.memory_space<hbm>>
      %dma_wait3A_82 = arith.constant 0 : i32
      %dma_wait3A_83 = arith.constant 0 : i32
      %dma_wait3A_84 = tpu.memref_slice %dma_wait3A_81[%dma_wait3A_82, %dma_wait3A_83] : memref<10000x32xf32, #tpu.memory_space<hbm>> -> memref<10000x32xf32, #tpu.memory_space<hbm>>
      tpu.wait_indirect_dma semaphore(%arg11 : memref<!tpu.dma_semaphore, #tpu.memory_space<semaphore_mem>>) src(%dma_wait3A_84 : memref<10000x32xf32, #tpu.memory_space<hbm>>) dst(%arg9 : memref<125x32xf32, #tpu.memory_space<vmem>>)
      %dma_start3A_85 = arith.constant 0 : i32
      %dma_start3A_86 = tpu.memref_slice %arg7[%add3A_73, %dma_start3A_85] : memref<50x125xi32, #tpu.memory_space<vmem>> -> memref<1x125xi32, #tpu.memory_space<vmem>>
      %dma_start3A_87 = tpu.memref_squeeze %dma_start3A_86 : memref<1x125xi32, #tpu.memory_space<vmem>> -> memref<125xi32, #tpu.memory_space<vmem>>
      %dma_start3A_88 = arith.constant 0 : i32
      %dma_start3A_89 = arith.constant 0 : i32
      %dma_start3A_90 = tpu.memref_slice %arg2[%arg0, %dma_start3A_88, %dma_start3A_89] : memref<2x10000x32xf32, #tpu.memory_space<hbm>> -> memref<1x10000x32xf32, #tpu.memory_space<hbm>>
      %dma_start3A_91 = tpu.memref_squeeze %dma_start3A_90 : memref<1x10000x32xf32, #tpu.memory_space<hbm>> -> memref<10000x32xf32, #tpu.memory_space<hbm>>
      %dma_start3A_92 = arith.constant 0 : i32
      %dma_start3A_93 = arith.constant 0 : i32
      %dma_start3A_94 = tpu.memref_slice %dma_start3A_91[%dma_start3A_92, %dma_start3A_93] : memref<10000x32xf32, #tpu.memory_space<hbm>> -> memref<10000x32xf32, #tpu.memory_space<hbm>>
      tpu.enqueue_indirect_dma source(%dma_start3A_94 : memref<10000x32xf32, #tpu.memory_space<hbm>>) target(%arg10 : memref<125x32xf32, #tpu.memory_space<vmem>>) offsets(%dma_start3A_87 : memref<125xi32, #tpu.memory_space<vmem>>) semaphore(%arg12 : memref<!tpu.dma_semaphore, #tpu.memory_space<semaphore_mem>>)
      "tpu.region"() ({
        %run_scoped3A = tpu.sem_alloc : memref<!tpu.dma_semaphore, #tpu.memory_space<semaphore_mem>>
        %dma_start3A_119 = arith.constant 0 : i32
        %dma_start3A_120 = tpu.memref_slice %arg8[%mul3A_71, %dma_start3A_119] : memref<50x125xi32, #tpu.memory_space<vmem>> -> memref<1x125xi32, #tpu.memory_space<vmem>>
        %dma_start3A_121 = tpu.memref_squeeze %dma_start3A_120 : memref<1x125xi32, #tpu.memory_space<vmem>> -> memref<125xi32, #tpu.memory_space<vmem>>
        %dma_start3A_122 = arith.constant 0 : i32
        %dma_start3A_123 = arith.constant 0 : i32
        %dma_start3A_124 = tpu.memref_slice %arg6[%dma_start3A_122, %dma_start3A_123] : memref<10000x32xf32, #tpu.memory_space<vmem_shared>> -> memref<10000x32xf32, #tpu.memory_space<vmem_shared>>
        tpu.enqueue_indirect_dma source(%arg9 : memref<125x32xf32, #tpu.memory_space<vmem>>) target(%dma_start3A_124 : memref<10000x32xf32, #tpu.memory_space<vmem_shared>>) offsets(%dma_start3A_121 : memref<125xi32, #tpu.memory_space<vmem>>) semaphore(%run_scoped3A : memref<!tpu.dma_semaphore, #tpu.memory_space<semaphore_mem>>) {add = true}
        %dma_wait3A_125 = arith.constant 0 : i32
        %dma_wait3A_126 = tpu.memref_slice %arg8[%mul3A_71, %dma_wait3A_125] : memref<50x125xi32, #tpu.memory_space<vmem>> -> memref<1x125xi32, #tpu.memory_space<vmem>>
        %dma_wait3A_127 = tpu.memref_squeeze %dma_wait3A_126 : memref<1x125xi32, #tpu.memory_space<vmem>> -> memref<125xi32, #tpu.memory_space<vmem>>
        %dma_wait3A_128 = arith.constant 0 : i32
        %dma_wait3A_129 = arith.constant 0 : i32
        %dma_wait3A_130 = tpu.memref_slice %arg6[%dma_wait3A_128, %dma_wait3A_129] : memref<10000x32xf32, #tpu.memory_space<vmem_shared>> -> memref<10000x32xf32, #tpu.memory_space<vmem_shared>>
        tpu.wait_indirect_dma semaphore(%run_scoped3A : memref<!tpu.dma_semaphore, #tpu.memory_space<semaphore_mem>>) src(%arg9 : memref<125x32xf32, #tpu.memory_space<vmem>>) dst(%dma_wait3A_130 : memref<10000x32xf32, #tpu.memory_space<vmem_shared>>)
        tpu.yield
      }) : () -> ()
      %dma_wait3A_95 = arith.constant 0 : i32
      %dma_wait3A_96 = arith.constant 0 : i32
      %dma_wait3A_97 = tpu.memref_slice %arg7[%dma_wait3A_95, %dma_wait3A_96] : memref<50x125xi32, #tpu.memory_space<vmem>> -> memref<1x125xi32, #tpu.memory_space<vmem>>
      %dma_wait3A_98 = tpu.memref_squeeze %dma_wait3A_97 : memref<1x125xi32, #tpu.memory_space<vmem>> -> memref<125xi32, #tpu.memory_space<vmem>>
      %dma_wait3A_99 = arith.constant 0 : i32
      %dma_wait3A_100 = arith.constant 0 : i32
      %dma_wait3A_101 = tpu.memref_slice %arg2[%arg0, %dma_wait3A_99, %dma_wait3A_100] : memref<2x10000x32xf32, #tpu.memory_space<hbm>> -> memref<1x10000x32xf32, #tpu.memory_space<hbm>>
      %dma_wait3A_102 = tpu.memref_squeeze %dma_wait3A_101 : memref<1x10000x32xf32, #tpu.memory_space<hbm>> -> memref<10000x32xf32, #tpu.memory_space<hbm>>
      %dma_wait3A_103 = arith.constant 0 : i32
      %dma_wait3A_104 = arith.constant 0 : i32
      %dma_wait3A_105 = tpu.memref_slice %dma_wait3A_102[%dma_wait3A_103, %dma_wait3A_104] : memref<10000x32xf32, #tpu.memory_space<hbm>> -> memref<10000x32xf32, #tpu.memory_space<hbm>>
      tpu.wait_indirect_dma semaphore(%arg12 : memref<!tpu.dma_semaphore, #tpu.memory_space<semaphore_mem>>) src(%dma_wait3A_105 : memref<10000x32xf32, #tpu.memory_space<hbm>>) dst(%arg10 : memref<125x32xf32, #tpu.memory_space<vmem>>)
      %add3A_106 = arith.constant 2 : i32
      %add3A_107 = arith.addi %mul3A_71, %add3A_106 : i32
      %min3A = arith.constant 49 : i32
      %min3A_108 = arith.minsi %add3A_107, %min3A : i32
      %dma_start3A_109 = arith.constant 0 : i32
      %dma_start3A_110 = tpu.memref_slice %arg7[%min3A_108, %dma_start3A_109] : memref<50x125xi32, #tpu.memory_space<vmem>> -> memref<1x125xi32, #tpu.memory_space<vmem>>
      %dma_start3A_111 = tpu.memref_squeeze %dma_start3A_110 : memref<1x125xi32, #tpu.memory_space<vmem>> -> memref<125xi32, #tpu.memory_space<vmem>>
      %dma_start3A_112 = arith.constant 0 : i32
      %dma_start3A_113 = arith.constant 0 : i32
      %dma_start3A_114 = tpu.memref_slice %arg2[%arg0, %dma_start3A_112, %dma_start3A_113] : memref<2x10000x32xf32, #tpu.memory_space<hbm>> -> memref<1x10000x32xf32, #tpu.memory_space<hbm>>
      %dma_start3A_115 = tpu.memref_squeeze %dma_start3A_114 : memref<1x10000x32xf32, #tpu.memory_space<hbm>> -> memref<10000x32xf32, #tpu.memory_space<hbm>>
      %dma_start3A_116 = arith.constant 0 : i32
      %dma_start3A_117 = arith.constant 0 : i32
      %dma_start3A_118 = tpu.memref_slice %dma_start3A_115[%dma_start3A_116, %dma_start3A_117] : memref<10000x32xf32, #tpu.memory_space<hbm>> -> memref<10000x32xf32, #tpu.memory_space<hbm>>
      tpu.enqueue_indirect_dma source(%dma_start3A_118 : memref<10000x32xf32, #tpu.memory_space<hbm>>) target(%arg9 : memref<125x32xf32, #tpu.memory_space<vmem>>) offsets(%dma_start3A_111 : memref<125xi32, #tpu.memory_space<vmem>>) semaphore(%arg11 : memref<!tpu.dma_semaphore, #tpu.memory_space<semaphore_mem>>)
      "tpu.region"() ({
        %run_scoped3A = tpu.sem_alloc : memref<!tpu.dma_semaphore, #tpu.memory_space<semaphore_mem>>
        %dma_start3A_119 = arith.constant 0 : i32
        %dma_start3A_120 = tpu.memref_slice %arg8[%add3A_73, %dma_start3A_119] : memref<50x125xi32, #tpu.memory_space<vmem>> -> memref<1x125xi32, #tpu.memory_space<vmem>>
        %dma_start3A_121 = tpu.memref_squeeze %dma_start3A_120 : memref<1x125xi32, #tpu.memory_space<vmem>> -> memref<125xi32, #tpu.memory_space<vmem>>
        %dma_start3A_122 = arith.constant 0 : i32
        %dma_start3A_123 = arith.constant 0 : i32
        %dma_start3A_124 = tpu.memref_slice %arg6[%dma_start3A_122, %dma_start3A_123] : memref<10000x32xf32, #tpu.memory_space<vmem_shared>> -> memref<10000x32xf32, #tpu.memory_space<vmem_shared>>
        tpu.enqueue_indirect_dma source(%arg10 : memref<125x32xf32, #tpu.memory_space<vmem>>) target(%dma_start3A_124 : memref<10000x32xf32, #tpu.memory_space<vmem_shared>>) offsets(%dma_start3A_121 : memref<125xi32, #tpu.memory_space<vmem>>) semaphore(%run_scoped3A : memref<!tpu.dma_semaphore, #tpu.memory_space<semaphore_mem>>) {add = true}
        %dma_wait3A_125 = arith.constant 0 : i32
        %dma_wait3A_126 = tpu.memref_slice %arg8[%add3A_73, %dma_wait3A_125] : memref<50x125xi32, #tpu.memory_space<vmem>> -> memref<1x125xi32, #tpu.memory_space<vmem>>
        %dma_wait3A_127 = tpu.memref_squeeze %dma_wait3A_126 : memref<1x125xi32, #tpu.memory_space<vmem>> -> memref<125xi32, #tpu.memory_space<vmem>>
        %dma_wait3A_128 = arith.constant 0 : i32
        %dma_wait3A_129 = arith.constant 0 : i32
        %dma_wait3A_130 = tpu.memref_slice %arg6[%dma_wait3A_128, %dma_wait3A_129] : memref<10000x32xf32, #tpu.memory_space<vmem_shared>> -> memref<10000x32xf32, #tpu.memory_space<vmem_shared>>
        tpu.wait_indirect_dma semaphore(%run_scoped3A : memref<!tpu.dma_semaphore, #tpu.memory_space<semaphore_mem>>) src(%arg10 : memref<125x32xf32, #tpu.memory_space<vmem>>) dst(%dma_wait3A_130 : memref<10000x32xf32, #tpu.memory_space<vmem_shared>>)
        tpu.yield
      }) : () -> ()
    }
    %scan3A_46 = arith.constant 25 : i32
    %dma_wait3A = arith.constant 0 : i32
    %dma_wait3A_47 = arith.constant 0 : i32
    %dma_wait3A_48 = tpu.memref_slice %arg7[%dma_wait3A, %dma_wait3A_47] : memref<50x125xi32, #tpu.memory_space<vmem>> -> memref<1x125xi32, #tpu.memory_space<vmem>>
    %dma_wait3A_49 = tpu.memref_squeeze %dma_wait3A_48 : memref<1x125xi32, #tpu.memory_space<vmem>> -> memref<125xi32, #tpu.memory_space<vmem>>
    %dma_wait3A_50 = arith.constant 0 : i32
    %dma_wait3A_51 = arith.constant 0 : i32
    %dma_wait3A_52 = tpu.memref_slice %arg2[%arg0, %dma_wait3A_50, %dma_wait3A_51] : memref<2x10000x32xf32, #tpu.memory_space<hbm>> -> memref<1x10000x32xf32, #tpu.memory_space<hbm>>
    %dma_wait3A_53 = tpu.memref_squeeze %dma_wait3A_52 : memref<1x10000x32xf32, #tpu.memory_space<hbm>> -> memref<10000x32xf32, #tpu.memory_space<hbm>>
    %dma_wait3A_54 = arith.constant 0 : i32
    %dma_wait3A_55 = arith.constant 0 : i32
    %dma_wait3A_56 = tpu.memref_slice %dma_wait3A_53[%dma_wait3A_54, %dma_wait3A_55] : memref<10000x32xf32, #tpu.memory_space<hbm>> -> memref<10000x32xf32, #tpu.memory_space<hbm>>
    tpu.wait_indirect_dma semaphore(%arg11 : memref<!tpu.dma_semaphore, #tpu.memory_space<semaphore_mem>>) src(%dma_wait3A_56 : memref<10000x32xf32, #tpu.memory_space<hbm>>) dst(%arg9 : memref<125x32xf32, #tpu.memory_space<vmem>>)
    %barrier3A_57 = arith.constant 0 : index
    tpu.barrier barrier_id(%barrier3A_57)
    %mul3A_58 = arith.constant 624 : i32
    %mul3A_59 = arith.muli %arg1, %mul3A_58 : i32
    %lt3A = arith.constant 15 : i32
    %lt3A_60 = arith.cmpi slt, %arg1, %lt3A : i32
    %convert_element_type3A_61 = arith.extui %lt3A_60 : i1 to i32
    %cond3A_62 = arith.constant 0 : i32
    %cond3A_63 = arith.cmpi ne, %convert_element_type3A_61, %cond3A_62 : i32
    scf.if %cond3A_63 {
      "tpu.region"() ({
        %run_scoped3A = tpu.sem_alloc : memref<!tpu.dma_semaphore, #tpu.memory_space<semaphore_mem>>
        %dma_start3A_69 = arith.constant 0 : i32
        %dma_start3A_70 = tpu.memref_slice %arg5[%arg0, %mul3A_59, %dma_start3A_69] : memref<2x10000x32xf32, #tpu.memory_space<hbm>> -> memref<1x624x32xf32, #tpu.memory_space<hbm>>
        %dma_start3A_71 = tpu.memref_squeeze %dma_start3A_70 : memref<1x624x32xf32, #tpu.memory_space<hbm>> -> memref<624x32xf32, #tpu.memory_space<hbm>>
        %dma_start3A_72 = arith.constant 0 : i32
        %dma_start3A_73 = tpu.memref_slice %arg6[%mul3A_59, %dma_start3A_72] : memref<10000x32xf32, #tpu.memory_space<vmem_shared>> -> memref<624x32xf32, #tpu.memory_space<vmem_shared>>
        tpu.enqueue_dma source(%dma_start3A_73 : memref<624x32xf32, #tpu.memory_space<vmem_shared>>) target(%dma_start3A_71 : memref<624x32xf32, #tpu.memory_space<hbm>>) target_semaphore(%run_scoped3A : memref<!tpu.dma_semaphore, #tpu.memory_space<semaphore_mem>>)
        %dma_wait3A_74 = arith.constant 0 : i32
        %dma_wait3A_75 = tpu.memref_slice %arg5[%arg0, %mul3A_59, %dma_wait3A_74] : memref<2x10000x32xf32, #tpu.memory_space<hbm>> -> memref<1x624x32xf32, #tpu.memory_space<hbm>>
        %dma_wait3A_76 = tpu.memref_squeeze %dma_wait3A_75 : memref<1x624x32xf32, #tpu.memory_space<hbm>> -> memref<624x32xf32, #tpu.memory_space<hbm>>
        %dma_wait3A_77 = arith.constant 0 : i32
        %dma_wait3A_78 = tpu.memref_slice %arg6[%mul3A_59, %dma_wait3A_77] : memref<10000x32xf32, #tpu.memory_space<vmem_shared>> -> memref<624x32xf32, #tpu.memory_space<vmem_shared>>
        tpu.wait_dma2 semaphore(%run_scoped3A : memref<!tpu.dma_semaphore, #tpu.memory_space<semaphore_mem>>) src(%dma_wait3A_78 : memref<624x32xf32, #tpu.memory_space<vmem_shared>>) dst(%dma_wait3A_76 : memref<624x32xf32, #tpu.memory_space<hbm>>)
        tpu.yield
      }) : () -> ()
    } else {
    }
    %eq3A_64 = arith.constant 15 : i32
    %eq3A_65 = arith.cmpi eq, %arg1, %eq3A_64 : i32
    %convert_element_type3A_66 = arith.extui %eq3A_65 : i1 to i32
    %cond3A_67 = arith.constant 0 : i32
    %cond3A_68 = arith.cmpi ne, %convert_element_type3A_66, %cond3A_67 : i32
    scf.if %cond3A_68 {
      "tpu.region"() ({
        %run_scoped3A = tpu.sem_alloc : memref<!tpu.dma_semaphore, #tpu.memory_space<semaphore_mem>>
        %dma_start3A_69 = arith.constant 9360 : i32
        %dma_start3A_70 = arith.constant 0 : i32
        %dma_start3A_71 = tpu.memref_slice %arg5[%arg0, %dma_start3A_69, %dma_start3A_70] : memref<2x10000x32xf32, #tpu.memory_space<hbm>> -> memref<1x640x32xf32, #tpu.memory_space<hbm>>
        %dma_start3A_72 = tpu.memref_squeeze %dma_start3A_71 : memref<1x640x32xf32, #tpu.memory_space<hbm>> -> memref<640x32xf32, #tpu.memory_space<hbm>>
        %dma_start3A_73 = arith.constant 9360 : i32
        %dma_start3A_74 = arith.constant 0 : i32
        %dma_start3A_75 = tpu.memref_slice %arg6[%dma_start3A_73, %dma_start3A_74] : memref<10000x32xf32, #tpu.memory_space<vmem_shared>> -> memref<640x32xf32, #tpu.memory_space<vmem_shared>>
        tpu.enqueue_dma source(%dma_start3A_75 : memref<640x32xf32, #tpu.memory_space<vmem_shared>>) target(%dma_start3A_72 : memref<640x32xf32, #tpu.memory_space<hbm>>) target_semaphore(%run_scoped3A : memref<!tpu.dma_semaphore, #tpu.memory_space<semaphore_mem>>)
        %dma_wait3A_76 = arith.constant 9360 : i32
        %dma_wait3A_77 = arith.constant 0 : i32
        %dma_wait3A_78 = tpu.memref_slice %arg5[%arg0, %dma_wait3A_76, %dma_wait3A_77] : memref<2x10000x32xf32, #tpu.memory_space<hbm>> -> memref<1x640x32xf32, #tpu.memory_space<hbm>>
        %dma_wait3A_79 = tpu.memref_squeeze %dma_wait3A_78 : memref<1x640x32xf32, #tpu.memory_space<hbm>> -> memref<640x32xf32, #tpu.memory_space<hbm>>
        %dma_wait3A_80 = arith.constant 9360 : i32
        %dma_wait3A_81 = arith.constant 0 : i32
        %dma_wait3A_82 = tpu.memref_slice %arg6[%dma_wait3A_80, %dma_wait3A_81] : memref<10000x32xf32, #tpu.memory_space<vmem_shared>> -> memref<640x32xf32, #tpu.memory_space<vmem_shared>>
        tpu.wait_dma2 semaphore(%run_scoped3A : memref<!tpu.dma_semaphore, #tpu.memory_space<semaphore_mem>>) src(%dma_wait3A_82 : memref<640x32xf32, #tpu.memory_space<vmem_shared>>) dst(%dma_wait3A_79 : memref<640x32xf32, #tpu.memory_space<hbm>>)
        tpu.yield
      }) : () -> ()
    } else {
    }
    return
  }
}

#map = affine_map<(d0, d1) -> (0, 0)>
#map1 = affine_map<(d0, d1) -> (0, 0, 0, 0)>
#map2 = affine_map<(d0, d1) -> (0, 0, 0, 0, 0)>
#map3 = affine_map<(d0, d1) -> (0, 0, 0)>
module attributes {stable_mosaic.version = 14 : i64} {
  func.func @_sc_bin_channels(%arg0: i32, %arg1: i32, %arg2: memref<10000x64xf32, #tpu.memory_space<hbm>>, %arg3: memref<10000x64xf32, #tpu.memory_space<hbm>>, %arg4: memref<2x16x50x125xi32, #tpu.memory_space<hbm>>, %arg5: memref<2x16x50x125xi32, #tpu.memory_space<hbm>>, %arg6: memref<2x2x16x5x125xi32, #tpu.memory_space<hbm>>, %arg7: memref<2x10000x64xf32, #tpu.memory_space<hbm>>, %arg8: memref<2x10000x64xf32, #tpu.memory_space<hbm>>, %arg9: memref<2x10000x16xf32, #tpu.memory_space<hbm>>, %arg10: memref<10000x64xf32, #tpu.memory_space<vmem_shared>>, %arg11: memref<10000x64xf32, #tpu.memory_space<vmem_shared>>, %arg12: memref<10000x16xf32, #tpu.memory_space<vmem_shared>>, %arg13: memref<50x125xi32, #tpu.memory_space<vmem>>, %arg14: memref<50x125xi32, #tpu.memory_space<vmem>>, %arg15: memref<5x125xi32, #tpu.memory_space<vmem>>, %arg16: memref<5x125xi32, #tpu.memory_space<vmem>>, %arg17: memref<125x64xf32, #tpu.memory_space<vmem>>, %arg18: memref<125x64xf32, #tpu.memory_space<vmem>>, %arg19: memref<125x16xf32, #tpu.memory_space<vmem>>, %arg20: memref<125x16xf32, #tpu.memory_space<vmem>>, %arg21: memref<!tpu.dma_semaphore, #tpu.memory_space<semaphore_mem>>, %arg22: memref<!tpu.dma_semaphore, #tpu.memory_space<semaphore_mem>>, %arg23: memref<!tpu.dma_semaphore, #tpu.memory_space<semaphore_mem>>) attributes {dimension_semantics = [#tpu.dimension_semantics<core_parallel>, #tpu.dimension_semantics<subcore_parallel>], iteration_bounds = array<i64: 2, 16>, scalar_prefetch = 0 : i64, scratch_operands = 14 : i64, tpu.core_type = #tpu.core_type<sc_vector_subcore>, window_params = [{transform_indices = #map}, {transform_indices = #map}, {transform_indices = #map1}, {transform_indices = #map1}, {transform_indices = #map2}, {transform_indices = #map3}, {transform_indices = #map3}, {transform_indices = #map3}]} {
    %broadcast_in_dim3A = arith.constant 0.000000e+00 : f32
    %broadcast_in_dim3A_0 = vector.broadcast %broadcast_in_dim3A : f32 to vector<16xf32>
    %scan3A = arith.constant 0 : i32
    %scan3A_1 = arith.constant 0 : i32
    %scan3A_2 = arith.constant 125 : i32
    %scan3A_3 = arith.addi %scan3A_1, %scan3A_2 : i32
    %scan3A_4 = arith.constant 1 : i32
    scf.for %scan3A_207 = %scan3A_1 to %scan3A_3 step %scan3A_4  : i32 {
      %swap3A = arith.index_cast %scan3A_207 : i32 to index
      %swap3A_208 = arith.constant 0 : index
      %swap3A_209 = tpu.vector_load %arg17[%swap3A, %swap3A_208] {strides = array<i32>} : memref<125x64xf32, #tpu.memory_space<vmem>>, vector<1x16xf32>,
      %swap3A_210 = vector.shape_cast %swap3A_209 : vector<1x16xf32> to vector<16xf32>
      %swap3A_211 = vector.shape_cast %broadcast_in_dim3A_0 : vector<16xf32> to vector<1x16xf32>
      tpu.vector_store %arg17[%swap3A, %swap3A_208], %swap3A_211 {strides = array<i32>} : memref<125x64xf32, #tpu.memory_space<vmem>>, vector<1x16xf32>,
      %swap3A_212 = arith.index_cast %scan3A_207 : i32 to index
      %swap3A_213 = arith.constant 16 : index
      %swap3A_214 = tpu.vector_load %arg17[%swap3A_212, %swap3A_213] {strides = array<i32>} : memref<125x64xf32, #tpu.memory_space<vmem>>, vector<1x16xf32>,
      %swap3A_215 = vector.shape_cast %swap3A_214 : vector<1x16xf32> to vector<16xf32>
      %swap3A_216 = vector.shape_cast %broadcast_in_dim3A_0 : vector<16xf32> to vector<1x16xf32>
      tpu.vector_store %arg17[%swap3A_212, %swap3A_213], %swap3A_216 {strides = array<i32>} : memref<125x64xf32, #tpu.memory_space<vmem>>, vector<1x16xf32>,
      %swap3A_217 = arith.index_cast %scan3A_207 : i32 to index
      %swap3A_218 = arith.constant 32 : index
      %swap3A_219 = tpu.vector_load %arg17[%swap3A_217, %swap3A_218] {strides = array<i32>} : memref<125x64xf32, #tpu.memory_space<vmem>>, vector<1x16xf32>,
      %swap3A_220 = vector.shape_cast %swap3A_219 : vector<1x16xf32> to vector<16xf32>
      %swap3A_221 = vector.shape_cast %broadcast_in_dim3A_0 : vector<16xf32> to vector<1x16xf32>
      tpu.vector_store %arg17[%swap3A_217, %swap3A_218], %swap3A_221 {strides = array<i32>} : memref<125x64xf32, #tpu.memory_space<vmem>>, vector<1x16xf32>,
      %swap3A_222 = arith.index_cast %scan3A_207 : i32 to index
      %swap3A_223 = arith.constant 48 : index
      %swap3A_224 = tpu.vector_load %arg17[%swap3A_222, %swap3A_223] {strides = array<i32>} : memref<125x64xf32, #tpu.memory_space<vmem>>, vector<1x16xf32>,
      %swap3A_225 = vector.shape_cast %swap3A_224 : vector<1x16xf32> to vector<16xf32>
      %swap3A_226 = vector.shape_cast %broadcast_in_dim3A_0 : vector<16xf32> to vector<1x16xf32>
      tpu.vector_store %arg17[%swap3A_222, %swap3A_223], %swap3A_226 {strides = array<i32>} : memref<125x64xf32, #tpu.memory_space<vmem>>, vector<1x16xf32>,
    }
    %scan3A_5 = arith.constant 125 : i32
    %broadcast_in_dim3A_6 = arith.constant 0.000000e+00 : f32
    %broadcast_in_dim3A_7 = vector.broadcast %broadcast_in_dim3A_6 : f32 to vector<16xf32>
    %scan3A_8 = arith.constant 0 : i32
    %scan3A_9 = arith.constant 0 : i32
    %scan3A_10 = arith.constant 125 : i32
    %scan3A_11 = arith.addi %scan3A_9, %scan3A_10 : i32
    %scan3A_12 = arith.constant 1 : i32
    scf.for %scan3A_207 = %scan3A_9 to %scan3A_11 step %scan3A_12  : i32 {
      %swap3A = arith.index_cast %scan3A_207 : i32 to index
      %swap3A_208 = arith.constant 0 : index
      %swap3A_209 = tpu.vector_load %arg19[%swap3A, %swap3A_208] {strides = array<i32>} : memref<125x16xf32, #tpu.memory_space<vmem>>, vector<1x16xf32>,
      %swap3A_210 = vector.shape_cast %swap3A_209 : vector<1x16xf32> to vector<16xf32>
      %swap3A_211 = vector.shape_cast %broadcast_in_dim3A_7 : vector<16xf32> to vector<1x16xf32>
      tpu.vector_store %arg19[%swap3A, %swap3A_208], %swap3A_211 {strides = array<i32>} : memref<125x16xf32, #tpu.memory_space<vmem>>, vector<1x16xf32>,
    }
    %scan3A_13 = arith.constant 125 : i32
    %mul3A = arith.constant 625 : i32
    %mul3A_14 = arith.muli %arg1, %mul3A : i32
    %add3A = arith.constant 0 : i32
    %add3A_15 = arith.addi %mul3A_14, %add3A : i32
    "tpu.region"() ({
      %run_scoped3A_207 = tpu.sem_alloc : memref<!tpu.dma_semaphore, #tpu.memory_space<semaphore_mem>>
      %dma_start3A_208 = arith.constant 0 : i32
      %dma_start3A_209 = tpu.memref_slice %arg10[%add3A_15, %dma_start3A_208] : memref<10000x64xf32, #tpu.memory_space<vmem_shared>> -> memref<125x64xf32, #tpu.memory_space<vmem_shared>>
      %dma_start3A_210 = arith.constant 0 : i32
      %dma_start3A_211 = tpu.memref_slice %arg10[%add3A_15, %dma_start3A_210] : memref<10000x64xf32, #tpu.memory_space<vmem_shared>> -> memref<125x64xf32, #tpu.memory_space<vmem_shared>>
      tpu.enqueue_dma source(%arg17 : memref<125x64xf32, #tpu.memory_space<vmem>>) target(%dma_start3A_211 : memref<125x64xf32, #tpu.memory_space<vmem_shared>>) target_semaphore(%run_scoped3A_207 : memref<!tpu.dma_semaphore, #tpu.memory_space<semaphore_mem>>)
      %dma_wait3A_212 = arith.constant 0 : i32
      %dma_wait3A_213 = tpu.memref_slice %arg10[%add3A_15, %dma_wait3A_212] : memref<10000x64xf32, #tpu.memory_space<vmem_shared>> -> memref<125x64xf32, #tpu.memory_space<vmem_shared>>
      %dma_wait3A_214 = arith.constant 0 : i32
      %dma_wait3A_215 = tpu.memref_slice %arg10[%add3A_15, %dma_wait3A_214] : memref<10000x64xf32, #tpu.memory_space<vmem_shared>> -> memref<125x64xf32, #tpu.memory_space<vmem_shared>>
      tpu.wait_dma2 semaphore(%run_scoped3A_207 : memref<!tpu.dma_semaphore, #tpu.memory_space<semaphore_mem>>) src(%arg17 : memref<125x64xf32, #tpu.memory_space<vmem>>) dst(%dma_wait3A_215 : memref<125x64xf32, #tpu.memory_space<vmem_shared>>)
      tpu.yield
    }) : () -> ()
    %mul3A_16 = arith.constant 625 : i32
    %mul3A_17 = arith.muli %arg1, %mul3A_16 : i32
    %add3A_18 = arith.constant 125 : i32
    %add3A_19 = arith.addi %mul3A_17, %add3A_18 : i32
    "tpu.region"() ({
      %run_scoped3A_207 = tpu.sem_alloc : memref<!tpu.dma_semaphore, #tpu.memory_space<semaphore_mem>>
      %dma_start3A_208 = arith.constant 0 : i32
      %dma_start3A_209 = tpu.memref_slice %arg10[%add3A_19, %dma_start3A_208] : memref<10000x64xf32, #tpu.memory_space<vmem_shared>> -> memref<125x64xf32, #tpu.memory_space<vmem_shared>>
      %dma_start3A_210 = arith.constant 0 : i32
      %dma_start3A_211 = tpu.memref_slice %arg10[%add3A_19, %dma_start3A_210] : memref<10000x64xf32, #tpu.memory_space<vmem_shared>> -> memref<125x64xf32, #tpu.memory_space<vmem_shared>>
      tpu.enqueue_dma source(%arg17 : memref<125x64xf32, #tpu.memory_space<vmem>>) target(%dma_start3A_211 : memref<125x64xf32, #tpu.memory_space<vmem_shared>>) target_semaphore(%run_scoped3A_207 : memref<!tpu.dma_semaphore, #tpu.memory_space<semaphore_mem>>)
      %dma_wait3A_212 = arith.constant 0 : i32
      %dma_wait3A_213 = tpu.memref_slice %arg10[%add3A_19, %dma_wait3A_212] : memref<10000x64xf32, #tpu.memory_space<vmem_shared>> -> memref<125x64xf32, #tpu.memory_space<vmem_shared>>
      %dma_wait3A_214 = arith.constant 0 : i32
      %dma_wait3A_215 = tpu.memref_slice %arg10[%add3A_19, %dma_wait3A_214] : memref<10000x64xf32, #tpu.memory_space<vmem_shared>> -> memref<125x64xf32, #tpu.memory_space<vmem_shared>>
      tpu.wait_dma2 semaphore(%run_scoped3A_207 : memref<!tpu.dma_semaphore, #tpu.memory_space<semaphore_mem>>) src(%arg17 : memref<125x64xf32, #tpu.memory_space<vmem>>) dst(%dma_wait3A_215 : memref<125x64xf32, #tpu.memory_space<vmem_shared>>)
      tpu.yield
    }) : () -> ()
    %mul3A_20 = arith.constant 625 : i32
    %mul3A_21 = arith.muli %arg1, %mul3A_20 : i32
    %add3A_22 = arith.constant 250 : i32
    %add3A_23 = arith.addi %mul3A_21, %add3A_22 : i32
    "tpu.region"() ({
      %run_scoped3A_207 = tpu.sem_alloc : memref<!tpu.dma_semaphore, #tpu.memory_space<semaphore_mem>>
      %dma_start3A_208 = arith.constant 0 : i32
      %dma_start3A_209 = tpu.memref_slice %arg10[%add3A_23, %dma_start3A_208] : memref<10000x64xf32, #tpu.memory_space<vmem_shared>> -> memref<125x64xf32, #tpu.memory_space<vmem_shared>>
      %dma_start3A_210 = arith.constant 0 : i32
      %dma_start3A_211 = tpu.memref_slice %arg10[%add3A_23, %dma_start3A_210] : memref<10000x64xf32, #tpu.memory_space<vmem_shared>> -> memref<125x64xf32, #tpu.memory_space<vmem_shared>>
      tpu.enqueue_dma source(%arg17 : memref<125x64xf32, #tpu.memory_space<vmem>>) target(%dma_start3A_211 : memref<125x64xf32, #tpu.memory_space<vmem_shared>>) target_semaphore(%run_scoped3A_207 : memref<!tpu.dma_semaphore, #tpu.memory_space<semaphore_mem>>)
      %dma_wait3A_212 = arith.constant 0 : i32
      %dma_wait3A_213 = tpu.memref_slice %arg10[%add3A_23, %dma_wait3A_212] : memref<10000x64xf32, #tpu.memory_space<vmem_shared>> -> memref<125x64xf32, #tpu.memory_space<vmem_shared>>
      %dma_wait3A_214 = arith.constant 0 : i32
      %dma_wait3A_215 = tpu.memref_slice %arg10[%add3A_23, %dma_wait3A_214] : memref<10000x64xf32, #tpu.memory_space<vmem_shared>> -> memref<125x64xf32, #tpu.memory_space<vmem_shared>>
      tpu.wait_dma2 semaphore(%run_scoped3A_207 : memref<!tpu.dma_semaphore, #tpu.memory_space<semaphore_mem>>) src(%arg17 : memref<125x64xf32, #tpu.memory_space<vmem>>) dst(%dma_wait3A_215 : memref<125x64xf32, #tpu.memory_space<vmem_shared>>)
      tpu.yield
    }) : () -> ()
    %mul3A_24 = arith.constant 625 : i32
    %mul3A_25 = arith.muli %arg1, %mul3A_24 : i32
    %add3A_26 = arith.constant 375 : i32
    %add3A_27 = arith.addi %mul3A_25, %add3A_26 : i32
    "tpu.region"() ({
      %run_scoped3A_207 = tpu.sem_alloc : memref<!tpu.dma_semaphore, #tpu.memory_space<semaphore_mem>>
      %dma_start3A_208 = arith.constant 0 : i32
      %dma_start3A_209 = tpu.memref_slice %arg10[%add3A_27, %dma_start3A_208] : memref<10000x64xf32, #tpu.memory_space<vmem_shared>> -> memref<125x64xf32, #tpu.memory_space<vmem_shared>>
      %dma_start3A_210 = arith.constant 0 : i32
      %dma_start3A_211 = tpu.memref_slice %arg10[%add3A_27, %dma_start3A_210] : memref<10000x64xf32, #tpu.memory_space<vmem_shared>> -> memref<125x64xf32, #tpu.memory_space<vmem_shared>>
      tpu.enqueue_dma source(%arg17 : memref<125x64xf32, #tpu.memory_space<vmem>>) target(%dma_start3A_211 : memref<125x64xf32, #tpu.memory_space<vmem_shared>>) target_semaphore(%run_scoped3A_207 : memref<!tpu.dma_semaphore, #tpu.memory_space<semaphore_mem>>)
      %dma_wait3A_212 = arith.constant 0 : i32
      %dma_wait3A_213 = tpu.memref_slice %arg10[%add3A_27, %dma_wait3A_212] : memref<10000x64xf32, #tpu.memory_space<vmem_shared>> -> memref<125x64xf32, #tpu.memory_space<vmem_shared>>
      %dma_wait3A_214 = arith.constant 0 : i32
      %dma_wait3A_215 = tpu.memref_slice %arg10[%add3A_27, %dma_wait3A_214] : memref<10000x64xf32, #tpu.memory_space<vmem_shared>> -> memref<125x64xf32, #tpu.memory_space<vmem_shared>>
      tpu.wait_dma2 semaphore(%run_scoped3A_207 : memref<!tpu.dma_semaphore, #tpu.memory_space<semaphore_mem>>) src(%arg17 : memref<125x64xf32, #tpu.memory_space<vmem>>) dst(%dma_wait3A_215 : memref<125x64xf32, #tpu.memory_space<vmem_shared>>)
      tpu.yield
    }) : () -> ()
    %mul3A_28 = arith.constant 625 : i32
    %mul3A_29 = arith.muli %arg1, %mul3A_28 : i32
    %add3A_30 = arith.constant 500 : i32
    %add3A_31 = arith.addi %mul3A_29, %add3A_30 : i32
    "tpu.region"() ({
      %run_scoped3A_207 = tpu.sem_alloc : memref<!tpu.dma_semaphore, #tpu.memory_space<semaphore_mem>>
      %dma_start3A_208 = arith.constant 0 : i32
      %dma_start3A_209 = tpu.memref_slice %arg10[%add3A_31, %dma_start3A_208] : memref<10000x64xf32, #tpu.memory_space<vmem_shared>> -> memref<125x64xf32, #tpu.memory_space<vmem_shared>>
      %dma_start3A_210 = arith.constant 0 : i32
      %dma_start3A_211 = tpu.memref_slice %arg10[%add3A_31, %dma_start3A_210] : memref<10000x64xf32, #tpu.memory_space<vmem_shared>> -> memref<125x64xf32, #tpu.memory_space<vmem_shared>>
      tpu.enqueue_dma source(%arg17 : memref<125x64xf32, #tpu.memory_space<vmem>>) target(%dma_start3A_211 : memref<125x64xf32, #tpu.memory_space<vmem_shared>>) target_semaphore(%run_scoped3A_207 : memref<!tpu.dma_semaphore, #tpu.memory_space<semaphore_mem>>)
      %dma_wait3A_212 = arith.constant 0 : i32
      %dma_wait3A_213 = tpu.memref_slice %arg10[%add3A_31, %dma_wait3A_212] : memref<10000x64xf32, #tpu.memory_space<vmem_shared>> -> memref<125x64xf32, #tpu.memory_space<vmem_shared>>
      %dma_wait3A_214 = arith.constant 0 : i32
      %dma_wait3A_215 = tpu.memref_slice %arg10[%add3A_31, %dma_wait3A_214] : memref<10000x64xf32, #tpu.memory_space<vmem_shared>> -> memref<125x64xf32, #tpu.memory_space<vmem_shared>>
      tpu.wait_dma2 semaphore(%run_scoped3A_207 : memref<!tpu.dma_semaphore, #tpu.memory_space<semaphore_mem>>) src(%arg17 : memref<125x64xf32, #tpu.memory_space<vmem>>) dst(%dma_wait3A_215 : memref<125x64xf32, #tpu.memory_space<vmem_shared>>)
      tpu.yield
    }) : () -> ()
    %mul3A_32 = arith.constant 625 : i32
    %mul3A_33 = arith.muli %arg1, %mul3A_32 : i32
    %add3A_34 = arith.constant 0 : i32
    %add3A_35 = arith.addi %mul3A_33, %add3A_34 : i32
    "tpu.region"() ({
      %run_scoped3A_207 = tpu.sem_alloc : memref<!tpu.dma_semaphore, #tpu.memory_space<semaphore_mem>>
      %dma_start3A_208 = arith.constant 0 : i32
      %dma_start3A_209 = tpu.memref_slice %arg11[%add3A_35, %dma_start3A_208] : memref<10000x64xf32, #tpu.memory_space<vmem_shared>> -> memref<125x64xf32, #tpu.memory_space<vmem_shared>>
      %dma_start3A_210 = arith.constant 0 : i32
      %dma_start3A_211 = tpu.memref_slice %arg11[%add3A_35, %dma_start3A_210] : memref<10000x64xf32, #tpu.memory_space<vmem_shared>> -> memref<125x64xf32, #tpu.memory_space<vmem_shared>>
      tpu.enqueue_dma source(%arg17 : memref<125x64xf32, #tpu.memory_space<vmem>>) target(%dma_start3A_211 : memref<125x64xf32, #tpu.memory_space<vmem_shared>>) target_semaphore(%run_scoped3A_207 : memref<!tpu.dma_semaphore, #tpu.memory_space<semaphore_mem>>)
      %dma_wait3A_212 = arith.constant 0 : i32
      %dma_wait3A_213 = tpu.memref_slice %arg11[%add3A_35, %dma_wait3A_212] : memref<10000x64xf32, #tpu.memory_space<vmem_shared>> -> memref<125x64xf32, #tpu.memory_space<vmem_shared>>
      %dma_wait3A_214 = arith.constant 0 : i32
      %dma_wait3A_215 = tpu.memref_slice %arg11[%add3A_35, %dma_wait3A_214] : memref<10000x64xf32, #tpu.memory_space<vmem_shared>> -> memref<125x64xf32, #tpu.memory_space<vmem_shared>>
      tpu.wait_dma2 semaphore(%run_scoped3A_207 : memref<!tpu.dma_semaphore, #tpu.memory_space<semaphore_mem>>) src(%arg17 : memref<125x64xf32, #tpu.memory_space<vmem>>) dst(%dma_wait3A_215 : memref<125x64xf32, #tpu.memory_space<vmem_shared>>)
      tpu.yield
    }) : () -> ()
    %mul3A_36 = arith.constant 625 : i32
    %mul3A_37 = arith.muli %arg1, %mul3A_36 : i32
    %add3A_38 = arith.constant 125 : i32
    %add3A_39 = arith.addi %mul3A_37, %add3A_38 : i32
    "tpu.region"() ({
      %run_scoped3A_207 = tpu.sem_alloc : memref<!tpu.dma_semaphore, #tpu.memory_space<semaphore_mem>>
      %dma_start3A_208 = arith.constant 0 : i32
      %dma_start3A_209 = tpu.memref_slice %arg11[%add3A_39, %dma_start3A_208] : memref<10000x64xf32, #tpu.memory_space<vmem_shared>> -> memref<125x64xf32, #tpu.memory_space<vmem_shared>>
      %dma_start3A_210 = arith.constant 0 : i32
      %dma_start3A_211 = tpu.memref_slice %arg11[%add3A_39, %dma_start3A_210] : memref<10000x64xf32, #tpu.memory_space<vmem_shared>> -> memref<125x64xf32, #tpu.memory_space<vmem_shared>>
      tpu.enqueue_dma source(%arg17 : memref<125x64xf32, #tpu.memory_space<vmem>>) target(%dma_start3A_211 : memref<125x64xf32, #tpu.memory_space<vmem_shared>>) target_semaphore(%run_scoped3A_207 : memref<!tpu.dma_semaphore, #tpu.memory_space<semaphore_mem>>)
      %dma_wait3A_212 = arith.constant 0 : i32
      %dma_wait3A_213 = tpu.memref_slice %arg11[%add3A_39, %dma_wait3A_212] : memref<10000x64xf32, #tpu.memory_space<vmem_shared>> -> memref<125x64xf32, #tpu.memory_space<vmem_shared>>
      %dma_wait3A_214 = arith.constant 0 : i32
      %dma_wait3A_215 = tpu.memref_slice %arg11[%add3A_39, %dma_wait3A_214] : memref<10000x64xf32, #tpu.memory_space<vmem_shared>> -> memref<125x64xf32, #tpu.memory_space<vmem_shared>>
      tpu.wait_dma2 semaphore(%run_scoped3A_207 : memref<!tpu.dma_semaphore, #tpu.memory_space<semaphore_mem>>) src(%arg17 : memref<125x64xf32, #tpu.memory_space<vmem>>) dst(%dma_wait3A_215 : memref<125x64xf32, #tpu.memory_space<vmem_shared>>)
      tpu.yield
    }) : () -> ()
    %mul3A_40 = arith.constant 625 : i32
    %mul3A_41 = arith.muli %arg1, %mul3A_40 : i32
    %add3A_42 = arith.constant 250 : i32
    %add3A_43 = arith.addi %mul3A_41, %add3A_42 : i32
    "tpu.region"() ({
      %run_scoped3A_207 = tpu.sem_alloc : memref<!tpu.dma_semaphore, #tpu.memory_space<semaphore_mem>>
      %dma_start3A_208 = arith.constant 0 : i32
      %dma_start3A_209 = tpu.memref_slice %arg11[%add3A_43, %dma_start3A_208] : memref<10000x64xf32, #tpu.memory_space<vmem_shared>> -> memref<125x64xf32, #tpu.memory_space<vmem_shared>>
      %dma_start3A_210 = arith.constant 0 : i32
      %dma_start3A_211 = tpu.memref_slice %arg11[%add3A_43, %dma_start3A_210] : memref<10000x64xf32, #tpu.memory_space<vmem_shared>> -> memref<125x64xf32, #tpu.memory_space<vmem_shared>>
      tpu.enqueue_dma source(%arg17 : memref<125x64xf32, #tpu.memory_space<vmem>>) target(%dma_start3A_211 : memref<125x64xf32, #tpu.memory_space<vmem_shared>>) target_semaphore(%run_scoped3A_207 : memref<!tpu.dma_semaphore, #tpu.memory_space<semaphore_mem>>)
      %dma_wait3A_212 = arith.constant 0 : i32
      %dma_wait3A_213 = tpu.memref_slice %arg11[%add3A_43, %dma_wait3A_212] : memref<10000x64xf32, #tpu.memory_space<vmem_shared>> -> memref<125x64xf32, #tpu.memory_space<vmem_shared>>
      %dma_wait3A_214 = arith.constant 0 : i32
      %dma_wait3A_215 = tpu.memref_slice %arg11[%add3A_43, %dma_wait3A_214] : memref<10000x64xf32, #tpu.memory_space<vmem_shared>> -> memref<125x64xf32, #tpu.memory_space<vmem_shared>>
      tpu.wait_dma2 semaphore(%run_scoped3A_207 : memref<!tpu.dma_semaphore, #tpu.memory_space<semaphore_mem>>) src(%arg17 : memref<125x64xf32, #tpu.memory_space<vmem>>) dst(%dma_wait3A_215 : memref<125x64xf32, #tpu.memory_space<vmem_shared>>)
      tpu.yield
    }) : () -> ()
    %mul3A_44 = arith.constant 625 : i32
    %mul3A_45 = arith.muli %arg1, %mul3A_44 : i32
    %add3A_46 = arith.constant 375 : i32
    %add3A_47 = arith.addi %mul3A_45, %add3A_46 : i32
    "tpu.region"() ({
      %run_scoped3A_207 = tpu.sem_alloc : memref<!tpu.dma_semaphore, #tpu.memory_space<semaphore_mem>>
      %dma_start3A_208 = arith.constant 0 : i32
      %dma_start3A_209 = tpu.memref_slice %arg11[%add3A_47, %dma_start3A_208] : memref<10000x64xf32, #tpu.memory_space<vmem_shared>> -> memref<125x64xf32, #tpu.memory_space<vmem_shared>>
      %dma_start3A_210 = arith.constant 0 : i32
      %dma_start3A_211 = tpu.memref_slice %arg11[%add3A_47, %dma_start3A_210] : memref<10000x64xf32, #tpu.memory_space<vmem_shared>> -> memref<125x64xf32, #tpu.memory_space<vmem_shared>>
      tpu.enqueue_dma source(%arg17 : memref<125x64xf32, #tpu.memory_space<vmem>>) target(%dma_start3A_211 : memref<125x64xf32, #tpu.memory_space<vmem_shared>>) target_semaphore(%run_scoped3A_207 : memref<!tpu.dma_semaphore, #tpu.memory_space<semaphore_mem>>)
      %dma_wait3A_212 = arith.constant 0 : i32
      %dma_wait3A_213 = tpu.memref_slice %arg11[%add3A_47, %dma_wait3A_212] : memref<10000x64xf32, #tpu.memory_space<vmem_shared>> -> memref<125x64xf32, #tpu.memory_space<vmem_shared>>
      %dma_wait3A_214 = arith.constant 0 : i32
      %dma_wait3A_215 = tpu.memref_slice %arg11[%add3A_47, %dma_wait3A_214] : memref<10000x64xf32, #tpu.memory_space<vmem_shared>> -> memref<125x64xf32, #tpu.memory_space<vmem_shared>>
      tpu.wait_dma2 semaphore(%run_scoped3A_207 : memref<!tpu.dma_semaphore, #tpu.memory_space<semaphore_mem>>) src(%arg17 : memref<125x64xf32, #tpu.memory_space<vmem>>) dst(%dma_wait3A_215 : memref<125x64xf32, #tpu.memory_space<vmem_shared>>)
      tpu.yield
    }) : () -> ()
    %mul3A_48 = arith.constant 625 : i32
    %mul3A_49 = arith.muli %arg1, %mul3A_48 : i32
    %add3A_50 = arith.constant 500 : i32
    %add3A_51 = arith.addi %mul3A_49, %add3A_50 : i32
    "tpu.region"() ({
      %run_scoped3A_207 = tpu.sem_alloc : memref<!tpu.dma_semaphore, #tpu.memory_space<semaphore_mem>>
      %dma_start3A_208 = arith.constant 0 : i32
      %dma_start3A_209 = tpu.memref_slice %arg11[%add3A_51, %dma_start3A_208] : memref<10000x64xf32, #tpu.memory_space<vmem_shared>> -> memref<125x64xf32, #tpu.memory_space<vmem_shared>>
      %dma_start3A_210 = arith.constant 0 : i32
      %dma_start3A_211 = tpu.memref_slice %arg11[%add3A_51, %dma_start3A_210] : memref<10000x64xf32, #tpu.memory_space<vmem_shared>> -> memref<125x64xf32, #tpu.memory_space<vmem_shared>>
      tpu.enqueue_dma source(%arg17 : memref<125x64xf32, #tpu.memory_space<vmem>>) target(%dma_start3A_211 : memref<125x64xf32, #tpu.memory_space<vmem_shared>>) target_semaphore(%run_scoped3A_207 : memref<!tpu.dma_semaphore, #tpu.memory_space<semaphore_mem>>)
      %dma_wait3A_212 = arith.constant 0 : i32
      %dma_wait3A_213 = tpu.memref_slice %arg11[%add3A_51, %dma_wait3A_212] : memref<10000x64xf32, #tpu.memory_space<vmem_shared>> -> memref<125x64xf32, #tpu.memory_space<vmem_shared>>
      %dma_wait3A_214 = arith.constant 0 : i32
      %dma_wait3A_215 = tpu.memref_slice %arg11[%add3A_51, %dma_wait3A_214] : memref<10000x64xf32, #tpu.memory_space<vmem_shared>> -> memref<125x64xf32, #tpu.memory_space<vmem_shared>>
      tpu.wait_dma2 semaphore(%run_scoped3A_207 : memref<!tpu.dma_semaphore, #tpu.memory_space<semaphore_mem>>) src(%arg17 : memref<125x64xf32, #tpu.memory_space<vmem>>) dst(%dma_wait3A_215 : memref<125x64xf32, #tpu.memory_space<vmem_shared>>)
      tpu.yield
    }) : () -> ()
    %mul3A_52 = arith.constant 625 : i32
    %mul3A_53 = arith.muli %arg1, %mul3A_52 : i32
    %add3A_54 = arith.constant 0 : i32
    %add3A_55 = arith.addi %mul3A_53, %add3A_54 : i32
    "tpu.region"() ({
      %run_scoped3A_207 = tpu.sem_alloc : memref<!tpu.dma_semaphore, #tpu.memory_space<semaphore_mem>>
      %dma_start3A_208 = arith.constant 0 : i32
      %dma_start3A_209 = tpu.memref_slice %arg12[%add3A_55, %dma_start3A_208] : memref<10000x16xf32, #tpu.memory_space<vmem_shared>> -> memref<125x16xf32, #tpu.memory_space<vmem_shared>>
      %dma_start3A_210 = arith.constant 0 : i32
      %dma_start3A_211 = tpu.memref_slice %arg12[%add3A_55, %dma_start3A_210] : memref<10000x16xf32, #tpu.memory_space<vmem_shared>> -> memref<125x16xf32, #tpu.memory_space<vmem_shared>>
      tpu.enqueue_dma source(%arg19 : memref<125x16xf32, #tpu.memory_space<vmem>>) target(%dma_start3A_211 : memref<125x16xf32, #tpu.memory_space<vmem_shared>>) target_semaphore(%run_scoped3A_207 : memref<!tpu.dma_semaphore, #tpu.memory_space<semaphore_mem>>)
      %dma_wait3A_212 = arith.constant 0 : i32
      %dma_wait3A_213 = tpu.memref_slice %arg12[%add3A_55, %dma_wait3A_212] : memref<10000x16xf32, #tpu.memory_space<vmem_shared>> -> memref<125x16xf32, #tpu.memory_space<vmem_shared>>
      %dma_wait3A_214 = arith.constant 0 : i32
      %dma_wait3A_215 = tpu.memref_slice %arg12[%add3A_55, %dma_wait3A_214] : memref<10000x16xf32, #tpu.memory_space<vmem_shared>> -> memref<125x16xf32, #tpu.memory_space<vmem_shared>>
      tpu.wait_dma2 semaphore(%run_scoped3A_207 : memref<!tpu.dma_semaphore, #tpu.memory_space<semaphore_mem>>) src(%arg19 : memref<125x16xf32, #tpu.memory_space<vmem>>) dst(%dma_wait3A_215 : memref<125x16xf32, #tpu.memory_space<vmem_shared>>)
      tpu.yield
    }) : () -> ()
    %mul3A_56 = arith.constant 625 : i32
    %mul3A_57 = arith.muli %arg1, %mul3A_56 : i32
    %add3A_58 = arith.constant 125 : i32
    %add3A_59 = arith.addi %mul3A_57, %add3A_58 : i32
    "tpu.region"() ({
      %run_scoped3A_207 = tpu.sem_alloc : memref<!tpu.dma_semaphore, #tpu.memory_space<semaphore_mem>>
      %dma_start3A_208 = arith.constant 0 : i32
      %dma_start3A_209 = tpu.memref_slice %arg12[%add3A_59, %dma_start3A_208] : memref<10000x16xf32, #tpu.memory_space<vmem_shared>> -> memref<125x16xf32, #tpu.memory_space<vmem_shared>>
      %dma_start3A_210 = arith.constant 0 : i32
      %dma_start3A_211 = tpu.memref_slice %arg12[%add3A_59, %dma_start3A_210] : memref<10000x16xf32, #tpu.memory_space<vmem_shared>> -> memref<125x16xf32, #tpu.memory_space<vmem_shared>>
      tpu.enqueue_dma source(%arg19 : memref<125x16xf32, #tpu.memory_space<vmem>>) target(%dma_start3A_211 : memref<125x16xf32, #tpu.memory_space<vmem_shared>>) target_semaphore(%run_scoped3A_207 : memref<!tpu.dma_semaphore, #tpu.memory_space<semaphore_mem>>)
      %dma_wait3A_212 = arith.constant 0 : i32
      %dma_wait3A_213 = tpu.memref_slice %arg12[%add3A_59, %dma_wait3A_212] : memref<10000x16xf32, #tpu.memory_space<vmem_shared>> -> memref<125x16xf32, #tpu.memory_space<vmem_shared>>
      %dma_wait3A_214 = arith.constant 0 : i32
      %dma_wait3A_215 = tpu.memref_slice %arg12[%add3A_59, %dma_wait3A_214] : memref<10000x16xf32, #tpu.memory_space<vmem_shared>> -> memref<125x16xf32, #tpu.memory_space<vmem_shared>>
      tpu.wait_dma2 semaphore(%run_scoped3A_207 : memref<!tpu.dma_semaphore, #tpu.memory_space<semaphore_mem>>) src(%arg19 : memref<125x16xf32, #tpu.memory_space<vmem>>) dst(%dma_wait3A_215 : memref<125x16xf32, #tpu.memory_space<vmem_shared>>)
      tpu.yield
    }) : () -> ()
    %mul3A_60 = arith.constant 625 : i32
    %mul3A_61 = arith.muli %arg1, %mul3A_60 : i32
    %add3A_62 = arith.constant 250 : i32
    %add3A_63 = arith.addi %mul3A_61, %add3A_62 : i32
    "tpu.region"() ({
      %run_scoped3A_207 = tpu.sem_alloc : memref<!tpu.dma_semaphore, #tpu.memory_space<semaphore_mem>>
      %dma_start3A_208 = arith.constant 0 : i32
      %dma_start3A_209 = tpu.memref_slice %arg12[%add3A_63, %dma_start3A_208] : memref<10000x16xf32, #tpu.memory_space<vmem_shared>> -> memref<125x16xf32, #tpu.memory_space<vmem_shared>>
      %dma_start3A_210 = arith.constant 0 : i32
      %dma_start3A_211 = tpu.memref_slice %arg12[%add3A_63, %dma_start3A_210] : memref<10000x16xf32, #tpu.memory_space<vmem_shared>> -> memref<125x16xf32, #tpu.memory_space<vmem_shared>>
      tpu.enqueue_dma source(%arg19 : memref<125x16xf32, #tpu.memory_space<vmem>>) target(%dma_start3A_211 : memref<125x16xf32, #tpu.memory_space<vmem_shared>>) target_semaphore(%run_scoped3A_207 : memref<!tpu.dma_semaphore, #tpu.memory_space<semaphore_mem>>)
      %dma_wait3A_212 = arith.constant 0 : i32
      %dma_wait3A_213 = tpu.memref_slice %arg12[%add3A_63, %dma_wait3A_212] : memref<10000x16xf32, #tpu.memory_space<vmem_shared>> -> memref<125x16xf32, #tpu.memory_space<vmem_shared>>
      %dma_wait3A_214 = arith.constant 0 : i32
      %dma_wait3A_215 = tpu.memref_slice %arg12[%add3A_63, %dma_wait3A_214] : memref<10000x16xf32, #tpu.memory_space<vmem_shared>> -> memref<125x16xf32, #tpu.memory_space<vmem_shared>>
      tpu.wait_dma2 semaphore(%run_scoped3A_207 : memref<!tpu.dma_semaphore, #tpu.memory_space<semaphore_mem>>) src(%arg19 : memref<125x16xf32, #tpu.memory_space<vmem>>) dst(%dma_wait3A_215 : memref<125x16xf32, #tpu.memory_space<vmem_shared>>)
      tpu.yield
    }) : () -> ()
    %mul3A_64 = arith.constant 625 : i32
    %mul3A_65 = arith.muli %arg1, %mul3A_64 : i32
    %add3A_66 = arith.constant 375 : i32
    %add3A_67 = arith.addi %mul3A_65, %add3A_66 : i32
    "tpu.region"() ({
      %run_scoped3A_207 = tpu.sem_alloc : memref<!tpu.dma_semaphore, #tpu.memory_space<semaphore_mem>>
      %dma_start3A_208 = arith.constant 0 : i32
      %dma_start3A_209 = tpu.memref_slice %arg12[%add3A_67, %dma_start3A_208] : memref<10000x16xf32, #tpu.memory_space<vmem_shared>> -> memref<125x16xf32, #tpu.memory_space<vmem_shared>>
      %dma_start3A_210 = arith.constant 0 : i32
      %dma_start3A_211 = tpu.memref_slice %arg12[%add3A_67, %dma_start3A_210] : memref<10000x16xf32, #tpu.memory_space<vmem_shared>> -> memref<125x16xf32, #tpu.memory_space<vmem_shared>>
      tpu.enqueue_dma source(%arg19 : memref<125x16xf32, #tpu.memory_space<vmem>>) target(%dma_start3A_211 : memref<125x16xf32, #tpu.memory_space<vmem_shared>>) target_semaphore(%run_scoped3A_207 : memref<!tpu.dma_semaphore, #tpu.memory_space<semaphore_mem>>)
      %dma_wait3A_212 = arith.constant 0 : i32
      %dma_wait3A_213 = tpu.memref_slice %arg12[%add3A_67, %dma_wait3A_212] : memref<10000x16xf32, #tpu.memory_space<vmem_shared>> -> memref<125x16xf32, #tpu.memory_space<vmem_shared>>
      %dma_wait3A_214 = arith.constant 0 : i32
      %dma_wait3A_215 = tpu.memref_slice %arg12[%add3A_67, %dma_wait3A_214] : memref<10000x16xf32, #tpu.memory_space<vmem_shared>> -> memref<125x16xf32, #tpu.memory_space<vmem_shared>>
      tpu.wait_dma2 semaphore(%run_scoped3A_207 : memref<!tpu.dma_semaphore, #tpu.memory_space<semaphore_mem>>) src(%arg19 : memref<125x16xf32, #tpu.memory_space<vmem>>) dst(%dma_wait3A_215 : memref<125x16xf32, #tpu.memory_space<vmem_shared>>)
      tpu.yield
    }) : () -> ()
    %mul3A_68 = arith.constant 625 : i32
    %mul3A_69 = arith.muli %arg1, %mul3A_68 : i32
    %add3A_70 = arith.constant 500 : i32
    %add3A_71 = arith.addi %mul3A_69, %add3A_70 : i32
    "tpu.region"() ({
      %run_scoped3A_207 = tpu.sem_alloc : memref<!tpu.dma_semaphore, #tpu.memory_space<semaphore_mem>>
      %dma_start3A_208 = arith.constant 0 : i32
      %dma_start3A_209 = tpu.memref_slice %arg12[%add3A_71, %dma_start3A_208] : memref<10000x16xf32, #tpu.memory_space<vmem_shared>> -> memref<125x16xf32, #tpu.memory_space<vmem_shared>>
      %dma_start3A_210 = arith.constant 0 : i32
      %dma_start3A_211 = tpu.memref_slice %arg12[%add3A_71, %dma_start3A_210] : memref<10000x16xf32, #tpu.memory_space<vmem_shared>> -> memref<125x16xf32, #tpu.memory_space<vmem_shared>>
      tpu.enqueue_dma source(%arg19 : memref<125x16xf32, #tpu.memory_space<vmem>>) target(%dma_start3A_211 : memref<125x16xf32, #tpu.memory_space<vmem_shared>>) target_semaphore(%run_scoped3A_207 : memref<!tpu.dma_semaphore, #tpu.memory_space<semaphore_mem>>)
      %dma_wait3A_212 = arith.constant 0 : i32
      %dma_wait3A_213 = tpu.memref_slice %arg12[%add3A_71, %dma_wait3A_212] : memref<10000x16xf32, #tpu.memory_space<vmem_shared>> -> memref<125x16xf32, #tpu.memory_space<vmem_shared>>
      %dma_wait3A_214 = arith.constant 0 : i32
      %dma_wait3A_215 = tpu.memref_slice %arg12[%add3A_71, %dma_wait3A_214] : memref<10000x16xf32, #tpu.memory_space<vmem_shared>> -> memref<125x16xf32, #tpu.memory_space<vmem_shared>>
      tpu.wait_dma2 semaphore(%run_scoped3A_207 : memref<!tpu.dma_semaphore, #tpu.memory_space<semaphore_mem>>) src(%arg19 : memref<125x16xf32, #tpu.memory_space<vmem>>) dst(%dma_wait3A_215 : memref<125x16xf32, #tpu.memory_space<vmem_shared>>)
      tpu.yield
    }) : () -> ()
    %scan3A_72 = arith.constant 0 : i32
    %scan3A_73 = arith.constant 0 : i32
    %scan3A_74 = arith.constant 125 : i32
    %scan3A_75 = arith.addi %scan3A_73, %scan3A_74 : i32
    %scan3A_76 = arith.constant 1 : i32
    scf.for %scan3A_207 = %scan3A_73 to %scan3A_75 step %scan3A_76  : i32 {
      %broadcast_in_dim3A_208 = arith.constant 1.000000e+00 : f32
      %broadcast_in_dim3A_209 = vector.broadcast %broadcast_in_dim3A_208 : f32 to vector<16xf32>
      %swap3A = arith.index_cast %scan3A_207 : i32 to index
      %swap3A_210 = arith.constant 0 : index
      %swap3A_211 = tpu.vector_load %arg20[%swap3A, %swap3A_210] {strides = array<i32>} : memref<125x16xf32, #tpu.memory_space<vmem>>, vector<1x16xf32>,
      %swap3A_212 = vector.shape_cast %swap3A_211 : vector<1x16xf32> to vector<16xf32>
      %swap3A_213 = vector.shape_cast %broadcast_in_dim3A_209 : vector<16xf32> to vector<1x16xf32>
      tpu.vector_store %arg20[%swap3A, %swap3A_210], %swap3A_213 {strides = array<i32>} : memref<125x16xf32, #tpu.memory_space<vmem>>, vector<1x16xf32>,
    }
    %scan3A_77 = arith.constant 125 : i32
    %eq3A = arith.constant 0 : i32
    %eq3A_78 = arith.cmpi eq, %arg0, %eq3A : i32
    %convert_element_type3A = arith.extui %eq3A_78 : i1 to i32
    %cond3A = arith.constant 0 : i32
    %cond3A_79 = arith.cmpi ne, %convert_element_type3A, %cond3A : i32
    scf.if %cond3A_79 {
      %run_scoped3A_207 = arith.constant 0 : i32
      "tpu.region"() ({
        %run_scoped3A_209 = tpu.sem_alloc : memref<!tpu.dma_semaphore, #tpu.memory_space<semaphore_mem>>
        %dma_start3A_210 = arith.constant 0 : i32
        %dma_start3A_211 = arith.constant 0 : i32
        %dma_start3A_212 = tpu.memref_slice %arg4[%run_scoped3A_207, %arg1, %dma_start3A_210, %dma_start3A_211] : memref<2x16x50x125xi32, #tpu.memory_space<hbm>> -> memref<1x1x50x125xi32, #tpu.memory_space<hbm>>
        %dma_start3A_213 = tpu.memref_squeeze %dma_start3A_212 : memref<1x1x50x125xi32, #tpu.memory_space<hbm>> -> memref<50x125xi32, #tpu.memory_space<hbm>>
        %dma_start3A_214 = arith.constant 0 : i32
        %dma_start3A_215 = arith.constant 0 : i32
        %dma_start3A_216 = tpu.memref_slice %arg4[%run_scoped3A_207, %arg1, %dma_start3A_214, %dma_start3A_215] : memref<2x16x50x125xi32, #tpu.memory_space<hbm>> -> memref<1x1x50x125xi32, #tpu.memory_space<hbm>>
        %dma_start3A_217 = tpu.memref_squeeze %dma_start3A_216 : memref<1x1x50x125xi32, #tpu.memory_space<hbm>> -> memref<50x125xi32, #tpu.memory_space<hbm>>
        tpu.enqueue_dma source(%dma_start3A_217 : memref<50x125xi32, #tpu.memory_space<hbm>>) target(%arg13 : memref<50x125xi32, #tpu.memory_space<vmem>>) target_semaphore(%run_scoped3A_209 : memref<!tpu.dma_semaphore, #tpu.memory_space<semaphore_mem>>)
        %dma_wait3A_218 = arith.constant 0 : i32
        %dma_wait3A_219 = arith.constant 0 : i32
        %dma_wait3A_220 = tpu.memref_slice %arg4[%run_scoped3A_207, %arg1, %dma_wait3A_218, %dma_wait3A_219] : memref<2x16x50x125xi32, #tpu.memory_space<hbm>> -> memref<1x1x50x125xi32, #tpu.memory_space<hbm>>
        %dma_wait3A_221 = tpu.memref_squeeze %dma_wait3A_220 : memref<1x1x50x125xi32, #tpu.memory_space<hbm>> -> memref<50x125xi32, #tpu.memory_space<hbm>>
        %dma_wait3A_222 = arith.constant 0 : i32
        %dma_wait3A_223 = arith.constant 0 : i32
        %dma_wait3A_224 = tpu.memref_slice %arg4[%run_scoped3A_207, %arg1, %dma_wait3A_222, %dma_wait3A_223] : memref<2x16x50x125xi32, #tpu.memory_space<hbm>> -> memref<1x1x50x125xi32, #tpu.memory_space<hbm>>
        %dma_wait3A_225 = tpu.memref_squeeze %dma_wait3A_224 : memref<1x1x50x125xi32, #tpu.memory_space<hbm>> -> memref<50x125xi32, #tpu.memory_space<hbm>>
        tpu.wait_dma2 semaphore(%run_scoped3A_209 : memref<!tpu.dma_semaphore, #tpu.memory_space<semaphore_mem>>) src(%dma_wait3A_225 : memref<50x125xi32, #tpu.memory_space<hbm>>) dst(%arg13 : memref<50x125xi32, #tpu.memory_space<vmem>>)
        tpu.yield
      }) : () -> ()
      %run_scoped3A_208 = arith.constant 1 : i32
      "tpu.region"() ({
        %run_scoped3A_209 = tpu.sem_alloc : memref<!tpu.dma_semaphore, #tpu.memory_space<semaphore_mem>>
        %dma_start3A_210 = arith.constant 0 : i32
        %dma_start3A_211 = arith.constant 0 : i32
        %dma_start3A_212 = tpu.memref_slice %arg4[%run_scoped3A_208, %arg1, %dma_start3A_210, %dma_start3A_211] : memref<2x16x50x125xi32, #tpu.memory_space<hbm>> -> memref<1x1x50x125xi32, #tpu.memory_space<hbm>>
        %dma_start3A_213 = tpu.memref_squeeze %dma_start3A_212 : memref<1x1x50x125xi32, #tpu.memory_space<hbm>> -> memref<50x125xi32, #tpu.memory_space<hbm>>
        %dma_start3A_214 = arith.constant 0 : i32
        %dma_start3A_215 = arith.constant 0 : i32
        %dma_start3A_216 = tpu.memref_slice %arg4[%run_scoped3A_208, %arg1, %dma_start3A_214, %dma_start3A_215] : memref<2x16x50x125xi32, #tpu.memory_space<hbm>> -> memref<1x1x50x125xi32, #tpu.memory_space<hbm>>
        %dma_start3A_217 = tpu.memref_squeeze %dma_start3A_216 : memref<1x1x50x125xi32, #tpu.memory_space<hbm>> -> memref<50x125xi32, #tpu.memory_space<hbm>>
        tpu.enqueue_dma source(%dma_start3A_217 : memref<50x125xi32, #tpu.memory_space<hbm>>) target(%arg14 : memref<50x125xi32, #tpu.memory_space<vmem>>) target_semaphore(%run_scoped3A_209 : memref<!tpu.dma_semaphore, #tpu.memory_space<semaphore_mem>>)
        %dma_wait3A_218 = arith.constant 0 : i32
        %dma_wait3A_219 = arith.constant 0 : i32
        %dma_wait3A_220 = tpu.memref_slice %arg4[%run_scoped3A_208, %arg1, %dma_wait3A_218, %dma_wait3A_219] : memref<2x16x50x125xi32, #tpu.memory_space<hbm>> -> memref<1x1x50x125xi32, #tpu.memory_space<hbm>>
        %dma_wait3A_221 = tpu.memref_squeeze %dma_wait3A_220 : memref<1x1x50x125xi32, #tpu.memory_space<hbm>> -> memref<50x125xi32, #tpu.memory_space<hbm>>
        %dma_wait3A_222 = arith.constant 0 : i32
        %dma_wait3A_223 = arith.constant 0 : i32
        %dma_wait3A_224 = tpu.memref_slice %arg4[%run_scoped3A_208, %arg1, %dma_wait3A_222, %dma_wait3A_223] : memref<2x16x50x125xi32, #tpu.memory_space<hbm>> -> memref<1x1x50x125xi32, #tpu.memory_space<hbm>>
        %dma_wait3A_225 = tpu.memref_squeeze %dma_wait3A_224 : memref<1x1x50x125xi32, #tpu.memory_space<hbm>> -> memref<50x125xi32, #tpu.memory_space<hbm>>
        tpu.wait_dma2 semaphore(%run_scoped3A_209 : memref<!tpu.dma_semaphore, #tpu.memory_space<semaphore_mem>>) src(%dma_wait3A_225 : memref<50x125xi32, #tpu.memory_space<hbm>>) dst(%arg14 : memref<50x125xi32, #tpu.memory_space<vmem>>)
        tpu.yield
      }) : () -> ()
    } else {
    }
    %eq3A_80 = arith.constant 1 : i32
    %eq3A_81 = arith.cmpi eq, %arg0, %eq3A_80 : i32
    %convert_element_type3A_82 = arith.extui %eq3A_81 : i1 to i32
    %cond3A_83 = arith.constant 0 : i32
    %cond3A_84 = arith.cmpi ne, %convert_element_type3A_82, %cond3A_83 : i32
    scf.if %cond3A_84 {
      %run_scoped3A_207 = arith.constant 1 : i32
      "tpu.region"() ({
        %run_scoped3A_209 = tpu.sem_alloc : memref<!tpu.dma_semaphore, #tpu.memory_space<semaphore_mem>>
        %dma_start3A_210 = arith.constant 0 : i32
        %dma_start3A_211 = arith.constant 0 : i32
        %dma_start3A_212 = tpu.memref_slice %arg5[%run_scoped3A_207, %arg1, %dma_start3A_210, %dma_start3A_211] : memref<2x16x50x125xi32, #tpu.memory_space<hbm>> -> memref<1x1x50x125xi32, #tpu.memory_space<hbm>>
        %dma_start3A_213 = tpu.memref_squeeze %dma_start3A_212 : memref<1x1x50x125xi32, #tpu.memory_space<hbm>> -> memref<50x125xi32, #tpu.memory_space<hbm>>
        %dma_start3A_214 = arith.constant 0 : i32
        %dma_start3A_215 = arith.constant 0 : i32
        %dma_start3A_216 = tpu.memref_slice %arg5[%run_scoped3A_207, %arg1, %dma_start3A_214, %dma_start3A_215] : memref<2x16x50x125xi32, #tpu.memory_space<hbm>> -> memref<1x1x50x125xi32, #tpu.memory_space<hbm>>
        %dma_start3A_217 = tpu.memref_squeeze %dma_start3A_216 : memref<1x1x50x125xi32, #tpu.memory_space<hbm>> -> memref<50x125xi32, #tpu.memory_space<hbm>>
        tpu.enqueue_dma source(%dma_start3A_217 : memref<50x125xi32, #tpu.memory_space<hbm>>) target(%arg13 : memref<50x125xi32, #tpu.memory_space<vmem>>) target_semaphore(%run_scoped3A_209 : memref<!tpu.dma_semaphore, #tpu.memory_space<semaphore_mem>>)
        %dma_wait3A_218 = arith.constant 0 : i32
        %dma_wait3A_219 = arith.constant 0 : i32
        %dma_wait3A_220 = tpu.memref_slice %arg5[%run_scoped3A_207, %arg1, %dma_wait3A_218, %dma_wait3A_219] : memref<2x16x50x125xi32, #tpu.memory_space<hbm>> -> memref<1x1x50x125xi32, #tpu.memory_space<hbm>>
        %dma_wait3A_221 = tpu.memref_squeeze %dma_wait3A_220 : memref<1x1x50x125xi32, #tpu.memory_space<hbm>> -> memref<50x125xi32, #tpu.memory_space<hbm>>
        %dma_wait3A_222 = arith.constant 0 : i32
        %dma_wait3A_223 = arith.constant 0 : i32
        %dma_wait3A_224 = tpu.memref_slice %arg5[%run_scoped3A_207, %arg1, %dma_wait3A_222, %dma_wait3A_223] : memref<2x16x50x125xi32, #tpu.memory_space<hbm>> -> memref<1x1x50x125xi32, #tpu.memory_space<hbm>>
        %dma_wait3A_225 = tpu.memref_squeeze %dma_wait3A_224 : memref<1x1x50x125xi32, #tpu.memory_space<hbm>> -> memref<50x125xi32, #tpu.memory_space<hbm>>
        tpu.wait_dma2 semaphore(%run_scoped3A_209 : memref<!tpu.dma_semaphore, #tpu.memory_space<semaphore_mem>>) src(%dma_wait3A_225 : memref<50x125xi32, #tpu.memory_space<hbm>>) dst(%arg13 : memref<50x125xi32, #tpu.memory_space<vmem>>)
        tpu.yield
      }) : () -> ()
      %run_scoped3A_208 = arith.constant 0 : i32
      "tpu.region"() ({
        %run_scoped3A_209 = tpu.sem_alloc : memref<!tpu.dma_semaphore, #tpu.memory_space<semaphore_mem>>
        %dma_start3A_210 = arith.constant 0 : i32
        %dma_start3A_211 = arith.constant 0 : i32
        %dma_start3A_212 = tpu.memref_slice %arg5[%run_scoped3A_208, %arg1, %dma_start3A_210, %dma_start3A_211] : memref<2x16x50x125xi32, #tpu.memory_space<hbm>> -> memref<1x1x50x125xi32, #tpu.memory_space<hbm>>
        %dma_start3A_213 = tpu.memref_squeeze %dma_start3A_212 : memref<1x1x50x125xi32, #tpu.memory_space<hbm>> -> memref<50x125xi32, #tpu.memory_space<hbm>>
        %dma_start3A_214 = arith.constant 0 : i32
        %dma_start3A_215 = arith.constant 0 : i32
        %dma_start3A_216 = tpu.memref_slice %arg5[%run_scoped3A_208, %arg1, %dma_start3A_214, %dma_start3A_215] : memref<2x16x50x125xi32, #tpu.memory_space<hbm>> -> memref<1x1x50x125xi32, #tpu.memory_space<hbm>>
        %dma_start3A_217 = tpu.memref_squeeze %dma_start3A_216 : memref<1x1x50x125xi32, #tpu.memory_space<hbm>> -> memref<50x125xi32, #tpu.memory_space<hbm>>
        tpu.enqueue_dma source(%dma_start3A_217 : memref<50x125xi32, #tpu.memory_space<hbm>>) target(%arg14 : memref<50x125xi32, #tpu.memory_space<vmem>>) target_semaphore(%run_scoped3A_209 : memref<!tpu.dma_semaphore, #tpu.memory_space<semaphore_mem>>)
        %dma_wait3A_218 = arith.constant 0 : i32
        %dma_wait3A_219 = arith.constant 0 : i32
        %dma_wait3A_220 = tpu.memref_slice %arg5[%run_scoped3A_208, %arg1, %dma_wait3A_218, %dma_wait3A_219] : memref<2x16x50x125xi32, #tpu.memory_space<hbm>> -> memref<1x1x50x125xi32, #tpu.memory_space<hbm>>
        %dma_wait3A_221 = tpu.memref_squeeze %dma_wait3A_220 : memref<1x1x50x125xi32, #tpu.memory_space<hbm>> -> memref<50x125xi32, #tpu.memory_space<hbm>>
        %dma_wait3A_222 = arith.constant 0 : i32
        %dma_wait3A_223 = arith.constant 0 : i32
        %dma_wait3A_224 = tpu.memref_slice %arg5[%run_scoped3A_208, %arg1, %dma_wait3A_222, %dma_wait3A_223] : memref<2x16x50x125xi32, #tpu.memory_space<hbm>> -> memref<1x1x50x125xi32, #tpu.memory_space<hbm>>
        %dma_wait3A_225 = tpu.memref_squeeze %dma_wait3A_224 : memref<1x1x50x125xi32, #tpu.memory_space<hbm>> -> memref<50x125xi32, #tpu.memory_space<hbm>>
        tpu.wait_dma2 semaphore(%run_scoped3A_209 : memref<!tpu.dma_semaphore, #tpu.memory_space<semaphore_mem>>) src(%dma_wait3A_225 : memref<50x125xi32, #tpu.memory_space<hbm>>) dst(%arg14 : memref<50x125xi32, #tpu.memory_space<vmem>>)
        tpu.yield
      }) : () -> ()
    } else {
    }
    %run_scoped3A = arith.constant 0 : i32
    "tpu.region"() ({
      %run_scoped3A_207 = tpu.sem_alloc : memref<!tpu.dma_semaphore, #tpu.memory_space<semaphore_mem>>
      %dma_start3A_208 = arith.constant 0 : i32
      %dma_start3A_209 = arith.constant 0 : i32
      %dma_start3A_210 = tpu.memref_slice %arg6[%run_scoped3A, %arg0, %arg1, %dma_start3A_208, %dma_start3A_209] : memref<2x2x16x5x125xi32, #tpu.memory_space<hbm>> -> memref<1x1x1x5x125xi32, #tpu.memory_space<hbm>>
      %dma_start3A_211 = tpu.memref_squeeze %dma_start3A_210 : memref<1x1x1x5x125xi32, #tpu.memory_space<hbm>> -> memref<5x125xi32, #tpu.memory_space<hbm>>
      %dma_start3A_212 = arith.constant 0 : i32
      %dma_start3A_213 = arith.constant 0 : i32
      %dma_start3A_214 = tpu.memref_slice %arg6[%run_scoped3A, %arg0, %arg1, %dma_start3A_212, %dma_start3A_213] : memref<2x2x16x5x125xi32, #tpu.memory_space<hbm>> -> memref<1x1x1x5x125xi32, #tpu.memory_space<hbm>>
      %dma_start3A_215 = tpu.memref_squeeze %dma_start3A_214 : memref<1x1x1x5x125xi32, #tpu.memory_space<hbm>> -> memref<5x125xi32, #tpu.memory_space<hbm>>
      tpu.enqueue_dma source(%dma_start3A_215 : memref<5x125xi32, #tpu.memory_space<hbm>>) target(%arg15 : memref<5x125xi32, #tpu.memory_space<vmem>>) target_semaphore(%run_scoped3A_207 : memref<!tpu.dma_semaphore, #tpu.memory_space<semaphore_mem>>)
      %dma_wait3A_216 = arith.constant 0 : i32
      %dma_wait3A_217 = arith.constant 0 : i32
      %dma_wait3A_218 = tpu.memref_slice %arg6[%run_scoped3A, %arg0, %arg1, %dma_wait3A_216, %dma_wait3A_217] : memref<2x2x16x5x125xi32, #tpu.memory_space<hbm>> -> memref<1x1x1x5x125xi32, #tpu.memory_space<hbm>>
      %dma_wait3A_219 = tpu.memref_squeeze %dma_wait3A_218 : memref<1x1x1x5x125xi32, #tpu.memory_space<hbm>> -> memref<5x125xi32, #tpu.memory_space<hbm>>
      %dma_wait3A_220 = arith.constant 0 : i32
      %dma_wait3A_221 = arith.constant 0 : i32
      %dma_wait3A_222 = tpu.memref_slice %arg6[%run_scoped3A, %arg0, %arg1, %dma_wait3A_220, %dma_wait3A_221] : memref<2x2x16x5x125xi32, #tpu.memory_space<hbm>> -> memref<1x1x1x5x125xi32, #tpu.memory_space<hbm>>
      %dma_wait3A_223 = tpu.memref_squeeze %dma_wait3A_222 : memref<1x1x1x5x125xi32, #tpu.memory_space<hbm>> -> memref<5x125xi32, #tpu.memory_space<hbm>>
      tpu.wait_dma2 semaphore(%run_scoped3A_207 : memref<!tpu.dma_semaphore, #tpu.memory_space<semaphore_mem>>) src(%dma_wait3A_223 : memref<5x125xi32, #tpu.memory_space<hbm>>) dst(%arg15 : memref<5x125xi32, #tpu.memory_space<vmem>>)
      tpu.yield
    }) : () -> ()
    %run_scoped3A_85 = arith.constant 1 : i32
    "tpu.region"() ({
      %run_scoped3A_207 = tpu.sem_alloc : memref<!tpu.dma_semaphore, #tpu.memory_space<semaphore_mem>>
      %dma_start3A_208 = arith.constant 0 : i32
      %dma_start3A_209 = arith.constant 0 : i32
      %dma_start3A_210 = tpu.memref_slice %arg6[%run_scoped3A_85, %arg0, %arg1, %dma_start3A_208, %dma_start3A_209] : memref<2x2x16x5x125xi32, #tpu.memory_space<hbm>> -> memref<1x1x1x5x125xi32, #tpu.memory_space<hbm>>
      %dma_start3A_211 = tpu.memref_squeeze %dma_start3A_210 : memref<1x1x1x5x125xi32, #tpu.memory_space<hbm>> -> memref<5x125xi32, #tpu.memory_space<hbm>>
      %dma_start3A_212 = arith.constant 0 : i32
      %dma_start3A_213 = arith.constant 0 : i32
      %dma_start3A_214 = tpu.memref_slice %arg6[%run_scoped3A_85, %arg0, %arg1, %dma_start3A_212, %dma_start3A_213] : memref<2x2x16x5x125xi32, #tpu.memory_space<hbm>> -> memref<1x1x1x5x125xi32, #tpu.memory_space<hbm>>
      %dma_start3A_215 = tpu.memref_squeeze %dma_start3A_214 : memref<1x1x1x5x125xi32, #tpu.memory_space<hbm>> -> memref<5x125xi32, #tpu.memory_space<hbm>>
      tpu.enqueue_dma source(%dma_start3A_215 : memref<5x125xi32, #tpu.memory_space<hbm>>) target(%arg16 : memref<5x125xi32, #tpu.memory_space<vmem>>) target_semaphore(%run_scoped3A_207 : memref<!tpu.dma_semaphore, #tpu.memory_space<semaphore_mem>>)
      %dma_wait3A_216 = arith.constant 0 : i32
      %dma_wait3A_217 = arith.constant 0 : i32
      %dma_wait3A_218 = tpu.memref_slice %arg6[%run_scoped3A_85, %arg0, %arg1, %dma_wait3A_216, %dma_wait3A_217] : memref<2x2x16x5x125xi32, #tpu.memory_space<hbm>> -> memref<1x1x1x5x125xi32, #tpu.memory_space<hbm>>
      %dma_wait3A_219 = tpu.memref_squeeze %dma_wait3A_218 : memref<1x1x1x5x125xi32, #tpu.memory_space<hbm>> -> memref<5x125xi32, #tpu.memory_space<hbm>>
      %dma_wait3A_220 = arith.constant 0 : i32
      %dma_wait3A_221 = arith.constant 0 : i32
      %dma_wait3A_222 = tpu.memref_slice %arg6[%run_scoped3A_85, %arg0, %arg1, %dma_wait3A_220, %dma_wait3A_221] : memref<2x2x16x5x125xi32, #tpu.memory_space<hbm>> -> memref<1x1x1x5x125xi32, #tpu.memory_space<hbm>>
      %dma_wait3A_223 = tpu.memref_squeeze %dma_wait3A_222 : memref<1x1x1x5x125xi32, #tpu.memory_space<hbm>> -> memref<5x125xi32, #tpu.memory_space<hbm>>
      tpu.wait_dma2 semaphore(%run_scoped3A_207 : memref<!tpu.dma_semaphore, #tpu.memory_space<semaphore_mem>>) src(%dma_wait3A_223 : memref<5x125xi32, #tpu.memory_space<hbm>>) dst(%arg16 : memref<5x125xi32, #tpu.memory_space<vmem>>)
      tpu.yield
    }) : () -> ()
    %barrier3A = arith.constant 0 : index
    tpu.barrier barrier_id(%barrier3A)
    %dma_start3A = arith.constant 0 : i32
    %dma_start3A_86 = arith.constant 0 : i32
    %dma_start3A_87 = tpu.memref_slice %arg16[%dma_start3A, %dma_start3A_86] : memref<5x125xi32, #tpu.memory_space<vmem>> -> memref<1x125xi32, #tpu.memory_space<vmem>>
    %dma_start3A_88 = tpu.memref_squeeze %dma_start3A_87 : memref<1x125xi32, #tpu.memory_space<vmem>> -> memref<125xi32, #tpu.memory_space<vmem>>
    %dma_start3A_89 = arith.constant 0 : i32
    %dma_start3A_90 = arith.constant 0 : i32
    %dma_start3A_91 = tpu.memref_slice %arg12[%dma_start3A_89, %dma_start3A_90] : memref<10000x16xf32, #tpu.memory_space<vmem_shared>> -> memref<10000x16xf32, #tpu.memory_space<vmem_shared>>
    tpu.enqueue_indirect_dma source(%arg20 : memref<125x16xf32, #tpu.memory_space<vmem>>) target(%dma_start3A_91 : memref<10000x16xf32, #tpu.memory_space<vmem_shared>>) offsets(%dma_start3A_88 : memref<125xi32, #tpu.memory_space<vmem>>) semaphore(%arg23 : memref<!tpu.dma_semaphore, #tpu.memory_space<semaphore_mem>>) {add = true}
    %dma_start3A_92 = arith.constant 1 : i32
    %dma_start3A_93 = arith.constant 0 : i32
    %dma_start3A_94 = tpu.memref_slice %arg16[%dma_start3A_92, %dma_start3A_93] : memref<5x125xi32, #tpu.memory_space<vmem>> -> memref<1x125xi32, #tpu.memory_space<vmem>>
    %dma_start3A_95 = tpu.memref_squeeze %dma_start3A_94 : memref<1x125xi32, #tpu.memory_space<vmem>> -> memref<125xi32, #tpu.memory_space<vmem>>
    %dma_start3A_96 = arith.constant 0 : i32
    %dma_start3A_97 = arith.constant 0 : i32
    %dma_start3A_98 = tpu.memref_slice %arg12[%dma_start3A_96, %dma_start3A_97] : memref<10000x16xf32, #tpu.memory_space<vmem_shared>> -> memref<10000x16xf32, #tpu.memory_space<vmem_shared>>
    tpu.enqueue_indirect_dma source(%arg20 : memref<125x16xf32, #tpu.memory_space<vmem>>) target(%dma_start3A_98 : memref<10000x16xf32, #tpu.memory_space<vmem_shared>>) offsets(%dma_start3A_95 : memref<125xi32, #tpu.memory_space<vmem>>) semaphore(%arg23 : memref<!tpu.dma_semaphore, #tpu.memory_space<semaphore_mem>>) {add = true}
    %dma_start3A_99 = arith.constant 2 : i32
    %dma_start3A_100 = arith.constant 0 : i32
    %dma_start3A_101 = tpu.memref_slice %arg16[%dma_start3A_99, %dma_start3A_100] : memref<5x125xi32, #tpu.memory_space<vmem>> -> memref<1x125xi32, #tpu.memory_space<vmem>>
    %dma_start3A_102 = tpu.memref_squeeze %dma_start3A_101 : memref<1x125xi32, #tpu.memory_space<vmem>> -> memref<125xi32, #tpu.memory_space<vmem>>
    %dma_start3A_103 = arith.constant 0 : i32
    %dma_start3A_104 = arith.constant 0 : i32
    %dma_start3A_105 = tpu.memref_slice %arg12[%dma_start3A_103, %dma_start3A_104] : memref<10000x16xf32, #tpu.memory_space<vmem_shared>> -> memref<10000x16xf32, #tpu.memory_space<vmem_shared>>
    tpu.enqueue_indirect_dma source(%arg20 : memref<125x16xf32, #tpu.memory_space<vmem>>) target(%dma_start3A_105 : memref<10000x16xf32, #tpu.memory_space<vmem_shared>>) offsets(%dma_start3A_102 : memref<125xi32, #tpu.memory_space<vmem>>) semaphore(%arg23 : memref<!tpu.dma_semaphore, #tpu.memory_space<semaphore_mem>>) {add = true}
    %dma_start3A_106 = arith.constant 3 : i32
    %dma_start3A_107 = arith.constant 0 : i32
    %dma_start3A_108 = tpu.memref_slice %arg16[%dma_start3A_106, %dma_start3A_107] : memref<5x125xi32, #tpu.memory_space<vmem>> -> memref<1x125xi32, #tpu.memory_space<vmem>>
    %dma_start3A_109 = tpu.memref_squeeze %dma_start3A_108 : memref<1x125xi32, #tpu.memory_space<vmem>> -> memref<125xi32, #tpu.memory_space<vmem>>
    %dma_start3A_110 = arith.constant 0 : i32
    %dma_start3A_111 = arith.constant 0 : i32
    %dma_start3A_112 = tpu.memref_slice %arg12[%dma_start3A_110, %dma_start3A_111] : memref<10000x16xf32, #tpu.memory_space<vmem_shared>> -> memref<10000x16xf32, #tpu.memory_space<vmem_shared>>
    tpu.enqueue_indirect_dma source(%arg20 : memref<125x16xf32, #tpu.memory_space<vmem>>) target(%dma_start3A_112 : memref<10000x16xf32, #tpu.memory_space<vmem_shared>>) offsets(%dma_start3A_109 : memref<125xi32, #tpu.memory_space<vmem>>) semaphore(%arg23 : memref<!tpu.dma_semaphore, #tpu.memory_space<semaphore_mem>>) {add = true}
    %dma_start3A_113 = arith.constant 4 : i32
    %dma_start3A_114 = arith.constant 0 : i32
    %dma_start3A_115 = tpu.memref_slice %arg16[%dma_start3A_113, %dma_start3A_114] : memref<5x125xi32, #tpu.memory_space<vmem>> -> memref<1x125xi32, #tpu.memory_space<vmem>>
    %dma_start3A_116 = tpu.memref_squeeze %dma_start3A_115 : memref<1x125xi32, #tpu.memory_space<vmem>> -> memref<125xi32, #tpu.memory_space<vmem>>
    %dma_start3A_117 = arith.constant 0 : i32
    %dma_start3A_118 = arith.constant 0 : i32
    %dma_start3A_119 = tpu.memref_slice %arg12[%dma_start3A_117, %dma_start3A_118] : memref<10000x16xf32, #tpu.memory_space<vmem_shared>> -> memref<10000x16xf32, #tpu.memory_space<vmem_shared>>
    tpu.enqueue_indirect_dma source(%arg20 : memref<125x16xf32, #tpu.memory_space<vmem>>) target(%dma_start3A_119 : memref<10000x16xf32, #tpu.memory_space<vmem_shared>>) offsets(%dma_start3A_116 : memref<125xi32, #tpu.memory_space<vmem>>) semaphore(%arg23 : memref<!tpu.dma_semaphore, #tpu.memory_space<semaphore_mem>>) {add = true}
    %dma_start3A_120 = arith.constant 0 : i32
    %dma_start3A_121 = arith.constant 0 : i32
    %dma_start3A_122 = tpu.memref_slice %arg13[%dma_start3A_120, %dma_start3A_121] : memref<50x125xi32, #tpu.memory_space<vmem>> -> memref<1x125xi32, #tpu.memory_space<vmem>>
    %dma_start3A_123 = tpu.memref_squeeze %dma_start3A_122 : memref<1x125xi32, #tpu.memory_space<vmem>> -> memref<125xi32, #tpu.memory_space<vmem>>
    %dma_start3A_124 = arith.constant 0 : i32
    %dma_start3A_125 = arith.constant 0 : i32
    %dma_start3A_126 = tpu.memref_slice %arg2[%dma_start3A_124, %dma_start3A_125] : memref<10000x64xf32, #tpu.memory_space<hbm>> -> memref<10000x64xf32, #tpu.memory_space<hbm>>
    tpu.enqueue_indirect_dma source(%dma_start3A_126 : memref<10000x64xf32, #tpu.memory_space<hbm>>) target(%arg17 : memref<125x64xf32, #tpu.memory_space<vmem>>) offsets(%dma_start3A_123 : memref<125xi32, #tpu.memory_space<vmem>>) semaphore(%arg21 : memref<!tpu.dma_semaphore, #tpu.memory_space<semaphore_mem>>)
    %scan3A_127 = arith.constant 0 : i32
    %scan3A_128 = arith.constant 0 : i32
    %scan3A_129 = arith.constant 25 : i32
    %scan3A_130 = arith.addi %scan3A_128, %scan3A_129 : i32
    %scan3A_131 = arith.constant 1 : i32
    scf.for %scan3A_207 = %scan3A_128 to %scan3A_130 step %scan3A_131  : i32 {
      %mul3A_208 = arith.constant 2 : i32
      %mul3A_209 = arith.muli %mul3A_208, %scan3A_207 : i32
      %add3A_210 = arith.constant 1 : i32
      %add3A_211 = arith.addi %mul3A_209, %add3A_210 : i32
      %dma_wait3A_212 = arith.constant 0 : i32
      %dma_wait3A_213 = arith.constant 0 : i32
      %dma_wait3A_214 = tpu.memref_slice %arg13[%dma_wait3A_212, %dma_wait3A_213] : memref<50x125xi32, #tpu.memory_space<vmem>> -> memref<1x125xi32, #tpu.memory_space<vmem>>
      %dma_wait3A_215 = tpu.memref_squeeze %dma_wait3A_214 : memref<1x125xi32, #tpu.memory_space<vmem>> -> memref<125xi32, #tpu.memory_space<vmem>>
      %dma_wait3A_216 = arith.constant 0 : i32
      %dma_wait3A_217 = arith.constant 0 : i32
      %dma_wait3A_218 = tpu.memref_slice %arg2[%dma_wait3A_216, %dma_wait3A_217] : memref<10000x64xf32, #tpu.memory_space<hbm>> -> memref<10000x64xf32, #tpu.memory_space<hbm>>
      tpu.wait_indirect_dma semaphore(%arg21 : memref<!tpu.dma_semaphore, #tpu.memory_space<semaphore_mem>>) src(%dma_wait3A_218 : memref<10000x64xf32, #tpu.memory_space<hbm>>) dst(%arg17 : memref<125x64xf32, #tpu.memory_space<vmem>>)
      %dma_start3A_219 = arith.constant 0 : i32
      %dma_start3A_220 = tpu.memref_slice %arg13[%add3A_211, %dma_start3A_219] : memref<50x125xi32, #tpu.memory_space<vmem>> -> memref<1x125xi32, #tpu.memory_space<vmem>>
      %dma_start3A_221 = tpu.memref_squeeze %dma_start3A_220 : memref<1x125xi32, #tpu.memory_space<vmem>> -> memref<125xi32, #tpu.memory_space<vmem>>
      %dma_start3A_222 = arith.constant 0 : i32
      %dma_start3A_223 = arith.constant 0 : i32
      %dma_start3A_224 = tpu.memref_slice %arg2[%dma_start3A_222, %dma_start3A_223] : memref<10000x64xf32, #tpu.memory_space<hbm>> -> memref<10000x64xf32, #tpu.memory_space<hbm>>
      tpu.enqueue_indirect_dma source(%dma_start3A_224 : memref<10000x64xf32, #tpu.memory_space<hbm>>) target(%arg18 : memref<125x64xf32, #tpu.memory_space<vmem>>) offsets(%dma_start3A_221 : memref<125xi32, #tpu.memory_space<vmem>>) semaphore(%arg22 : memref<!tpu.dma_semaphore, #tpu.memory_space<semaphore_mem>>)
      "tpu.region"() ({
        %run_scoped3A_241 = tpu.sem_alloc : memref<!tpu.dma_semaphore, #tpu.memory_space<semaphore_mem>>
        %dma_start3A_242 = arith.constant 0 : i32
        %dma_start3A_243 = tpu.memref_slice %arg14[%mul3A_209, %dma_start3A_242] : memref<50x125xi32, #tpu.memory_space<vmem>> -> memref<1x125xi32, #tpu.memory_space<vmem>>
        %dma_start3A_244 = tpu.memref_squeeze %dma_start3A_243 : memref<1x125xi32, #tpu.memory_space<vmem>> -> memref<125xi32, #tpu.memory_space<vmem>>
        %dma_start3A_245 = arith.constant 0 : i32
        %dma_start3A_246 = arith.constant 0 : i32
        %dma_start3A_247 = tpu.memref_slice %arg10[%dma_start3A_245, %dma_start3A_246] : memref<10000x64xf32, #tpu.memory_space<vmem_shared>> -> memref<10000x64xf32, #tpu.memory_space<vmem_shared>>
        tpu.enqueue_indirect_dma source(%arg17 : memref<125x64xf32, #tpu.memory_space<vmem>>) target(%dma_start3A_247 : memref<10000x64xf32, #tpu.memory_space<vmem_shared>>) offsets(%dma_start3A_244 : memref<125xi32, #tpu.memory_space<vmem>>) semaphore(%run_scoped3A_241 : memref<!tpu.dma_semaphore, #tpu.memory_space<semaphore_mem>>) {add = true}
        %dma_wait3A_248 = arith.constant 0 : i32
        %dma_wait3A_249 = tpu.memref_slice %arg14[%mul3A_209, %dma_wait3A_248] : memref<50x125xi32, #tpu.memory_space<vmem>> -> memref<1x125xi32, #tpu.memory_space<vmem>>
        %dma_wait3A_250 = tpu.memref_squeeze %dma_wait3A_249 : memref<1x125xi32, #tpu.memory_space<vmem>> -> memref<125xi32, #tpu.memory_space<vmem>>
        %dma_wait3A_251 = arith.constant 0 : i32
        %dma_wait3A_252 = arith.constant 0 : i32
        %dma_wait3A_253 = tpu.memref_slice %arg10[%dma_wait3A_251, %dma_wait3A_252] : memref<10000x64xf32, #tpu.memory_space<vmem_shared>> -> memref<10000x64xf32, #tpu.memory_space<vmem_shared>>
        tpu.wait_indirect_dma semaphore(%run_scoped3A_241 : memref<!tpu.dma_semaphore, #tpu.memory_space<semaphore_mem>>) src(%arg17 : memref<125x64xf32, #tpu.memory_space<vmem>>) dst(%dma_wait3A_253 : memref<10000x64xf32, #tpu.memory_space<vmem_shared>>)
        tpu.yield
      }) : () -> ()
      %dma_wait3A_225 = arith.constant 0 : i32
      %dma_wait3A_226 = arith.constant 0 : i32
      %dma_wait3A_227 = tpu.memref_slice %arg13[%dma_wait3A_225, %dma_wait3A_226] : memref<50x125xi32, #tpu.memory_space<vmem>> -> memref<1x125xi32, #tpu.memory_space<vmem>>
      %dma_wait3A_228 = tpu.memref_squeeze %dma_wait3A_227 : memref<1x125xi32, #tpu.memory_space<vmem>> -> memref<125xi32, #tpu.memory_space<vmem>>
      %dma_wait3A_229 = arith.constant 0 : i32
      %dma_wait3A_230 = arith.constant 0 : i32
      %dma_wait3A_231 = tpu.memref_slice %arg2[%dma_wait3A_229, %dma_wait3A_230] : memref<10000x64xf32, #tpu.memory_space<hbm>> -> memref<10000x64xf32, #tpu.memory_space<hbm>>
      tpu.wait_indirect_dma semaphore(%arg22 : memref<!tpu.dma_semaphore, #tpu.memory_space<semaphore_mem>>) src(%dma_wait3A_231 : memref<10000x64xf32, #tpu.memory_space<hbm>>) dst(%arg18 : memref<125x64xf32, #tpu.memory_space<vmem>>)
      %add3A_232 = arith.constant 2 : i32
      %add3A_233 = arith.addi %mul3A_209, %add3A_232 : i32
      %min3A = arith.constant 49 : i32
      %min3A_234 = arith.minsi %add3A_233, %min3A : i32
      %dma_start3A_235 = arith.constant 0 : i32
      %dma_start3A_236 = tpu.memref_slice %arg13[%min3A_234, %dma_start3A_235] : memref<50x125xi32, #tpu.memory_space<vmem>> -> memref<1x125xi32, #tpu.memory_space<vmem>>
      %dma_start3A_237 = tpu.memref_squeeze %dma_start3A_236 : memref<1x125xi32, #tpu.memory_space<vmem>> -> memref<125xi32, #tpu.memory_space<vmem>>
      %dma_start3A_238 = arith.constant 0 : i32
      %dma_start3A_239 = arith.constant 0 : i32
      %dma_start3A_240 = tpu.memref_slice %arg2[%dma_start3A_238, %dma_start3A_239] : memref<10000x64xf32, #tpu.memory_space<hbm>> -> memref<10000x64xf32, #tpu.memory_space<hbm>>
      tpu.enqueue_indirect_dma source(%dma_start3A_240 : memref<10000x64xf32, #tpu.memory_space<hbm>>) target(%arg17 : memref<125x64xf32, #tpu.memory_space<vmem>>) offsets(%dma_start3A_237 : memref<125xi32, #tpu.memory_space<vmem>>) semaphore(%arg21 : memref<!tpu.dma_semaphore, #tpu.memory_space<semaphore_mem>>)
      "tpu.region"() ({
        %run_scoped3A_241 = tpu.sem_alloc : memref<!tpu.dma_semaphore, #tpu.memory_space<semaphore_mem>>
        %dma_start3A_242 = arith.constant 0 : i32
        %dma_start3A_243 = tpu.memref_slice %arg14[%add3A_211, %dma_start3A_242] : memref<50x125xi32, #tpu.memory_space<vmem>> -> memref<1x125xi32, #tpu.memory_space<vmem>>
        %dma_start3A_244 = tpu.memref_squeeze %dma_start3A_243 : memref<1x125xi32, #tpu.memory_space<vmem>> -> memref<125xi32, #tpu.memory_space<vmem>>
        %dma_start3A_245 = arith.constant 0 : i32
        %dma_start3A_246 = arith.constant 0 : i32
        %dma_start3A_247 = tpu.memref_slice %arg10[%dma_start3A_245, %dma_start3A_246] : memref<10000x64xf32, #tpu.memory_space<vmem_shared>> -> memref<10000x64xf32, #tpu.memory_space<vmem_shared>>
        tpu.enqueue_indirect_dma source(%arg18 : memref<125x64xf32, #tpu.memory_space<vmem>>) target(%dma_start3A_247 : memref<10000x64xf32, #tpu.memory_space<vmem_shared>>) offsets(%dma_start3A_244 : memref<125xi32, #tpu.memory_space<vmem>>) semaphore(%run_scoped3A_241 : memref<!tpu.dma_semaphore, #tpu.memory_space<semaphore_mem>>) {add = true}
        %dma_wait3A_248 = arith.constant 0 : i32
        %dma_wait3A_249 = tpu.memref_slice %arg14[%add3A_211, %dma_wait3A_248] : memref<50x125xi32, #tpu.memory_space<vmem>> -> memref<1x125xi32, #tpu.memory_space<vmem>>
        %dma_wait3A_250 = tpu.memref_squeeze %dma_wait3A_249 : memref<1x125xi32, #tpu.memory_space<vmem>> -> memref<125xi32, #tpu.memory_space<vmem>>
        %dma_wait3A_251 = arith.constant 0 : i32
        %dma_wait3A_252 = arith.constant 0 : i32
        %dma_wait3A_253 = tpu.memref_slice %arg10[%dma_wait3A_251, %dma_wait3A_252] : memref<10000x64xf32, #tpu.memory_space<vmem_shared>> -> memref<10000x64xf32, #tpu.memory_space<vmem_shared>>
        tpu.wait_indirect_dma semaphore(%run_scoped3A_241 : memref<!tpu.dma_semaphore, #tpu.memory_space<semaphore_mem>>) src(%arg18 : memref<125x64xf32, #tpu.memory_space<vmem>>) dst(%dma_wait3A_253 : memref<10000x64xf32, #tpu.memory_space<vmem_shared>>)
        tpu.yield
      }) : () -> ()
    }
    %scan3A_132 = arith.constant 25 : i32
    %dma_wait3A = arith.constant 0 : i32
    %dma_wait3A_133 = arith.constant 0 : i32
    %dma_wait3A_134 = tpu.memref_slice %arg13[%dma_wait3A, %dma_wait3A_133] : memref<50x125xi32, #tpu.memory_space<vmem>> -> memref<1x125xi32, #tpu.memory_space<vmem>>
    %dma_wait3A_135 = tpu.memref_squeeze %dma_wait3A_134 : memref<1x125xi32, #tpu.memory_space<vmem>> -> memref<125xi32, #tpu.memory_space<vmem>>
    %dma_wait3A_136 = arith.constant 0 : i32
    %dma_wait3A_137 = arith.constant 0 : i32
    %dma_wait3A_138 = tpu.memref_slice %arg2[%dma_wait3A_136, %dma_wait3A_137] : memref<10000x64xf32, #tpu.memory_space<hbm>> -> memref<10000x64xf32, #tpu.memory_space<hbm>>
    tpu.wait_indirect_dma semaphore(%arg21 : memref<!tpu.dma_semaphore, #tpu.memory_space<semaphore_mem>>) src(%dma_wait3A_138 : memref<10000x64xf32, #tpu.memory_space<hbm>>) dst(%arg17 : memref<125x64xf32, #tpu.memory_space<vmem>>)
    %dma_start3A_139 = arith.constant 0 : i32
    %dma_start3A_140 = arith.constant 0 : i32
    %dma_start3A_141 = tpu.memref_slice %arg15[%dma_start3A_139, %dma_start3A_140] : memref<5x125xi32, #tpu.memory_space<vmem>> -> memref<1x125xi32, #tpu.memory_space<vmem>>
    %dma_start3A_142 = tpu.memref_squeeze %dma_start3A_141 : memref<1x125xi32, #tpu.memory_space<vmem>> -> memref<125xi32, #tpu.memory_space<vmem>>
    %dma_start3A_143 = arith.constant 0 : i32
    %dma_start3A_144 = arith.constant 0 : i32
    %dma_start3A_145 = tpu.memref_slice %arg3[%dma_start3A_143, %dma_start3A_144] : memref<10000x64xf32, #tpu.memory_space<hbm>> -> memref<10000x64xf32, #tpu.memory_space<hbm>>
    tpu.enqueue_indirect_dma source(%dma_start3A_145 : memref<10000x64xf32, #tpu.memory_space<hbm>>) target(%arg17 : memref<125x64xf32, #tpu.memory_space<vmem>>) offsets(%dma_start3A_142 : memref<125xi32, #tpu.memory_space<vmem>>) semaphore(%arg21 : memref<!tpu.dma_semaphore, #tpu.memory_space<semaphore_mem>>)
    %scan3A_146 = arith.constant 0 : i32
    %scan3A_147 = arith.constant 0 : i32
    %scan3A_148 = arith.constant 2 : i32
    %scan3A_149 = arith.addi %scan3A_147, %scan3A_148 : i32
    %scan3A_150 = arith.constant 1 : i32
    scf.for %scan3A_207 = %scan3A_147 to %scan3A_149 step %scan3A_150  : i32 {
      %mul3A_208 = arith.constant 2 : i32
      %mul3A_209 = arith.muli %mul3A_208, %scan3A_207 : i32
      %add3A_210 = arith.constant 1 : i32
      %add3A_211 = arith.addi %mul3A_209, %add3A_210 : i32
      %dma_wait3A_212 = arith.constant 0 : i32
      %dma_wait3A_213 = arith.constant 0 : i32
      %dma_wait3A_214 = tpu.memref_slice %arg13[%dma_wait3A_212, %dma_wait3A_213] : memref<50x125xi32, #tpu.memory_space<vmem>> -> memref<1x125xi32, #tpu.memory_space<vmem>>
      %dma_wait3A_215 = tpu.memref_squeeze %dma_wait3A_214 : memref<1x125xi32, #tpu.memory_space<vmem>> -> memref<125xi32, #tpu.memory_space<vmem>>
      %dma_wait3A_216 = arith.constant 0 : i32
      %dma_wait3A_217 = arith.constant 0 : i32
      %dma_wait3A_218 = tpu.memref_slice %arg3[%dma_wait3A_216, %dma_wait3A_217] : memref<10000x64xf32, #tpu.memory_space<hbm>> -> memref<10000x64xf32, #tpu.memory_space<hbm>>
      tpu.wait_indirect_dma semaphore(%arg21 : memref<!tpu.dma_semaphore, #tpu.memory_space<semaphore_mem>>) src(%dma_wait3A_218 : memref<10000x64xf32, #tpu.memory_space<hbm>>) dst(%arg17 : memref<125x64xf32, #tpu.memory_space<vmem>>)
      %dma_start3A_219 = arith.constant 0 : i32
      %dma_start3A_220 = tpu.memref_slice %arg15[%add3A_211, %dma_start3A_219] : memref<5x125xi32, #tpu.memory_space<vmem>> -> memref<1x125xi32, #tpu.memory_space<vmem>>
      %dma_start3A_221 = tpu.memref_squeeze %dma_start3A_220 : memref<1x125xi32, #tpu.memory_space<vmem>> -> memref<125xi32, #tpu.memory_space<vmem>>
      %dma_start3A_222 = arith.constant 0 : i32
      %dma_start3A_223 = arith.constant 0 : i32
      %dma_start3A_224 = tpu.memref_slice %arg3[%dma_start3A_222, %dma_start3A_223] : memref<10000x64xf32, #tpu.memory_space<hbm>> -> memref<10000x64xf32, #tpu.memory_space<hbm>>
      tpu.enqueue_indirect_dma source(%dma_start3A_224 : memref<10000x64xf32, #tpu.memory_space<hbm>>) target(%arg18 : memref<125x64xf32, #tpu.memory_space<vmem>>) offsets(%dma_start3A_221 : memref<125xi32, #tpu.memory_space<vmem>>) semaphore(%arg22 : memref<!tpu.dma_semaphore, #tpu.memory_space<semaphore_mem>>)
      "tpu.region"() ({
        %run_scoped3A_241 = tpu.sem_alloc : memref<!tpu.dma_semaphore, #tpu.memory_space<semaphore_mem>>
        %dma_start3A_242 = arith.constant 0 : i32
        %dma_start3A_243 = tpu.memref_slice %arg16[%mul3A_209, %dma_start3A_242] : memref<5x125xi32, #tpu.memory_space<vmem>> -> memref<1x125xi32, #tpu.memory_space<vmem>>
        %dma_start3A_244 = tpu.memref_squeeze %dma_start3A_243 : memref<1x125xi32, #tpu.memory_space<vmem>> -> memref<125xi32, #tpu.memory_space<vmem>>
        %dma_start3A_245 = arith.constant 0 : i32
        %dma_start3A_246 = arith.constant 0 : i32
        %dma_start3A_247 = tpu.memref_slice %arg11[%dma_start3A_245, %dma_start3A_246] : memref<10000x64xf32, #tpu.memory_space<vmem_shared>> -> memref<10000x64xf32, #tpu.memory_space<vmem_shared>>
        tpu.enqueue_indirect_dma source(%arg17 : memref<125x64xf32, #tpu.memory_space<vmem>>) target(%dma_start3A_247 : memref<10000x64xf32, #tpu.memory_space<vmem_shared>>) offsets(%dma_start3A_244 : memref<125xi32, #tpu.memory_space<vmem>>) semaphore(%run_scoped3A_241 : memref<!tpu.dma_semaphore, #tpu.memory_space<semaphore_mem>>) {add = true}
        %dma_wait3A_248 = arith.constant 0 : i32
        %dma_wait3A_249 = tpu.memref_slice %arg16[%mul3A_209, %dma_wait3A_248] : memref<5x125xi32, #tpu.memory_space<vmem>> -> memref<1x125xi32, #tpu.memory_space<vmem>>
        %dma_wait3A_250 = tpu.memref_squeeze %dma_wait3A_249 : memref<1x125xi32, #tpu.memory_space<vmem>> -> memref<125xi32, #tpu.memory_space<vmem>>
        %dma_wait3A_251 = arith.constant 0 : i32
        %dma_wait3A_252 = arith.constant 0 : i32
        %dma_wait3A_253 = tpu.memref_slice %arg11[%dma_wait3A_251, %dma_wait3A_252] : memref<10000x64xf32, #tpu.memory_space<vmem_shared>> -> memref<10000x64xf32, #tpu.memory_space<vmem_shared>>
        tpu.wait_indirect_dma semaphore(%run_scoped3A_241 : memref<!tpu.dma_semaphore, #tpu.memory_space<semaphore_mem>>) src(%arg17 : memref<125x64xf32, #tpu.memory_space<vmem>>) dst(%dma_wait3A_253 : memref<10000x64xf32, #tpu.memory_space<vmem_shared>>)
        tpu.yield
      }) : () -> ()
      %dma_wait3A_225 = arith.constant 0 : i32
      %dma_wait3A_226 = arith.constant 0 : i32
      %dma_wait3A_227 = tpu.memref_slice %arg13[%dma_wait3A_225, %dma_wait3A_226] : memref<50x125xi32, #tpu.memory_space<vmem>> -> memref<1x125xi32, #tpu.memory_space<vmem>>
      %dma_wait3A_228 = tpu.memref_squeeze %dma_wait3A_227 : memref<1x125xi32, #tpu.memory_space<vmem>> -> memref<125xi32, #tpu.memory_space<vmem>>
      %dma_wait3A_229 = arith.constant 0 : i32
      %dma_wait3A_230 = arith.constant 0 : i32
      %dma_wait3A_231 = tpu.memref_slice %arg3[%dma_wait3A_229, %dma_wait3A_230] : memref<10000x64xf32, #tpu.memory_space<hbm>> -> memref<10000x64xf32, #tpu.memory_space<hbm>>
      tpu.wait_indirect_dma semaphore(%arg22 : memref<!tpu.dma_semaphore, #tpu.memory_space<semaphore_mem>>) src(%dma_wait3A_231 : memref<10000x64xf32, #tpu.memory_space<hbm>>) dst(%arg18 : memref<125x64xf32, #tpu.memory_space<vmem>>)
      %add3A_232 = arith.constant 2 : i32
      %add3A_233 = arith.addi %mul3A_209, %add3A_232 : i32
      %min3A = arith.constant 4 : i32
      %min3A_234 = arith.minsi %add3A_233, %min3A : i32
      %dma_start3A_235 = arith.constant 0 : i32
      %dma_start3A_236 = tpu.memref_slice %arg15[%min3A_234, %dma_start3A_235] : memref<5x125xi32, #tpu.memory_space<vmem>> -> memref<1x125xi32, #tpu.memory_space<vmem>>
      %dma_start3A_237 = tpu.memref_squeeze %dma_start3A_236 : memref<1x125xi32, #tpu.memory_space<vmem>> -> memref<125xi32, #tpu.memory_space<vmem>>
      %dma_start3A_238 = arith.constant 0 : i32
      %dma_start3A_239 = arith.constant 0 : i32
      %dma_start3A_240 = tpu.memref_slice %arg3[%dma_start3A_238, %dma_start3A_239] : memref<10000x64xf32, #tpu.memory_space<hbm>> -> memref<10000x64xf32, #tpu.memory_space<hbm>>
      tpu.enqueue_indirect_dma source(%dma_start3A_240 : memref<10000x64xf32, #tpu.memory_space<hbm>>) target(%arg17 : memref<125x64xf32, #tpu.memory_space<vmem>>) offsets(%dma_start3A_237 : memref<125xi32, #tpu.memory_space<vmem>>) semaphore(%arg21 : memref<!tpu.dma_semaphore, #tpu.memory_space<semaphore_mem>>)
      "tpu.region"() ({
        %run_scoped3A_241 = tpu.sem_alloc : memref<!tpu.dma_semaphore, #tpu.memory_space<semaphore_mem>>
        %dma_start3A_242 = arith.constant 0 : i32
        %dma_start3A_243 = tpu.memref_slice %arg16[%add3A_211, %dma_start3A_242] : memref<5x125xi32, #tpu.memory_space<vmem>> -> memref<1x125xi32, #tpu.memory_space<vmem>>
        %dma_start3A_244 = tpu.memref_squeeze %dma_start3A_243 : memref<1x125xi32, #tpu.memory_space<vmem>> -> memref<125xi32, #tpu.memory_space<vmem>>
        %dma_start3A_245 = arith.constant 0 : i32
        %dma_start3A_246 = arith.constant 0 : i32
        %dma_start3A_247 = tpu.memref_slice %arg11[%dma_start3A_245, %dma_start3A_246] : memref<10000x64xf32, #tpu.memory_space<vmem_shared>> -> memref<10000x64xf32, #tpu.memory_space<vmem_shared>>
        tpu.enqueue_indirect_dma source(%arg18 : memref<125x64xf32, #tpu.memory_space<vmem>>) target(%dma_start3A_247 : memref<10000x64xf32, #tpu.memory_space<vmem_shared>>) offsets(%dma_start3A_244 : memref<125xi32, #tpu.memory_space<vmem>>) semaphore(%run_scoped3A_241 : memref<!tpu.dma_semaphore, #tpu.memory_space<semaphore_mem>>) {add = true}
        %dma_wait3A_248 = arith.constant 0 : i32
        %dma_wait3A_249 = tpu.memref_slice %arg16[%add3A_211, %dma_wait3A_248] : memref<5x125xi32, #tpu.memory_space<vmem>> -> memref<1x125xi32, #tpu.memory_space<vmem>>
        %dma_wait3A_250 = tpu.memref_squeeze %dma_wait3A_249 : memref<1x125xi32, #tpu.memory_space<vmem>> -> memref<125xi32, #tpu.memory_space<vmem>>
        %dma_wait3A_251 = arith.constant 0 : i32
        %dma_wait3A_252 = arith.constant 0 : i32
        %dma_wait3A_253 = tpu.memref_slice %arg11[%dma_wait3A_251, %dma_wait3A_252] : memref<10000x64xf32, #tpu.memory_space<vmem_shared>> -> memref<10000x64xf32, #tpu.memory_space<vmem_shared>>
        tpu.wait_indirect_dma semaphore(%run_scoped3A_241 : memref<!tpu.dma_semaphore, #tpu.memory_space<semaphore_mem>>) src(%arg18 : memref<125x64xf32, #tpu.memory_space<vmem>>) dst(%dma_wait3A_253 : memref<10000x64xf32, #tpu.memory_space<vmem_shared>>)
        tpu.yield
      }) : () -> ()
    }
    %scan3A_151 = arith.constant 2 : i32
    %dma_wait3A_152 = arith.constant 0 : i32
    %dma_wait3A_153 = arith.constant 0 : i32
    %dma_wait3A_154 = tpu.memref_slice %arg13[%dma_wait3A_152, %dma_wait3A_153] : memref<50x125xi32, #tpu.memory_space<vmem>> -> memref<1x125xi32, #tpu.memory_space<vmem>>
    %dma_wait3A_155 = tpu.memref_squeeze %dma_wait3A_154 : memref<1x125xi32, #tpu.memory_space<vmem>> -> memref<125xi32, #tpu.memory_space<vmem>>
    %dma_wait3A_156 = arith.constant 0 : i32
    %dma_wait3A_157 = arith.constant 0 : i32
    %dma_wait3A_158 = tpu.memref_slice %arg3[%dma_wait3A_156, %dma_wait3A_157] : memref<10000x64xf32, #tpu.memory_space<hbm>> -> memref<10000x64xf32, #tpu.memory_space<hbm>>
    tpu.wait_indirect_dma semaphore(%arg21 : memref<!tpu.dma_semaphore, #tpu.memory_space<semaphore_mem>>) src(%dma_wait3A_158 : memref<10000x64xf32, #tpu.memory_space<hbm>>) dst(%arg17 : memref<125x64xf32, #tpu.memory_space<vmem>>)
    %run_scoped3A_159 = arith.constant 4 : i32
    "tpu.region"() ({
      %run_scoped3A_207 = tpu.sem_alloc : memref<!tpu.dma_semaphore, #tpu.memory_space<semaphore_mem>>
      %dma_start3A_208 = arith.constant 0 : i32
      %dma_start3A_209 = tpu.memref_slice %arg16[%run_scoped3A_159, %dma_start3A_208] : memref<5x125xi32, #tpu.memory_space<vmem>> -> memref<1x125xi32, #tpu.memory_space<vmem>>
      %dma_start3A_210 = tpu.memref_squeeze %dma_start3A_209 : memref<1x125xi32, #tpu.memory_space<vmem>> -> memref<125xi32, #tpu.memory_space<vmem>>
      %dma_start3A_211 = arith.constant 0 : i32
      %dma_start3A_212 = arith.constant 0 : i32
      %dma_start3A_213 = tpu.memref_slice %arg11[%dma_start3A_211, %dma_start3A_212] : memref<10000x64xf32, #tpu.memory_space<vmem_shared>> -> memref<10000x64xf32, #tpu.memory_space<vmem_shared>>
      tpu.enqueue_indirect_dma source(%arg17 : memref<125x64xf32, #tpu.memory_space<vmem>>) target(%dma_start3A_213 : memref<10000x64xf32, #tpu.memory_space<vmem_shared>>) offsets(%dma_start3A_210 : memref<125xi32, #tpu.memory_space<vmem>>) semaphore(%run_scoped3A_207 : memref<!tpu.dma_semaphore, #tpu.memory_space<semaphore_mem>>) {add = true}
      %dma_wait3A_214 = arith.constant 0 : i32
      %dma_wait3A_215 = tpu.memref_slice %arg16[%run_scoped3A_159, %dma_wait3A_214] : memref<5x125xi32, #tpu.memory_space<vmem>> -> memref<1x125xi32, #tpu.memory_space<vmem>>
      %dma_wait3A_216 = tpu.memref_squeeze %dma_wait3A_215 : memref<1x125xi32, #tpu.memory_space<vmem>> -> memref<125xi32, #tpu.memory_space<vmem>>
      %dma_wait3A_217 = arith.constant 0 : i32
      %dma_wait3A_218 = arith.constant 0 : i32
      %dma_wait3A_219 = tpu.memref_slice %arg11[%dma_wait3A_217, %dma_wait3A_218] : memref<10000x64xf32, #tpu.memory_space<vmem_shared>> -> memref<10000x64xf32, #tpu.memory_space<vmem_shared>>
      tpu.wait_indirect_dma semaphore(%run_scoped3A_207 : memref<!tpu.dma_semaphore, #tpu.memory_space<semaphore_mem>>) src(%arg17 : memref<125x64xf32, #tpu.memory_space<vmem>>) dst(%dma_wait3A_219 : memref<10000x64xf32, #tpu.memory_space<vmem_shared>>)
      tpu.yield
    }) : () -> ()
    %dma_wait3A_160 = arith.constant 0 : i32
    %dma_wait3A_161 = arith.constant 0 : i32
    %dma_wait3A_162 = tpu.memref_slice %arg16[%dma_wait3A_160, %dma_wait3A_161] : memref<5x125xi32, #tpu.memory_space<vmem>> -> memref<1x125xi32, #tpu.memory_space<vmem>>
    %dma_wait3A_163 = tpu.memref_squeeze %dma_wait3A_162 : memref<1x125xi32, #tpu.memory_space<vmem>> -> memref<125xi32, #tpu.memory_space<vmem>>
    %dma_wait3A_164 = arith.constant 0 : i32
    %dma_wait3A_165 = arith.constant 0 : i32
    %dma_wait3A_166 = tpu.memref_slice %arg12[%dma_wait3A_164, %dma_wait3A_165] : memref<10000x16xf32, #tpu.memory_space<vmem_shared>> -> memref<10000x16xf32, #tpu.memory_space<vmem_shared>>
    tpu.wait_indirect_dma semaphore(%arg23 : memref<!tpu.dma_semaphore, #tpu.memory_space<semaphore_mem>>) src(%arg20 : memref<125x16xf32, #tpu.memory_space<vmem>>) dst(%dma_wait3A_166 : memref<10000x16xf32, #tpu.memory_space<vmem_shared>>)
    %dma_wait3A_167 = arith.constant 0 : i32
    %dma_wait3A_168 = arith.constant 0 : i32
    %dma_wait3A_169 = tpu.memref_slice %arg16[%dma_wait3A_167, %dma_wait3A_168] : memref<5x125xi32, #tpu.memory_space<vmem>> -> memref<1x125xi32, #tpu.memory_space<vmem>>
    %dma_wait3A_170 = tpu.memref_squeeze %dma_wait3A_169 : memref<1x125xi32, #tpu.memory_space<vmem>> -> memref<125xi32, #tpu.memory_space<vmem>>
    %dma_wait3A_171 = arith.constant 0 : i32
    %dma_wait3A_172 = arith.constant 0 : i32
    %dma_wait3A_173 = tpu.memref_slice %arg12[%dma_wait3A_171, %dma_wait3A_172] : memref<10000x16xf32, #tpu.memory_space<vmem_shared>> -> memref<10000x16xf32, #tpu.memory_space<vmem_shared>>
    tpu.wait_indirect_dma semaphore(%arg23 : memref<!tpu.dma_semaphore, #tpu.memory_space<semaphore_mem>>) src(%arg20 : memref<125x16xf32, #tpu.memory_space<vmem>>) dst(%dma_wait3A_173 : memref<10000x16xf32, #tpu.memory_space<vmem_shared>>)
    %dma_wait3A_174 = arith.constant 0 : i32
    %dma_wait3A_175 = arith.constant 0 : i32
    %dma_wait3A_176 = tpu.memref_slice %arg16[%dma_wait3A_174, %dma_wait3A_175] : memref<5x125xi32, #tpu.memory_space<vmem>> -> memref<1x125xi32, #tpu.memory_space<vmem>>
    %dma_wait3A_177 = tpu.memref_squeeze %dma_wait3A_176 : memref<1x125xi32, #tpu.memory_space<vmem>> -> memref<125xi32, #tpu.memory_space<vmem>>
    %dma_wait3A_178 = arith.constant 0 : i32
    %dma_wait3A_179 = arith.constant 0 : i32
    %dma_wait3A_180 = tpu.memref_slice %arg12[%dma_wait3A_178, %dma_wait3A_179] : memref<10000x16xf32, #tpu.memory_space<vmem_shared>> -> memref<10000x16xf32, #tpu.memory_space<vmem_shared>>
    tpu.wait_indirect_dma semaphore(%arg23 : memref<!tpu.dma_semaphore, #tpu.memory_space<semaphore_mem>>) src(%arg20 : memref<125x16xf32, #tpu.memory_space<vmem>>) dst(%dma_wait3A_180 : memref<10000x16xf32, #tpu.memory_space<vmem_shared>>)
    %dma_wait3A_181 = arith.constant 0 : i32
    %dma_wait3A_182 = arith.constant 0 : i32
    %dma_wait3A_183 = tpu.memref_slice %arg16[%dma_wait3A_181, %dma_wait3A_182] : memref<5x125xi32, #tpu.memory_space<vmem>> -> memref<1x125xi32, #tpu.memory_space<vmem>>
    %dma_wait3A_184 = tpu.memref_squeeze %dma_wait3A_183 : memref<1x125xi32, #tpu.memory_space<vmem>> -> memref<125xi32, #tpu.memory_space<vmem>>
    %dma_wait3A_185 = arith.constant 0 : i32
    %dma_wait3A_186 = arith.constant 0 : i32
    %dma_wait3A_187 = tpu.memref_slice %arg12[%dma_wait3A_185, %dma_wait3A_186] : memref<10000x16xf32, #tpu.memory_space<vmem_shared>> -> memref<10000x16xf32, #tpu.memory_space<vmem_shared>>
    tpu.wait_indirect_dma semaphore(%arg23 : memref<!tpu.dma_semaphore, #tpu.memory_space<semaphore_mem>>) src(%arg20 : memref<125x16xf32, #tpu.memory_space<vmem>>) dst(%dma_wait3A_187 : memref<10000x16xf32, #tpu.memory_space<vmem_shared>>)
    %dma_wait3A_188 = arith.constant 0 : i32
    %dma_wait3A_189 = arith.constant 0 : i32
    %dma_wait3A_190 = tpu.memref_slice %arg16[%dma_wait3A_188, %dma_wait3A_189] : memref<5x125xi32, #tpu.memory_space<vmem>> -> memref<1x125xi32, #tpu.memory_space<vmem>>
    %dma_wait3A_191 = tpu.memref_squeeze %dma_wait3A_190 : memref<1x125xi32, #tpu.memory_space<vmem>> -> memref<125xi32, #tpu.memory_space<vmem>>
    %dma_wait3A_192 = arith.constant 0 : i32
    %dma_wait3A_193 = arith.constant 0 : i32
    %dma_wait3A_194 = tpu.memref_slice %arg12[%dma_wait3A_192, %dma_wait3A_193] : memref<10000x16xf32, #tpu.memory_space<vmem_shared>> -> memref<10000x16xf32, #tpu.memory_space<vmem_shared>>
    tpu.wait_indirect_dma semaphore(%arg23 : memref<!tpu.dma_semaphore, #tpu.memory_space<semaphore_mem>>) src(%arg20 : memref<125x16xf32, #tpu.memory_space<vmem>>) dst(%dma_wait3A_194 : memref<10000x16xf32, #tpu.memory_space<vmem_shared>>)
    %barrier3A_195 = arith.constant 0 : index
    tpu.barrier barrier_id(%barrier3A_195)
    %mul3A_196 = arith.constant 624 : i32
    %mul3A_197 = arith.muli %arg1, %mul3A_196 : i32
    %lt3A = arith.constant 15 : i32
    %lt3A_198 = arith.cmpi slt, %arg1, %lt3A : i32
    %convert_element_type3A_199 = arith.extui %lt3A_198 : i1 to i32
    %cond3A_200 = arith.constant 0 : i32
    %cond3A_201 = arith.cmpi ne, %convert_element_type3A_199, %cond3A_200 : i32
    scf.if %cond3A_201 {
      "tpu.region"() ({
        %run_scoped3A_207 = tpu.sem_alloc : memref<!tpu.dma_semaphore, #tpu.memory_space<semaphore_mem>>
        %dma_start3A_208 = arith.constant 0 : i32
        %dma_start3A_209 = tpu.memref_slice %arg7[%arg0, %mul3A_197, %dma_start3A_208] : memref<2x10000x64xf32, #tpu.memory_space<hbm>> -> memref<1x624x64xf32, #tpu.memory_space<hbm>>
        %dma_start3A_210 = tpu.memref_squeeze %dma_start3A_209 : memref<1x624x64xf32, #tpu.memory_space<hbm>> -> memref<624x64xf32, #tpu.memory_space<hbm>>
        %dma_start3A_211 = arith.constant 0 : i32
        %dma_start3A_212 = tpu.memref_slice %arg10[%mul3A_197, %dma_start3A_211] : memref<10000x64xf32, #tpu.memory_space<vmem_shared>> -> memref<624x64xf32, #tpu.memory_space<vmem_shared>>
        tpu.enqueue_dma source(%dma_start3A_212 : memref<624x64xf32, #tpu.memory_space<vmem_shared>>) target(%dma_start3A_210 : memref<624x64xf32, #tpu.memory_space<hbm>>) target_semaphore(%run_scoped3A_207 : memref<!tpu.dma_semaphore, #tpu.memory_space<semaphore_mem>>)
        %dma_wait3A_213 = arith.constant 0 : i32
        %dma_wait3A_214 = tpu.memref_slice %arg7[%arg0, %mul3A_197, %dma_wait3A_213] : memref<2x10000x64xf32, #tpu.memory_space<hbm>> -> memref<1x624x64xf32, #tpu.memory_space<hbm>>
        %dma_wait3A_215 = tpu.memref_squeeze %dma_wait3A_214 : memref<1x624x64xf32, #tpu.memory_space<hbm>> -> memref<624x64xf32, #tpu.memory_space<hbm>>
        %dma_wait3A_216 = arith.constant 0 : i32
        %dma_wait3A_217 = tpu.memref_slice %arg10[%mul3A_197, %dma_wait3A_216] : memref<10000x64xf32, #tpu.memory_space<vmem_shared>> -> memref<624x64xf32, #tpu.memory_space<vmem_shared>>
        tpu.wait_dma2 semaphore(%run_scoped3A_207 : memref<!tpu.dma_semaphore, #tpu.memory_space<semaphore_mem>>) src(%dma_wait3A_217 : memref<624x64xf32, #tpu.memory_space<vmem_shared>>) dst(%dma_wait3A_215 : memref<624x64xf32, #tpu.memory_space<hbm>>)
        tpu.yield
      }) : () -> ()
      "tpu.region"() ({
        %run_scoped3A_207 = tpu.sem_alloc : memref<!tpu.dma_semaphore, #tpu.memory_space<semaphore_mem>>
        %dma_start3A_208 = arith.constant 0 : i32
        %dma_start3A_209 = tpu.memref_slice %arg8[%arg0, %mul3A_197, %dma_start3A_208] : memref<2x10000x64xf32, #tpu.memory_space<hbm>> -> memref<1x624x64xf32, #tpu.memory_space<hbm>>
        %dma_start3A_210 = tpu.memref_squeeze %dma_start3A_209 : memref<1x624x64xf32, #tpu.memory_space<hbm>> -> memref<624x64xf32, #tpu.memory_space<hbm>>
        %dma_start3A_211 = arith.constant 0 : i32
        %dma_start3A_212 = tpu.memref_slice %arg11[%mul3A_197, %dma_start3A_211] : memref<10000x64xf32, #tpu.memory_space<vmem_shared>> -> memref<624x64xf32, #tpu.memory_space<vmem_shared>>
        tpu.enqueue_dma source(%dma_start3A_212 : memref<624x64xf32, #tpu.memory_space<vmem_shared>>) target(%dma_start3A_210 : memref<624x64xf32, #tpu.memory_space<hbm>>) target_semaphore(%run_scoped3A_207 : memref<!tpu.dma_semaphore, #tpu.memory_space<semaphore_mem>>)
        %dma_wait3A_213 = arith.constant 0 : i32
        %dma_wait3A_214 = tpu.memref_slice %arg8[%arg0, %mul3A_197, %dma_wait3A_213] : memref<2x10000x64xf32, #tpu.memory_space<hbm>> -> memref<1x624x64xf32, #tpu.memory_space<hbm>>
        %dma_wait3A_215 = tpu.memref_squeeze %dma_wait3A_214 : memref<1x624x64xf32, #tpu.memory_space<hbm>> -> memref<624x64xf32, #tpu.memory_space<hbm>>
        %dma_wait3A_216 = arith.constant 0 : i32
        %dma_wait3A_217 = tpu.memref_slice %arg11[%mul3A_197, %dma_wait3A_216] : memref<10000x64xf32, #tpu.memory_space<vmem_shared>> -> memref<624x64xf32, #tpu.memory_space<vmem_shared>>
        tpu.wait_dma2 semaphore(%run_scoped3A_207 : memref<!tpu.dma_semaphore, #tpu.memory_space<semaphore_mem>>) src(%dma_wait3A_217 : memref<624x64xf32, #tpu.memory_space<vmem_shared>>) dst(%dma_wait3A_215 : memref<624x64xf32, #tpu.memory_space<hbm>>)
        tpu.yield
      }) : () -> ()
      "tpu.region"() ({
        %run_scoped3A_207 = tpu.sem_alloc : memref<!tpu.dma_semaphore, #tpu.memory_space<semaphore_mem>>
        %dma_start3A_208 = arith.constant 0 : i32
        %dma_start3A_209 = tpu.memref_slice %arg9[%arg0, %mul3A_197, %dma_start3A_208] : memref<2x10000x16xf32, #tpu.memory_space<hbm>> -> memref<1x624x16xf32, #tpu.memory_space<hbm>>
        %dma_start3A_210 = tpu.memref_squeeze %dma_start3A_209 : memref<1x624x16xf32, #tpu.memory_space<hbm>> -> memref<624x16xf32, #tpu.memory_space<hbm>>
        %dma_start3A_211 = arith.constant 0 : i32
        %dma_start3A_212 = tpu.memref_slice %arg12[%mul3A_197, %dma_start3A_211] : memref<10000x16xf32, #tpu.memory_space<vmem_shared>> -> memref<624x16xf32, #tpu.memory_space<vmem_shared>>
        tpu.enqueue_dma source(%dma_start3A_212 : memref<624x16xf32, #tpu.memory_space<vmem_shared>>) target(%dma_start3A_210 : memref<624x16xf32, #tpu.memory_space<hbm>>) target_semaphore(%run_scoped3A_207 : memref<!tpu.dma_semaphore, #tpu.memory_space<semaphore_mem>>)
        %dma_wait3A_213 = arith.constant 0 : i32
        %dma_wait3A_214 = tpu.memref_slice %arg9[%arg0, %mul3A_197, %dma_wait3A_213] : memref<2x10000x16xf32, #tpu.memory_space<hbm>> -> memref<1x624x16xf32, #tpu.memory_space<hbm>>
        %dma_wait3A_215 = tpu.memref_squeeze %dma_wait3A_214 : memref<1x624x16xf32, #tpu.memory_space<hbm>> -> memref<624x16xf32, #tpu.memory_space<hbm>>
        %dma_wait3A_216 = arith.constant 0 : i32
        %dma_wait3A_217 = tpu.memref_slice %arg12[%mul3A_197, %dma_wait3A_216] : memref<10000x16xf32, #tpu.memory_space<vmem_shared>> -> memref<624x16xf32, #tpu.memory_space<vmem_shared>>
        tpu.wait_dma2 semaphore(%run_scoped3A_207 : memref<!tpu.dma_semaphore, #tpu.memory_space<semaphore_mem>>) src(%dma_wait3A_217 : memref<624x16xf32, #tpu.memory_space<vmem_shared>>) dst(%dma_wait3A_215 : memref<624x16xf32, #tpu.memory_space<hbm>>)
        tpu.yield
      }) : () -> ()
    } else {
    }
    %eq3A_202 = arith.constant 15 : i32
    %eq3A_203 = arith.cmpi eq, %arg1, %eq3A_202 : i32
    %convert_element_type3A_204 = arith.extui %eq3A_203 : i1 to i32
    %cond3A_205 = arith.constant 0 : i32
    %cond3A_206 = arith.cmpi ne, %convert_element_type3A_204, %cond3A_205 : i32
    scf.if %cond3A_206 {
      "tpu.region"() ({
        %run_scoped3A_207 = tpu.sem_alloc : memref<!tpu.dma_semaphore, #tpu.memory_space<semaphore_mem>>
        %dma_start3A_208 = arith.constant 9360 : i32
        %dma_start3A_209 = arith.constant 0 : i32
        %dma_start3A_210 = tpu.memref_slice %arg7[%arg0, %dma_start3A_208, %dma_start3A_209] : memref<2x10000x64xf32, #tpu.memory_space<hbm>> -> memref<1x640x64xf32, #tpu.memory_space<hbm>>
        %dma_start3A_211 = tpu.memref_squeeze %dma_start3A_210 : memref<1x640x64xf32, #tpu.memory_space<hbm>> -> memref<640x64xf32, #tpu.memory_space<hbm>>
        %dma_start3A_212 = arith.constant 9360 : i32
        %dma_start3A_213 = arith.constant 0 : i32
        %dma_start3A_214 = tpu.memref_slice %arg10[%dma_start3A_212, %dma_start3A_213] : memref<10000x64xf32, #tpu.memory_space<vmem_shared>> -> memref<640x64xf32, #tpu.memory_space<vmem_shared>>
        tpu.enqueue_dma source(%dma_start3A_214 : memref<640x64xf32, #tpu.memory_space<vmem_shared>>) target(%dma_start3A_211 : memref<640x64xf32, #tpu.memory_space<hbm>>) target_semaphore(%run_scoped3A_207 : memref<!tpu.dma_semaphore, #tpu.memory_space<semaphore_mem>>)
        %dma_wait3A_215 = arith.constant 9360 : i32
        %dma_wait3A_216 = arith.constant 0 : i32
        %dma_wait3A_217 = tpu.memref_slice %arg7[%arg0, %dma_wait3A_215, %dma_wait3A_216] : memref<2x10000x64xf32, #tpu.memory_space<hbm>> -> memref<1x640x64xf32, #tpu.memory_space<hbm>>
        %dma_wait3A_218 = tpu.memref_squeeze %dma_wait3A_217 : memref<1x640x64xf32, #tpu.memory_space<hbm>> -> memref<640x64xf32, #tpu.memory_space<hbm>>
        %dma_wait3A_219 = arith.constant 9360 : i32
        %dma_wait3A_220 = arith.constant 0 : i32
        %dma_wait3A_221 = tpu.memref_slice %arg10[%dma_wait3A_219, %dma_wait3A_220] : memref<10000x64xf32, #tpu.memory_space<vmem_shared>> -> memref<640x64xf32, #tpu.memory_space<vmem_shared>>
        tpu.wait_dma2 semaphore(%run_scoped3A_207 : memref<!tpu.dma_semaphore, #tpu.memory_space<semaphore_mem>>) src(%dma_wait3A_221 : memref<640x64xf32, #tpu.memory_space<vmem_shared>>) dst(%dma_wait3A_218 : memref<640x64xf32, #tpu.memory_space<hbm>>)
        tpu.yield
      }) : () -> ()
      "tpu.region"() ({
        %run_scoped3A_207 = tpu.sem_alloc : memref<!tpu.dma_semaphore, #tpu.memory_space<semaphore_mem>>
        %dma_start3A_208 = arith.constant 9360 : i32
        %dma_start3A_209 = arith.constant 0 : i32
        %dma_start3A_210 = tpu.memref_slice %arg8[%arg0, %dma_start3A_208, %dma_start3A_209] : memref<2x10000x64xf32, #tpu.memory_space<hbm>> -> memref<1x640x64xf32, #tpu.memory_space<hbm>>
        %dma_start3A_211 = tpu.memref_squeeze %dma_start3A_210 : memref<1x640x64xf32, #tpu.memory_space<hbm>> -> memref<640x64xf32, #tpu.memory_space<hbm>>
        %dma_start3A_212 = arith.constant 9360 : i32
        %dma_start3A_213 = arith.constant 0 : i32
        %dma_start3A_214 = tpu.memref_slice %arg11[%dma_start3A_212, %dma_start3A_213] : memref<10000x64xf32, #tpu.memory_space<vmem_shared>> -> memref<640x64xf32, #tpu.memory_space<vmem_shared>>
        tpu.enqueue_dma source(%dma_start3A_214 : memref<640x64xf32, #tpu.memory_space<vmem_shared>>) target(%dma_start3A_211 : memref<640x64xf32, #tpu.memory_space<hbm>>) target_semaphore(%run_scoped3A_207 : memref<!tpu.dma_semaphore, #tpu.memory_space<semaphore_mem>>)
        %dma_wait3A_215 = arith.constant 9360 : i32
        %dma_wait3A_216 = arith.constant 0 : i32
        %dma_wait3A_217 = tpu.memref_slice %arg8[%arg0, %dma_wait3A_215, %dma_wait3A_216] : memref<2x10000x64xf32, #tpu.memory_space<hbm>> -> memref<1x640x64xf32, #tpu.memory_space<hbm>>
        %dma_wait3A_218 = tpu.memref_squeeze %dma_wait3A_217 : memref<1x640x64xf32, #tpu.memory_space<hbm>> -> memref<640x64xf32, #tpu.memory_space<hbm>>
        %dma_wait3A_219 = arith.constant 9360 : i32
        %dma_wait3A_220 = arith.constant 0 : i32
        %dma_wait3A_221 = tpu.memref_slice %arg11[%dma_wait3A_219, %dma_wait3A_220] : memref<10000x64xf32, #tpu.memory_space<vmem_shared>> -> memref<640x64xf32, #tpu.memory_space<vmem_shared>>
        tpu.wait_dma2 semaphore(%run_scoped3A_207 : memref<!tpu.dma_semaphore, #tpu.memory_space<semaphore_mem>>) src(%dma_wait3A_221 : memref<640x64xf32, #tpu.memory_space<vmem_shared>>) dst(%dma_wait3A_218 : memref<640x64xf32, #tpu.memory_space<hbm>>)
        tpu.yield
      }) : () -> ()
      "tpu.region"() ({
        %run_scoped3A_207 = tpu.sem_alloc : memref<!tpu.dma_semaphore, #tpu.memory_space<semaphore_mem>>
        %dma_start3A_208 = arith.constant 9360 : i32
        %dma_start3A_209 = arith.constant 0 : i32
        %dma_start3A_210 = tpu.memref_slice %arg9[%arg0, %dma_start3A_208, %dma_start3A_209] : memref<2x10000x16xf32, #tpu.memory_space<hbm>> -> memref<1x640x16xf32, #tpu.memory_space<hbm>>
        %dma_start3A_211 = tpu.memref_squeeze %dma_start3A_210 : memref<1x640x16xf32, #tpu.memory_space<hbm>> -> memref<640x16xf32, #tpu.memory_space<hbm>>
        %dma_start3A_212 = arith.constant 9360 : i32
        %dma_start3A_213 = arith.constant 0 : i32
        %dma_start3A_214 = tpu.memref_slice %arg12[%dma_start3A_212, %dma_start3A_213] : memref<10000x16xf32, #tpu.memory_space<vmem_shared>> -> memref<640x16xf32, #tpu.memory_space<vmem_shared>>
        tpu.enqueue_dma source(%dma_start3A_214 : memref<640x16xf32, #tpu.memory_space<vmem_shared>>) target(%dma_start3A_211 : memref<640x16xf32, #tpu.memory_space<hbm>>) target_semaphore(%run_scoped3A_207 : memref<!tpu.dma_semaphore, #tpu.memory_space<semaphore_mem>>)
        %dma_wait3A_215 = arith.constant 9360 : i32
        %dma_wait3A_216 = arith.constant 0 : i32
        %dma_wait3A_217 = tpu.memref_slice %arg9[%arg0, %dma_wait3A_215, %dma_wait3A_216] : memref<2x10000x16xf32, #tpu.memory_space<hbm>> -> memref<1x640x16xf32, #tpu.memory_space<hbm>>
        %dma_wait3A_218 = tpu.memref_squeeze %dma_wait3A_217 : memref<1x640x16xf32, #tpu.memory_space<hbm>> -> memref<640x16xf32, #tpu.memory_space<hbm>>
        %dma_wait3A_219 = arith.constant 9360 : i32
        %dma_wait3A_220 = arith.constant 0 : i32
        %dma_wait3A_221 = tpu.memref_slice %arg12[%dma_wait3A_219, %dma_wait3A_220] : memref<10000x16xf32, #tpu.memory_space<vmem_shared>> -> memref<640x16xf32, #tpu.memory_space<vmem_shared>>
        tpu.wait_dma2 semaphore(%run_scoped3A_207 : memref<!tpu.dma_semaphore, #tpu.memory_space<semaphore_mem>>) src(%dma_wait3A_221 : memref<640x16xf32, #tpu.memory_space<vmem_shared>>) dst(%dma_wait3A_218 : memref<640x16xf32, #tpu.memory_space<hbm>>)
        tpu.yield
      }) : () -> ()
    } else {
    }
    return
  }
}

module attributes {stable_mosaic.version = 14 : i64} {
  func.func @_tc_dense_body(%arg0: i32, %arg1: memref<2x1000x64xf32, #tpu.memory_space<vmem>>, %arg2: memref<2x1000x64xf32, #tpu.memory_space<vmem>>, %arg3: memref<2x1000x16xf32, #tpu.memory_space<vmem>>, %arg4: memref<64x2048xf32, #tpu.memory_space<vmem>>, %arg5: memref<64x32xf32, #tpu.memory_space<vmem>>, %arg6: memref<64x2048xf32, #tpu.memory_space<vmem>>, %arg7: memref<2x1000x32xf32, #tpu.memory_space<vmem>>) attributes {dimension_semantics = [#tpu.dimension_semantics<arbitrary>], iteration_bounds = array<i64: 10>, scalar_prefetch = 0 : i64, scratch_operands = 0 : i64, tpu.core_type = #tpu.core_type<tc>, window_params = [{transform_indices = @transform_0, window_bounds = array<i64: 2, 1000, 64>}, {transform_indices = @transform_1, window_bounds = array<i64: 2, 1000, 64>}, {transform_indices = @transform_2, window_bounds = array<i64: 2, 1000, 16>}, {pipeline_mode = #tpu.pipeline_mode<synchronous>, transform_indices = @transform_3, window_bounds = array<i64: 64, 2048>}, {pipeline_mode = #tpu.pipeline_mode<synchronous>, transform_indices = @transform_4, window_bounds = array<i64: 64, 32>}, {pipeline_mode = #tpu.pipeline_mode<synchronous>, transform_indices = @transform_5, window_bounds = array<i64: 64, 2048>}, {transform_indices = @transform_6, window_bounds = array<i64: 2, 1000, 32>}]} {
    %get3A = arith.constant 0 : index
    %get3A_0 = arith.constant 0 : index
    %get3A_1 = arith.constant 0 : index
    %get3A_2 = vector.load %arg2[%get3A, %get3A_0, %get3A_1] : memref<2x1000x64xf32, #tpu.memory_space<vmem>>, vector<1x1000x64xf32>
    %get3A_3 = vector.shape_cast %get3A_2 : vector<1x1000x64xf32> to vector<1000x64xf32>
    %get3A_4 = arith.constant 1 : index
    %get3A_5 = arith.constant 0 : index
    %get3A_6 = arith.constant 0 : index
    %get3A_7 = vector.load %arg2[%get3A_4, %get3A_5, %get3A_6] : memref<2x1000x64xf32, #tpu.memory_space<vmem>>, vector<1x1000x64xf32>
    %get3A_8 = vector.shape_cast %get3A_7 : vector<1x1000x64xf32> to vector<1000x64xf32>
    %add3A = arith.addf %get3A_3, %get3A_8 : vector<1000x64xf32>
    %get3A_9 = arith.constant 0 : index
    %get3A_10 = arith.constant 0 : index
    %get3A_11 = arith.constant 0 : index
    %get3A_12 = vector.load %arg3[%get3A_9, %get3A_10, %get3A_11] : memref<2x1000x16xf32, #tpu.memory_space<vmem>>, vector<1x1000x1xf32>
    %get3A_13 = vector.shape_cast %get3A_12 : vector<1x1000x1xf32> to vector<1000x1xf32>
    %get3A_14 = arith.constant 1 : index
    %get3A_15 = arith.constant 0 : index
    %get3A_16 = arith.constant 0 : index
    %get3A_17 = vector.load %arg3[%get3A_14, %get3A_15, %get3A_16] : memref<2x1000x16xf32, #tpu.memory_space<vmem>>, vector<1x1000x1xf32>
    %get3A_18 = vector.shape_cast %get3A_17 : vector<1x1000x1xf32> to vector<1000x1xf32>
    %add3A_19 = arith.addf %get3A_13, %get3A_18 : vector<1000x1xf32>
    %get3A_20 = arith.constant 0 : index
    %get3A_21 = arith.constant 0 : index
    %get3A_22 = vector.load %arg4[%get3A_20, %get3A_21] : memref<64x2048xf32, #tpu.memory_space<vmem>>, vector<64x2048xf32>
    %dot_general3A = arith.constant dense<0.000000e+00> : vector<1000x2048xf32>
    %dot_general3A_23 = tpu.matmul %add3A, %get3A_22, %dot_general3A {dimension_numbers = #tpu.dot_dimension_numbers<[1], [0], [0], [1], [0, 0, 1, 1], [], []>, transpose_lhs_hint = false} : vector<1000x64xf32>, vector<64x2048xf32>, vector<1000x2048xf32> -> vector<1000x2048xf32>
    %get3A_24 = arith.constant 0 : index
    %get3A_25 = arith.constant 0 : index
    %get3A_26 = arith.constant 0 : index
    %get3A_27 = vector.load %arg1[%get3A_24, %get3A_25, %get3A_26] : memref<2x1000x64xf32, #tpu.memory_space<vmem>>, vector<1x1000x64xf32>
    %get3A_28 = vector.shape_cast %get3A_27 : vector<1x1000x64xf32> to vector<1000x64xf32>
    %get3A_29 = arith.constant 0 : index
    %get3A_30 = arith.constant 0 : index
    %get3A_31 = vector.load %arg6[%get3A_29, %get3A_30] : memref<64x2048xf32, #tpu.memory_space<vmem>>, vector<64x2048xf32>
    %dot_general3A_32 = arith.constant dense<0.000000e+00> : vector<1000x2048xf32>
    %dot_general3A_33 = tpu.matmul %get3A_28, %get3A_31, %dot_general3A_32 {dimension_numbers = #tpu.dot_dimension_numbers<[1], [0], [0], [1], [0, 0, 1, 1], [], []>, transpose_lhs_hint = false} : vector<1000x64xf32>, vector<64x2048xf32>, vector<1000x2048xf32> -> vector<1000x2048xf32>
    %get3A_34 = arith.constant 1 : index
    %get3A_35 = arith.constant 0 : index
    %get3A_36 = arith.constant 0 : index
    %get3A_37 = vector.load %arg1[%get3A_34, %get3A_35, %get3A_36] : memref<2x1000x64xf32, #tpu.memory_space<vmem>>, vector<1x1000x64xf32>
    %get3A_38 = vector.shape_cast %get3A_37 : vector<1x1000x64xf32> to vector<1000x64xf32>
    %get3A_39 = arith.constant 0 : index
    %get3A_40 = arith.constant 0 : index
    %get3A_41 = vector.load %arg6[%get3A_39, %get3A_40] : memref<64x2048xf32, #tpu.memory_space<vmem>>, vector<64x2048xf32>
    %dot_general3A_42 = arith.constant dense<0.000000e+00> : vector<1000x2048xf32>
    %dot_general3A_43 = tpu.matmul %get3A_38, %get3A_41, %dot_general3A_42 {dimension_numbers = #tpu.dot_dimension_numbers<[1], [0], [0], [1], [0, 0, 1, 1], [], []>, transpose_lhs_hint = false} : vector<1000x64xf32>, vector<64x2048xf32>, vector<1000x2048xf32> -> vector<1000x2048xf32>
    %mul3A = arith.mulf %dot_general3A_23, %dot_general3A_33 : vector<1000x2048xf32>
    %slice3A = vector.extract_strided_slice %mul3A {offsets = [0, 0], sizes = [1000, 1024], strides = [1, 1]} : vector<1000x2048xf32> to vector<1000x1024xf32>
    %slice3A_44 = vector.extract_strided_slice %mul3A {offsets = [0, 1024], sizes = [1000, 1024], strides = [1, 1]} : vector<1000x2048xf32> to vector<1000x1024xf32>
    %add3A_45 = arith.addf %slice3A, %slice3A_44 : vector<1000x1024xf32>
    %slice3A_46 = vector.extract_strided_slice %add3A_45 {offsets = [0, 0], sizes = [1000, 512], strides = [1, 1]} : vector<1000x1024xf32> to vector<1000x512xf32>
    %slice3A_47 = vector.extract_strided_slice %add3A_45 {offsets = [0, 512], sizes = [1000, 512], strides = [1, 1]} : vector<1000x1024xf32> to vector<1000x512xf32>
    %add3A_48 = arith.addf %slice3A_46, %slice3A_47 : vector<1000x512xf32>
    %slice3A_49 = vector.extract_strided_slice %add3A_48 {offsets = [0, 0], sizes = [1000, 256], strides = [1, 1]} : vector<1000x512xf32> to vector<1000x256xf32>
    %slice3A_50 = vector.extract_strided_slice %add3A_48 {offsets = [0, 256], sizes = [1000, 256], strides = [1, 1]} : vector<1000x512xf32> to vector<1000x256xf32>
    %add3A_51 = arith.addf %slice3A_49, %slice3A_50 : vector<1000x256xf32>
    %slice3A_52 = vector.extract_strided_slice %add3A_51 {offsets = [0, 0], sizes = [1000, 128], strides = [1, 1]} : vector<1000x256xf32> to vector<1000x128xf32>
    %slice3A_53 = vector.extract_strided_slice %add3A_51 {offsets = [0, 128], sizes = [1000, 128], strides = [1, 1]} : vector<1000x256xf32> to vector<1000x128xf32>
    %add3A_54 = arith.addf %slice3A_52, %slice3A_53 : vector<1000x128xf32>
    %slice3A_55 = vector.extract_strided_slice %add3A_54 {offsets = [0, 0], sizes = [1000, 64], strides = [1, 1]} : vector<1000x128xf32> to vector<1000x64xf32>
    %slice3A_56 = vector.extract_strided_slice %add3A_54 {offsets = [0, 64], sizes = [1000, 64], strides = [1, 1]} : vector<1000x128xf32> to vector<1000x64xf32>
    %add3A_57 = arith.addf %slice3A_55, %slice3A_56 : vector<1000x64xf32>
    %slice3A_58 = vector.extract_strided_slice %add3A_57 {offsets = [0, 0], sizes = [1000, 32], strides = [1, 1]} : vector<1000x64xf32> to vector<1000x32xf32>
    %slice3A_59 = vector.extract_strided_slice %add3A_57 {offsets = [0, 32], sizes = [1000, 32], strides = [1, 1]} : vector<1000x64xf32> to vector<1000x32xf32>
    %add3A_60 = arith.addf %slice3A_58, %slice3A_59 : vector<1000x32xf32>
    %get3A_61 = arith.constant 0 : index
    %get3A_62 = arith.constant 0 : index
    %get3A_63 = arith.constant 0 : index
    %get3A_64 = vector.load %arg1[%get3A_61, %get3A_62, %get3A_63] : memref<2x1000x64xf32, #tpu.memory_space<vmem>>, vector<1x1000x64xf32>
    %get3A_65 = vector.shape_cast %get3A_64 : vector<1x1000x64xf32> to vector<1000x64xf32>
    %get3A_66 = arith.constant 0 : index
    %get3A_67 = arith.constant 0 : index
    %get3A_68 = vector.load %arg5[%get3A_66, %get3A_67] : memref<64x32xf32, #tpu.memory_space<vmem>>, vector<64x32xf32>
    %dot_general3A_69 = arith.constant dense<0.000000e+00> : vector<1000x32xf32>
    %dot_general3A_70 = tpu.matmul %get3A_65, %get3A_68, %dot_general3A_69 {dimension_numbers = #tpu.dot_dimension_numbers<[1], [0], [0], [1], [0, 0, 1, 1], [], []>, transpose_lhs_hint = false} : vector<1000x64xf32>, vector<64x32xf32>, vector<1000x32xf32> -> vector<1000x32xf32>
    %mul3A_71 = vector.broadcast %add3A_19 : vector<1000x1xf32> to vector<1000x32xf32>
    %mul3A_72 = arith.mulf %mul3A_71, %dot_general3A_70 : vector<1000x32xf32>
    %add3A_73 = arith.addf %add3A_60, %mul3A_72 : vector<1000x32xf32>
    %swap3A = arith.constant 0 : index
    %swap3A_74 = arith.constant 0 : index
    %swap3A_75 = arith.constant 0 : index
    %swap3A_76 = vector.load %arg7[%swap3A, %swap3A_74, %swap3A_75] : memref<2x1000x32xf32, #tpu.memory_space<vmem>>, vector<1x1000x32xf32>
    %swap3A_77 = vector.shape_cast %swap3A_76 : vector<1x1000x32xf32> to vector<1000x32xf32>
    %swap3A_78 = vector.shape_cast %add3A_73 : vector<1000x32xf32> to vector<1x1000x32xf32>
    tpu.vector_store %arg7[%swap3A, %swap3A_74, %swap3A_75], %swap3A_78 {strides = array<i32>} : memref<2x1000x32xf32, #tpu.memory_space<vmem>>, vector<1x1000x32xf32>,
    %mul3A_79 = arith.mulf %dot_general3A_23, %dot_general3A_43 : vector<1000x2048xf32>
    %slice3A_80 = vector.extract_strided_slice %mul3A_79 {offsets = [0, 0], sizes = [1000, 1024], strides = [1, 1]} : vector<1000x2048xf32> to vector<1000x1024xf32>
    %slice3A_81 = vector.extract_strided_slice %mul3A_79 {offsets = [0, 1024], sizes = [1000, 1024], strides = [1, 1]} : vector<1000x2048xf32> to vector<1000x1024xf32>
    %add3A_82 = arith.addf %slice3A_80, %slice3A_81 : vector<1000x1024xf32>
    %slice3A_83 = vector.extract_strided_slice %add3A_82 {offsets = [0, 0], sizes = [1000, 512], strides = [1, 1]} : vector<1000x1024xf32> to vector<1000x512xf32>
    %slice3A_84 = vector.extract_strided_slice %add3A_82 {offsets = [0, 512], sizes = [1000, 512], strides = [1, 1]} : vector<1000x1024xf32> to vector<1000x512xf32>
    %add3A_85 = arith.addf %slice3A_83, %slice3A_84 : vector<1000x512xf32>
    %slice3A_86 = vector.extract_strided_slice %add3A_85 {offsets = [0, 0], sizes = [1000, 256], strides = [1, 1]} : vector<1000x512xf32> to vector<1000x256xf32>
    %slice3A_87 = vector.extract_strided_slice %add3A_85 {offsets = [0, 256], sizes = [1000, 256], strides = [1, 1]} : vector<1000x512xf32> to vector<1000x256xf32>
    %add3A_88 = arith.addf %slice3A_86, %slice3A_87 : vector<1000x256xf32>
    %slice3A_89 = vector.extract_strided_slice %add3A_88 {offsets = [0, 0], sizes = [1000, 128], strides = [1, 1]} : vector<1000x256xf32> to vector<1000x128xf32>
    %slice3A_90 = vector.extract_strided_slice %add3A_88 {offsets = [0, 128], sizes = [1000, 128], strides = [1, 1]} : vector<1000x256xf32> to vector<1000x128xf32>
    %add3A_91 = arith.addf %slice3A_89, %slice3A_90 : vector<1000x128xf32>
    %slice3A_92 = vector.extract_strided_slice %add3A_91 {offsets = [0, 0], sizes = [1000, 64], strides = [1, 1]} : vector<1000x128xf32> to vector<1000x64xf32>
    %slice3A_93 = vector.extract_strided_slice %add3A_91 {offsets = [0, 64], sizes = [1000, 64], strides = [1, 1]} : vector<1000x128xf32> to vector<1000x64xf32>
    %add3A_94 = arith.addf %slice3A_92, %slice3A_93 : vector<1000x64xf32>
    %slice3A_95 = vector.extract_strided_slice %add3A_94 {offsets = [0, 0], sizes = [1000, 32], strides = [1, 1]} : vector<1000x64xf32> to vector<1000x32xf32>
    %slice3A_96 = vector.extract_strided_slice %add3A_94 {offsets = [0, 32], sizes = [1000, 32], strides = [1, 1]} : vector<1000x64xf32> to vector<1000x32xf32>
    %add3A_97 = arith.addf %slice3A_95, %slice3A_96 : vector<1000x32xf32>
    %get3A_98 = arith.constant 1 : index
    %get3A_99 = arith.constant 0 : index
    %get3A_100 = arith.constant 0 : index
    %get3A_101 = vector.load %arg1[%get3A_98, %get3A_99, %get3A_100] : memref<2x1000x64xf32, #tpu.memory_space<vmem>>, vector<1x1000x64xf32>
    %get3A_102 = vector.shape_cast %get3A_101 : vector<1x1000x64xf32> to vector<1000x64xf32>
    %get3A_103 = arith.constant 0 : index
    %get3A_104 = arith.constant 0 : index
    %get3A_105 = vector.load %arg5[%get3A_103, %get3A_104] : memref<64x32xf32, #tpu.memory_space<vmem>>, vector<64x32xf32>
    %dot_general3A_106 = arith.constant dense<0.000000e+00> : vector<1000x32xf32>
    %dot_general3A_107 = tpu.matmul %get3A_102, %get3A_105, %dot_general3A_106 {dimension_numbers = #tpu.dot_dimension_numbers<[1], [0], [0], [1], [0, 0, 1, 1], [], []>, transpose_lhs_hint = false} : vector<1000x64xf32>, vector<64x32xf32>, vector<1000x32xf32> -> vector<1000x32xf32>
    %mul3A_108 = vector.broadcast %add3A_19 : vector<1000x1xf32> to vector<1000x32xf32>
    %mul3A_109 = arith.mulf %mul3A_108, %dot_general3A_107 : vector<1000x32xf32>
    %add3A_110 = arith.addf %add3A_97, %mul3A_109 : vector<1000x32xf32>
    %swap3A_111 = arith.constant 1 : index
    %swap3A_112 = arith.constant 0 : index
    %swap3A_113 = arith.constant 0 : index
    %swap3A_114 = vector.load %arg7[%swap3A_111, %swap3A_112, %swap3A_113] : memref<2x1000x32xf32, #tpu.memory_space<vmem>>, vector<1x1000x32xf32>
    %swap3A_115 = vector.shape_cast %swap3A_114 : vector<1x1000x32xf32> to vector<1000x32xf32>
    %swap3A_116 = vector.shape_cast %add3A_110 : vector<1000x32xf32> to vector<1x1000x32xf32>
    tpu.vector_store %arg7[%swap3A_111, %swap3A_112, %swap3A_113], %swap3A_116 {strides = array<i32>} : memref<2x1000x32xf32, #tpu.memory_space<vmem>>, vector<1x1000x32xf32>,
    return
  }
  func.func @transform_0(%arg0: i32) -> (i32, i32, i32) {
    %c0_i32 = arith.constant 0 : i32
    %c0_i32_0 = arith.constant 0 : i32
    %c0_i32_1 = arith.constant 0 : i32
    return %c0_i32, %arg0, %c0_i32_0 : i32, i32, i32
  }
  func.func @transform_1(%arg0: i32) -> (i32, i32, i32) {
    %c0_i32 = arith.constant 0 : i32
    %c0_i32_0 = arith.constant 0 : i32
    %c0_i32_1 = arith.constant 0 : i32
    return %c0_i32, %arg0, %c0_i32_0 : i32, i32, i32
  }
  func.func @transform_2(%arg0: i32) -> (i32, i32, i32) {
    %c0_i32 = arith.constant 0 : i32
    %c0_i32_0 = arith.constant 0 : i32
    %c0_i32_1 = arith.constant 0 : i32
    return %c0_i32, %arg0, %c0_i32_0 : i32, i32, i32
  }
  func.func @transform_3(%arg0: i32) -> (i32, i32) {
    %c0_i32 = arith.constant 0 : i32
    %c0_i32_0 = arith.constant 0 : i32
    %c0_i32_1 = arith.constant 0 : i32
    return %c0_i32, %c0_i32_0 : i32, i32
  }
  func.func @transform_4(%arg0: i32) -> (i32, i32) {
    %c0_i32 = arith.constant 0 : i32
    %c0_i32_0 = arith.constant 0 : i32
    %c0_i32_1 = arith.constant 0 : i32
    return %c0_i32, %c0_i32_0 : i32, i32
  }
  func.func @transform_5(%arg0: i32) -> (i32, i32) {
    %c0_i32 = arith.constant 0 : i32
    %c0_i32_0 = arith.constant 0 : i32
    %c0_i32_1 = arith.constant 0 : i32
    return %c0_i32, %c0_i32_0 : i32, i32
  }
  func.func @transform_6(%arg0: i32) -> (i32, i32, i32) {
    %c0_i32 = arith.constant 0 : i32
    %c0_i32_0 = arith.constant 0 : i32
    %c0_i32_1 = arith.constant 0 : i32
    return %c0_i32, %arg0, %c0_i32_0 : i32, i32, i32
  }
}

module attributes {stable_mosaic.version = 14 : i64} {
  func.func @_tc_relu_body(%arg0: i32, %arg1: memref<2x2000x32xf32, #tpu.memory_space<vmem>>, %arg2: memref<2000x64xf32, #tpu.memory_space<vmem>>) attributes {dimension_semantics = [#tpu.dimension_semantics<arbitrary>], iteration_bounds = array<i64: 5>, scalar_prefetch = 0 : i64, scratch_operands = 0 : i64, tpu.core_type = #tpu.core_type<tc>, window_params = [{transform_indices = @transform_0, window_bounds = array<i64: 2, 2000, 32>}, {transform_indices = @transform_1, window_bounds = array<i64: 2000, 64>}]} {
    %get3A = arith.constant 0 : index
    %get3A_0 = arith.constant 0 : index
    %get3A_1 = arith.constant 0 : index
    %get3A_2 = vector.load %arg1[%get3A, %get3A_0, %get3A_1] : memref<2x2000x32xf32, #tpu.memory_space<vmem>>, vector<1x2000x32xf32>
    %get3A_3 = vector.shape_cast %get3A_2 : vector<1x2000x32xf32> to vector<2000x32xf32>
    %get3A_4 = arith.constant 1 : index
    %get3A_5 = arith.constant 0 : index
    %get3A_6 = arith.constant 0 : index
    %get3A_7 = vector.load %arg1[%get3A_4, %get3A_5, %get3A_6] : memref<2x2000x32xf32, #tpu.memory_space<vmem>>, vector<1x2000x32xf32>
    %get3A_8 = vector.shape_cast %get3A_7 : vector<1x2000x32xf32> to vector<2000x32xf32>
    %concatenate3A = tpu.concatenate %get3A_3, %get3A_8 in 1 : vector<2000x32xf32>, vector<2000x32xf32> -> vector<2000x64xf32>
    %max3A = arith.constant 0.000000e+00 : f32
    %max3A_9 = vector.broadcast %max3A : f32 to vector<2000x64xf32>
    %max3A_10 = arith.maximumf %concatenate3A, %max3A_9 : vector<2000x64xf32>
    %swap3A = arith.constant 0 : index
    %swap3A_11 = arith.constant 0 : index
    %swap3A_12 = vector.load %arg2[%swap3A, %swap3A_11] : memref<2000x64xf32, #tpu.memory_space<vmem>>, vector<2000x64xf32>
    tpu.vector_store %arg2[%swap3A, %swap3A_11], %max3A_10 {strides = array<i32>} : memref<2000x64xf32, #tpu.memory_space<vmem>>, vector<2000x64xf32>,
    return
  }
  func.func @transform_0(%arg0: i32) -> (i32, i32, i32) {
    %c0_i32 = arith.constant 0 : i32
    %c0_i32_0 = arith.constant 0 : i32
    %c0_i32_1 = arith.constant 0 : i32
    return %c0_i32, %arg0, %c0_i32_0 : i32, i32, i32
  }
  func.func @transform_1(%arg0: i32) -> (i32, i32) {
    %c0_i32 = arith.constant 0 : i32
    %c0_i32_0 = arith.constant 0 : i32
    return %arg0, %c0_i32 : i32, i32
  }
}

</mosaic_0001>

<sc_bundles>
// kernel: kernel.6.cloned.1.call-start
scs
__scs_entry_jumppad:
0x0: {  	(pc) =	sbr.rel $0x88, $3  }
0x1: {  	(tag) =	ssettag $0x0;
	lr =	simm.s32 $0x1  }
0x2: {  	[smem:$0x3F9A] =	sst lr;
	_ =	strace $0xD0000000  }
0x3: {  	_ = 	snop  }
0x4: {  	_ = 	snop  }
0x5: {  	_ = 	snop  }
0x6: {  	_ = 	snop  }
0x7: {  	_ = 	snop  }
__scs_overlays_trampoline_lowered:
0x8: {  	[smem:$0x3FA9] =	sst s0  }
0x9: {  	[smem:$0x3FAA] =	sst s1  }
0xa: {  	[smem:$0x3FAB] =	sst s2  }
0xb: {  	[smem:$0x3FAC] =	sst s3  }
0xc: {  	[smem:$0x3FAD] =	sst s4  }
0xd: {  	[smem:$0x3FAE] =	sst s5  }
0xe: {  	[smem:$0x3FAF] =	sst s6  }
0xf: {  	[smem:$0x3FB0] =	sst s7  }
0x10: {  	[smem:$0x3FB1] =	sst s8  }
0x11: {  	[smem:$0x3FB2] =	sst s9;
	s0 =	simm.s32 @!p0 $0x0  }
0x12: {  	s1 =	sld [smem:$0x3F98];
	s0 =	simm.s32 @p0 $0x1  }
0x13: {  	[smem:$0x3FB3] =	sst s0;
	s0 =	simm.s32 @!p1 $0x0  }
0x14: {  	s2 =	sld [smem:$0x3F97];
	s0 =	simm.s32 @p1 $0x1  }
0x15: {  	[smem:$0x3FB4] =	sst s0;
	s0 =	simm.s32 @!p2 $0x0  }
0x16: {  	s3 =	sld [smem:$0x3FDB];
	s0 =	simm.s32 @p2 $0x1  }
0x17: {  	s4 =	simm.s32 $0x1BF5;
	[smem:$0x3FB6] =	sst s0  }
0x18: {  	s0 =	sld [smem:$0x3F99];
	_ =	swait.ge [sflag:s4], $0x0  }
0x19: {  	s7 =	sld [smem:$0x3F9A]  }
0x1a: {  	s8 =	sadd.s32 $0xFFFFE003, lr  }
0x1b: {  	s9 =	sadd.s32 $0xFFFFFEF7, lr;
	s5 =	simm.s32 $0xFFFFFFFF;
	p2 =	slt.u32 s8, $0xFFFFF086  }
0x1c: {  	p1 =	slt.u32 s9, $0xF7A;
	s5 =	simm.s32 @!p2 $0x0  }
0x1d: {  	s5 =	simm.s32 @p1 $0x1;
	p0 =	seq.s32 s7, s2  }
0x1e: {  	s7 =	smul.u32 @!p0 $0xF7A, s2;
	p2 =	seq.s32 @!p0 s5, $0x0  }
0x1f: {  	s9 =	smul.u32 $0xF7A, s1;
	s8 =	simm.s32 @!p0 $0x1BF5;
	p2 =	por !p2, p0  }
0x20: {  	[sflag:s8] =	ssyncset.s32 @!p0 $0xFFFFF086;
	s6 =	sadd.s32 @!p0 s3, s7;
	s7 =	simm.s32 @!p0 $0x108  }
0x21: {  	s3 =	sadd.s32 s3, s9;
	s6 =	sadd.s32 @!p0 $0x88, s6;
	s7 =	simm.s32 @p2 $0x1082  }
0x22: {  	[simem:s7], [sflag:s8] =	dma.local @!p0 [hbm:s6], $0xF7A  }
0x23: {  	s9 =	sor.u32 $0xD0000000, s2;
	s6 =	simm.s32 $0x108;
	_ =	swait.ge @!p0 [sflag:s8], $0x0  }
0x24: {  	s3 =	sadd.s32 $0x88, s3;
	s6 =	simm.s32 @!p1 $0x1082;
	[sflag:s4] =	ssyncset.s32 $0xFFFFF086  }
0x25: {  	[simem:s6], [sflag:s4] =	dma.local [hbm:s3], $0xF7A  }
0x26: {  	[smem:$0x3F9A] =	sst s1;
	(tag) =	ssettag s2;
	_ =	strace s9  }
0x27: {  	s1 =	sld [smem:$0x3FAA]  }
0x28: {  	s2 =	sld [smem:$0x3FAB]  }
0x29: {  	s4 =	sld [smem:$0x3FAD]  }
0x2a: {  	p0 =	seq.s32 s5, $0x0;
	s5 =	sld [smem:$0x3FAE]  }
0x2b: {  	s6 =	sld [smem:$0x3FAF]  }
0x2c: {  	s7 =	sld [smem:$0x3FB0]  }
0x2d: {  	s3 =	simm.s32 $0x108;
	s8 =	sld [smem:$0x3FB1]  }
0x2e: {  	s3 =	simm.s32 @!p0 $0x1082;
	s9 =	sld [smem:$0x3FB2]  }
0x2f: {  	lr =	sadd.s32 s0, s3;
	s0 =	sld [smem:$0x3FA9]  }
0x30: {  	s3 =	sld [smem:$0x3FAC]  }
0x31: {  	[smem:$0x3FB5] =	sst s10  }
0x32: {  	s10 =	sld [smem:$0x3FB3];
	_ =	sdelay $0x3  }
0x33: {  	p0 =	seq.s32 s10, $0x1;
	s10 =	sld [smem:$0x3FB5];
	_ =	sdelay $0x3  }
0x34: {  	[smem:$0x3FB5] =	sst s10  }
0x35: {  	s10 =	sld [smem:$0x3FB4];
	_ =	sdelay $0x3  }
0x36: {  	p1 =	seq.s32 s10, $0x1;
	s10 =	sld [smem:$0x3FB5];
	_ =	sdelay $0x3  }
0x37: {  	[smem:$0x3FB5] =	sst s10  }
0x38: {  	s10 =	sld [smem:$0x3FB6]  }
0x39: {  	_ = 	snop;
	(pc) =	sbr.ind lr, $3  }
0x3a: {  	_ = 	snop  }
0x3b: {  	_ = 	snop  }
0x3c: {  	p2 =	seq.s32 s10, $0x1;
	s10 =	sld [smem:$0x3FB5]  }
0x3d: {  	_ =	shalt  }
0x3e: {  	_ =	shalt  }
0x3f: {  	_ =	shalt  }
0x40: {  	_ =	shalt  }
0x41: {  	_ =	shalt  }
0x42: {  	_ =	shalt  }
0x43: {  	_ =	shalt  }
0x44: {  	_ =	shalt  }
0x45: {  	_ =	shalt  }
0x46: {  	_ =	shalt  }
0x47: {  	_ =	shalt  }
0x48: {  	_ =	shalt  }
0x49: {  	_ =	shalt  }
0x4a: {  	_ =	shalt  }
0x4b: {  	_ =	shalt  }
0x4c: {  	_ =	shalt  }
0x4d: {  	_ =	shalt  }
0x4e: {  	_ =	shalt  }
0x4f: {  	_ =	shalt  }
0x50: {  	_ =	shalt  }
0x51: {  	_ =	shalt  }
0x52: {  	_ =	shalt  }
0x53: {  	_ =	shalt  }
0x54: {  	_ =	shalt  }
0x55: {  	_ =	shalt  }
0x56: {  	_ =	shalt  }
0x57: {  	_ =	shalt  }
0x58: {  	_ =	shalt  }
0x59: {  	_ =	shalt  }
0x5a: {  	_ =	shalt  }
0x5b: {  	_ =	shalt  }
0x5c: {  	_ =	shalt  }
0x5d: {  	_ =	shalt  }
0x5e: {  	_ =	shalt  }
0x5f: {  	_ =	shalt  }
0x60: {  	_ =	shalt  }
0x61: {  	_ =	shalt  }
0x62: {  	_ =	shalt  }
0x63: {  	_ =	shalt  }
0x64: {  	_ =	shalt  }
0x65: {  	_ =	shalt  }
0x66: {  	_ =	shalt  }
0x67: {  	_ =	shalt  }
0x68: {  	_ =	shalt  }
0x69: {  	_ =	shalt  }
0x6a: {  	_ =	shalt  }
0x6b: {  	_ =	shalt  }
0x6c: {  	_ =	shalt  }
0x6d: {  	_ =	shalt  }
0x6e: {  	_ =	shalt  }
0x6f: {  	_ =	shalt  }
0x70: {  	_ =	shalt  }
0x71: {  	_ =	shalt  }
0x72: {  	_ =	shalt  }
0x73: {  	_ =	shalt  }
0x74: {  	_ =	shalt  }
0x75: {  	_ =	shalt  }
0x76: {  	_ =	shalt  }
0x77: {  	_ =	shalt  }
0x78: {  	_ =	shalt  }
0x79: {  	_ =	shalt  }
0x7a: {  	_ =	shalt  }
0x7b: {  	_ =	shalt  }
0x7c: {  	_ =	shalt  }
0x7d: {  	_ =	shalt  }
0x7e: {  	_ =	shalt  }
0x7f: {  	_ =	shalt  }
0x80: {  	_ =	shalt  }
0x81: {  	_ =	shalt  }
0x82: {  	_ =	shalt  }
0x83: {  	_ =	shalt  }
0x84: {  	_ =	shalt  }
0x85: {  	_ =	shalt  }
0x86: {  	_ =	shalt  }
0x87: {  	_ =	shalt  }
.Lfunc_end0:
.L_simem_size_0:
called_computation_lowered:
.L_overlay_start_0:
0x88: {  	s2 =	sld [smem:$0x3FD9]  }
0x89: {  	s3 =	sld [smem:$0x3FFE];
	_ =	sdelay $0x1  }
0x8a: {  	s1 =	srdreg.scid  }
0x8b: {  	s0 =	sand.u32 $0x1, s1  }
0x8c: {  	s17 =	sshll.u32 s0, $0xA;
	s2 =	sadd.s32 s3, s2  }
0x8d: {  	s2 =	sadd.s32 s2, s17  }
0x8e: {  	[smem:$0x3FC1] =	sst s2  }
0x8f: {  	_ = 	snop  }
0x90: {  	s2 =	sld [smem:$0x3FD0];
	(tm) =	ssettm $0x1  }
0x91: {  	s18 =	sld [smem:$0x3FFB];
	_ =	sdelay $0x3  }
0x92: {  	_ =	strace s18  }
0x93: {  	s3 =	sld [smem:$0x3FFC];
	_ =	sdelay $0x3  }
0x94: {  	_ =	strace s3  }
0x95: {  	s3 =	sld [smem:$0x3FFD];
	_ =	sdelay $0x3  }
0x96: {  	_ =	strace s3  }
0x97: {  	_ =	strace $0x8FFFFFFF  }
0x98: {  	s19 =	sld [smem:$0x3FDB];
	_ =	sdelay $0x1  }
0x99: {  	s4 =	simm.s32 $_scs_section_size  }
0x9a: {  	s5 =	simm.s32 $_size__tile_overlayer_lowered;
	s6 =	simm.s32 $_tile_overlayer_lowered  }
0x9b: {  	s22 =	simm.s32 $0x1BFF;
	s21 =	sshll.u32 s6, $0x1;
	s3 =	sadd.s32 s4, s19  }
0x9c: {  	s7 =	simm.s32 $0x0;
	s20 =	sshll.u32 s5, $0x1;
	s5 =	sadd.s32 s21, s3  }
0x9d: {  	[timem:s7], [sflag:s22] =	dma.local [hbm:s5], s20  }
0x9e: {  	_ =	swait.ge [sflag:s22], s20  }
0x9f: {  	s4 =	ssub.s32 $0x0, s20;
	[sflag:s22] =	ssyncset.done $0x0  }
0xa0: {  	[sflag:s22] =	ssyncadd.s32 s4;
	_ =	sdelay $0x1  }
0xa1: {  	s23 =	simm.s32 $0x1B8B  }
0xa2: {  	_ =	swait.ge [sflag:s23], $0x1  }
0xa3: {  	[sflag:s23] =	ssyncset.done $0x0  }
0xa4: {  	s25 =	simm.s32 $0x1B8E;
	s24 =	sld [smem:$0x3FFE];
	[sflag:s23] =	ssyncadd.s32 $0xFFFFFFFF  }
0xa5: {  	s26 =	simm.s32 $execute0_lowered;
	[smem:$0x3FD2] =	sst s25  }
0xa6: {  	s5 =	sshll.u32 s26, $0x1;
	_ =	strace $0x80000046;
	[dreg:$0x1] =	wrdreg $0xFFFFFFFF  }
0xa7: {  	s28 =	simm.s32 $_size_execute0_lowered;
	s3 =	sadd.s32 s3, s5;
	[dreg:$0x0] =	wrdreg $0x0  }
0xa8: {  	s5 =	sshll.u32 s28, $0x1;
	[dreg:$0x2] =	wrdreg s3  }
0xa9: {  	[dreg:$0x3] =	wrdreg s5  }
0xaa: {  	[dreg:$0x4] =	wrdreg $0xC0  }
0xab: {  	_ =	task [dreg:s7], $0x5FFFF  }
0xac: {  	[dreg:$0x1] =	wrdreg $0xFFFFFFFF  }
0xad: {  	[dreg:$0x0] =	wrdreg $0x60  }
0xae: {  	[dreg:$0x2] =	wrdreg s2  }
0xaf: {  	[dreg:$0x3] =	wrdreg s24  }
0xb0: {  	[dreg:$0x4] =	wrdreg $0x0  }
0xb1: {  	[dreg:$0x5] =	wrdreg $0x9C400  }
0xb2: {  	[dreg:$0x6] =	wrdreg $0x138800  }
0xb3: {  	[dreg:$0x7] =	wrdreg $0x9  }
0xb4: {  	_ =	task.clear_ibuf [dreg:s7], $0x8FFFF;
	_ =	strace $0x90000046  }
0xb5: {  	s29 =	simm.s32 $0x9;
	_ =	strace $0x80000048  }
0xb6: {  	_ =	swait.ge [sflag:s29], $0x1  }
0xb7: {  	[sflag:s29] =	ssyncadd.s32 $0xFFFFFFFF  }
0xb8: {  	_ =	strace $0x90000048  }
0xb9: {  	_ =	sfence  }
0xba: {  	s30 =	sld [smem:$0x0];
	_ =	sdelay $0x2  }
0xbb: {  	s31 =	sshll.u32 s1, $0xD;
	s1 =	sshrl.u32 s1, $0x2  }
0xbc: {  	s3 =	sand.u32 $0x4000, s31;
	s1 =	sadd.s32 s1, s30  }
0xbd: {  	s0 =	sor.u32 s3, s0;
	s1 =	sshll.u32 s1, $0x11  }
0xbe: {  	s0 =	sor.u32 s1, s0  }
0xbf: {  	s0 =	sadd.s32 $0x8F2B, s0  }
0xc0: {  	[sflag:s0] =	ssyncadd.remote.s32 $0x1  }
0xc1: {  	_ =	sfence.sel $0xFFFF  }
0xc2: {  	[dreg:$0x0] =	wrdreg $0xFFFFFFFF;
	(pc) =	sbr.abs _section_cstart, $3  }
0xc3: {  	[dreg:$0x1] =	wrdreg $0xFFFFFFFF  }
0xc4: {  	_ =	task.clear_ibuf [dreg:s7], $0x2FFFF;
	_ =	strace $0x9FFFFFFF  }
0xc5: {  	(tm) =	ssettm $0x7FFFFFFF  }
tec
execute0_lowered:
.L_overlay_start_1:
0x0: {  	(tag) =	ssettag $0x1  }
0x1: {  	s0 =	rddreg [dreg:$0x0]  }
0x2: {  	s1 =	rddreg [dreg:$0x1]  }
0x3: {  	s2 =	rddreg [dreg:$0x2];
	s3 =	srdreg.scid  }
0x4: {  	s4 =	rddreg [dreg:$0x3];
	s20 =	stileid.u32  }
0x5: {  	s5 =	rddreg [dreg:$0x4];
	s6 =	simm.s32 $0x0;
	s28 =	simm.s32 $0x1  }
0x6: {  	s29 =	simm.s32 $0x1B5D0;
	s30 =	simm.s32 $0x2;
	s8 =	smul.u32 $0x280, s20  }
0x7: {  	s31 =	simm.s32 $0x17810;
	s3 =	sand.u32 $0x1, s3;
	s13 =	smul.u32 $0x9C40, s20  }
0x8: {  	[smem:$0x7FF] =	sst s6;
	s9 =	sadd.s32 $0x3000, s1;
	s16 =	smul.u32 $0x1900, s20  }
0x9: {  	s10 =	sadd.s32 $0x9400, s1;
	s11 =	sadd.s32 $0x4A400, s1;
	s19 =	smul.u32 $0x2700, s20  }
0xa: {  	s14 =	sadd.s32 $0x23200, s1;
	s7 =	smul.u32 $0x2800, s3;
	_ =	strace $0x80000047  }
0xb: {  	s12 =	ssub.s32 $0x2, s3;
	s26 =	smul.u32 $0x9C400, s3;
	p0 =	seq.s32 s3, $0x1  }
0xc: {  	s3 =	smul.u32 $0x27100, s3;
	s15 =	sshrl.u32 s12, $0x1;
	s17 =	sadd.s32 s13, s2  }
0xd: {  	s16 =	sshrl.u32 s16, $0x3;
	s8 =	sadd.s32 s8, s7;
	s7 =	sadd.s32 $0xF800, s1  }
0xe: {  	s12 =	ssub.s32 s12, s15;
	s15 =	smul.u32 $0x9C00, s20;
	[dreg:$0x6] =	wrdreg s17  }
0xf: {  	s21 =	sadd.s32 s9, s16;
	s18 =	sadd.s32 $0x3200, s16;
	s25 =	sshrl.u32 s26, $0x3  }
0x10: {  	s17 =	sadd.s32 $0x3E80, s13;
	s8 =	sshrl.u32 s8, $0x3;
	s22 =	sadd.s32 s9, s18  }
0x11: {  	s18 =	sadd.s32 s10, s18;
	s10 =	sadd.s32 s10, s16;
	s16 =	sadd.s32 $0x12480, s25  }
0x12: {  	s8 =	sadd.s32 s8, s1;
	s23 =	sadd.s32 s15, s26;
	s21 =	smov.u32 @p0 s18  }
0x13: {  	s22 =	smov.u32 @p0 s10;
	s9 =	sshrl.u32 s23, $0x3;
	[dreg:$0x7] =	wrdreg s21  }
0x14: {  	s1 =	sadd.s32 $0x71600, s1;
	[dreg:$0x8] =	wrdreg s22;
	s24 =	sadd.s32 s11, s9  }
0x15: {  	s26 =	sadd.s32 s19, s3;
	s9 =	sadd.s32 s14, s9;
	[dreg:$0x9] =	wrdreg s24  }
0x16: {  	s21 =	sadd.s32 $0x5DC0, s13;
	s11 =	sadd.s32 s11, s16;
	[dreg:$0xa] =	wrdreg s9  }
0x17: {  	s22 =	sshrl.u32 s13, $0x2;
	s14 =	sadd.s32 s14, s16;
	[dreg:$0xb] =	wrdreg s11  }
0x18: {  	s16 =	sadd.s32 $0x1F40, s13;
	s10 =	sadd.s32 s22, s5;
	[dreg:$0xc] =	wrdreg s14  }
0x19: {  	s14 =	sadd.s32 $0x7D00, s13;
	s13 =	sadd.s32 s13, s4;
	[dreg:$0xf] =	wrdreg s10  }
0x1a: {  	s3 =	sshrl.u32 s3, $0x3;
	s23 =	sadd.s32 s16, s2;
	[dreg:$0xe] =	wrdreg s13  }
0x1b: {  	p0 =	seq.s32 s20, $0xF;
	s24 =	sadd.s32 s16, s4;
	[dreg:$0x10] =	wrdreg s23  }
0x1c: {  	s9 =	sshrl.u32 s26, $0x3;
	s26 =	sadd.s32 s17, s2;
	[dreg:$0x11] =	wrdreg s24  }
0x1d: {  	s25 =	sshrl.u32 s16, $0x2;
	s16 =	sadd.s32 s21, s2;
	[dreg:$0x12] =	wrdreg s26  }
0x1e: {  	s20 =	simm.s32 $0x19410;
	s9 =	sadd.s32 s1, s9;
	[dreg:$0x14] =	wrdreg s16  }
0x1f: {  	s1 =	sadd.s32 s1, s3;
	s13 =	sadd.s32 s17, s4;
	[dreg:$0xd] =	wrdreg s9  }
0x20: {  	s3 =	sshrl.u32 s17, $0x2;
	s17 =	sadd.s32 s21, s4;
	[dreg:$0x13] =	wrdreg s13  }
0x21: {  	s10 =	sadd.s32 s25, s5;
	s22 =	sadd.s32 s14, s4;
	[dreg:$0x15] =	wrdreg s17  }
0x22: {  	s23 =	sshrl.u32 s14, $0x2;
	s24 =	sadd.s32 $0x1C00, s8;
	[dreg:$0x16] =	wrdreg s10  }
0x23: {  	s25 =	sadd.s32 $0x2600, s8;
	s8 =	sadd.s32 s15, s4;
	[dreg:$0x1a] =	wrdreg s22  }
0x24: {  	s26 =	smax.u32 s12, $0x1;
	s16 =	simm.s32 $0x4;
	[dreg:$0x1c] =	wrdreg s24  }
0x25: {  	s9 =	sshrl.u32 s21, $0x2;
	s3 =	sadd.s32 s3, s5;
	[dreg:$0x1d] =	wrdreg s25  }
0x26: {  	s21 =	sadd.s32 s14, s2;
	s1 =	sadd.s32 $0x4920, s1;
	[dreg:$0x1f] =	wrdreg s26  }
0x27: {  	s10 =	sadd.s32 $0x92400, s4;
	s13 =	sadd.s32 $0x24900, s5;
	s17 =	simm.s32 $0x1D510  }
0x28: {  	s22 =	simm.s32 $0x1DCE0;
	s24 =	simm.s32 $0x19510;
	s25 =	simm.s32 $0x19590  }
0x29: {  	s26 =	simm.s32 $0x19610;
	[dreg:$0x17] =	wrdreg s3;
	s18 =	sadd.s32 s9, s5  }
0x2a: {  	[dreg:$0x19] =	wrdreg s21;
	s3 =	sadd.s32 s23, s5;
	s9 =	sadd.s32 s19, s5  }
0x2b: {  	[dreg:$0x1e] =	wrdreg s1;
	s1 =	sadd.s32 $0x92400, s2;
	s12 =	sshrl.u32 @p0 s10, $0x3  }
0x2c: {  	s13 =	sshrl.u32 @p0 s13, $0x3;
	s10 =	simm.s32 $0x19690;
	s19 =	simm.s32 $0x19190  }
0x2d: {  	s21 =	simm.s32 $0x7D;
	s23 =	simm.s32 $0x19490;
	[dreg:$0x18] =	wrdreg s18  }
0x2e: {  	[dreg:$0x1b] =	wrdreg s3;
	s3 =	sadd.s32 s15, s2;
	s1 =	sshrl.u32 @p0 s1, $0x3  }
0x2f: {  	s15 =	sshrl.u32 @!p0 s8, $0x3;
	s9 =	sshrl.u32 @!p0 s9, $0x3;
	s18 =	simm.s32 $0x15F90  }
0x30: {  	v0 =	vimm.f32 $0.0e+00;
	v1 =	vimm.f32 $1.000000000e+00;
	[smem:$0x7FD] =	sst s1;
	s14 =	sshrl.u32 @!p0 s3, $0x3;
	s3 =	simm.s32 $0x3  }
.LBB2_1:
0x31: {  	s1 =	simm.s32 $0x0  }
.LBB2_2:
0x32: {  	p1 =	sne.s32 s1, $0x7C00  }
.Ltmp0:
0x33: {  	s8 =	sshra.s32 s1, $0x2;
	(pc) =	sbr.rel @p1 .LBB2_2-.Ltmp0, $4  }
0x34: {  	[tilespmem:s8+$0x19690] =	vst v0  }
0x35: {  	[tilespmem:s8+$0x196A0] =	vst v0  }
0x36: {  	[tilespmem:s8+$0x196B0] =	vst v0  }
0x37: {  	s1 =	sadd.s32 $0x100, s1;
	[tilespmem:s8+$0x196C0] =	vst v0  }
0x38: {  	s1 =	simm.s32 $0x40;
	s8 =	simm.s32 $0x0  }
.LBB2_4:
0x39: {  	p1 =	sne.s32 s1, $0x1F00;
	[tilespmem:s8+$0x1D510] =	vst v0;
	s8 =	smov.u32 s1;
	s1 =	sadd.s32 $0x40, s1  }
.Ltmp1:
0x3a: {  	(pc) =	sbr.rel @p1 .LBB2_4-.Ltmp1, $2  }
0x3b: {  	_ =	sdelay $0x2  }
0x3c: {  	s8 =	sshra.s32 s8, $0x2  }
0x3d: {  	[tilespmem:s8+$0x1D510] =	vst v0;
	s1 =	rddreg [dreg:$0x6]  }
0x3e: {  	[spmem:s1] =	stream.linear.scatter [tilespmem:s10], [sflag:$0x4], $0x1F40, $0x38;
	[tilespmem:$0x1E4B0] =	vst v63  }
0x3f: {  	_ =	swait.ge [sflag:s16], $0x1F40  }
0x40: {  	[sflag:s16] =	ssyncset.done $0x0  }
0x41: {  	s8 =	rddreg [dreg:$0x10];
	[sflag:s16] =	ssyncadd.s32 $0xFFFFE0C0  }
0x42: {  	[spmem:s8] =	stream.linear.scatter [tilespmem:s10], [sflag:$0x4], $0x1F40, $0x38;
	[tilespmem:$0x1E4B0] =	vst v63  }
0x43: {  	_ =	swait.ge [sflag:s16], $0x1F40  }
0x44: {  	[sflag:s16] =	ssyncset.done $0x0  }
0x45: {  	s11 =	rddreg [dreg:$0x12];
	[sflag:s16] =	ssyncadd.s32 $0xFFFFE0C0  }
0x46: {  	[spmem:s11] =	stream.linear.scatter [tilespmem:s10], [sflag:$0x4], $0x1F40, $0x38;
	[tilespmem:$0x1E4B0] =	vst v63  }
0x47: {  	_ =	swait.ge [sflag:s16], $0x1F40  }
0x48: {  	[sflag:s16] =	ssyncset.done $0x0  }
0x49: {  	s8 =	rddreg [dreg:$0x14];
	[sflag:s16] =	ssyncadd.s32 $0xFFFFE0C0  }
0x4a: {  	[spmem:s8] =	stream.linear.scatter [tilespmem:s10], [sflag:$0x4], $0x1F40, $0x38;
	[tilespmem:$0x1E4B0] =	vst v63  }
0x4b: {  	_ =	swait.ge [sflag:s16], $0x1F40  }
0x4c: {  	[sflag:s16] =	ssyncset.done $0x0  }
0x4d: {  	s11 =	rddreg [dreg:$0x19];
	[sflag:s16] =	ssyncadd.s32 $0xFFFFE0C0  }
0x4e: {  	[spmem:s11] =	stream.linear.scatter [tilespmem:s10], [sflag:$0x4], $0x1F40, $0x38;
	[tilespmem:$0x1E4B0] =	vst v63  }
0x4f: {  	_ =	swait.ge [sflag:s16], $0x1F40  }
0x50: {  	[sflag:s16] =	ssyncset.done $0x0  }
0x51: {  	s8 =	rddreg [dreg:$0xe];
	[sflag:s16] =	ssyncadd.s32 $0xFFFFE0C0  }
0x52: {  	[spmem:s8] =	stream.linear.scatter [tilespmem:s10], [sflag:$0x4], $0x1F40, $0x38;
	[tilespmem:$0x1E4B0] =	vst v63  }
0x53: {  	_ =	swait.ge [sflag:s16], $0x1F40  }
0x54: {  	[sflag:s16] =	ssyncset.done $0x0  }
0x55: {  	s11 =	rddreg [dreg:$0x11];
	[sflag:s16] =	ssyncadd.s32 $0xFFFFE0C0  }
0x56: {  	[spmem:s11] =	stream.linear.scatter [tilespmem:s10], [sflag:$0x4], $0x1F40, $0x38;
	[tilespmem:$0x1E4B0] =	vst v63  }
0x57: {  	_ =	swait.ge [sflag:s16], $0x1F40  }
0x58: {  	[sflag:s16] =	ssyncset.done $0x0  }
0x59: {  	s8 =	rddreg [dreg:$0x13];
	[sflag:s16] =	ssyncadd.s32 $0xFFFFE0C0  }
0x5a: {  	[spmem:s8] =	stream.linear.scatter [tilespmem:s10], [sflag:$0x4], $0x1F40, $0x38;
	[tilespmem:$0x1E4B0] =	vst v63  }
0x5b: {  	_ =	swait.ge [sflag:s16], $0x1F40  }
0x5c: {  	[sflag:s16] =	ssyncset.done $0x0  }
0x5d: {  	s11 =	rddreg [dreg:$0x15];
	[sflag:s16] =	ssyncadd.s32 $0xFFFFE0C0  }
0x5e: {  	[spmem:s11] =	stream.linear.scatter [tilespmem:s10], [sflag:$0x4], $0x1F40, $0x38;
	[tilespmem:$0x1E4B0] =	vst v63  }
0x5f: {  	_ =	swait.ge [sflag:s16], $0x1F40  }
0x60: {  	[sflag:s16] =	ssyncset.done $0x0  }
0x61: {  	s8 =	rddreg [dreg:$0x1a];
	[sflag:s16] =	ssyncadd.s32 $0xFFFFE0C0  }
0x62: {  	[spmem:s8] =	stream.linear.scatter [tilespmem:s10], [sflag:$0x4], $0x1F40, $0x38;
	[tilespmem:$0x1E4B0] =	vst v63  }
0x63: {  	_ =	swait.ge [sflag:s16], $0x1F40  }
0x64: {  	[sflag:s16] =	ssyncset.done $0x0  }
0x65: {  	s11 =	rddreg [dreg:$0xf];
	[sflag:s16] =	ssyncadd.s32 $0xFFFFE0C0  }
0x66: {  	[spmem:s11] =	stream.linear.scatter [tilespmem:s17], [sflag:$0x4], $0x7D0, $0x38;
	[tilespmem:$0x1E4B0] =	vst v63  }
0x67: {  	_ =	swait.ge [sflag:s16], $0x7D0  }
0x68: {  	[sflag:s16] =	ssyncset.done $0x0  }
0x69: {  	s8 =	rddreg [dreg:$0x16];
	[sflag:s16] =	ssyncadd.s32 $0xFFFFF830  }
0x6a: {  	[spmem:s8] =	stream.linear.scatter [tilespmem:s17], [sflag:$0x4], $0x7D0, $0x38;
	[tilespmem:$0x1E4B0] =	vst v63  }
0x6b: {  	_ =	swait.ge [sflag:s16], $0x7D0  }
0x6c: {  	[sflag:s16] =	ssyncset.done $0x0  }
0x6d: {  	s11 =	rddreg [dreg:$0x17];
	[sflag:s16] =	ssyncadd.s32 $0xFFFFF830  }
0x6e: {  	[spmem:s11] =	stream.linear.scatter [tilespmem:s17], [sflag:$0x4], $0x7D0, $0x38;
	[tilespmem:$0x1E4B0] =	vst v63  }
0x6f: {  	_ =	swait.ge [sflag:s16], $0x7D0  }
0x70: {  	[sflag:s16] =	ssyncset.done $0x0  }
0x71: {  	s8 =	rddreg [dreg:$0x18];
	[sflag:s16] =	ssyncadd.s32 $0xFFFFF830  }
0x72: {  	[spmem:s8] =	stream.linear.scatter [tilespmem:s17], [sflag:$0x4], $0x7D0, $0x38;
	[tilespmem:$0x1E4B0] =	vst v63  }
0x73: {  	_ =	swait.ge [sflag:s16], $0x7D0  }
0x74: {  	[sflag:s16] =	ssyncset.done $0x0  }
0x75: {  	s11 =	rddreg [dreg:$0x1b];
	[sflag:s16] =	ssyncadd.s32 $0xFFFFF830  }
0x76: {  	[spmem:s11] =	stream.linear.scatter [tilespmem:s17], [sflag:$0x4], $0x7D0, $0x38;
	[tilespmem:$0x1E4B0] =	vst v63  }
0x77: {  	_ =	swait.ge [sflag:s16], $0x7D0  }
0x78: {  	[sflag:s16] =	ssyncset.done $0x0  }
0x79: {  	s1 =	simm.s32 $0x40;
	s8 =	simm.s32 $0x0;
	[sflag:s16] =	ssyncadd.s32 $0xFFFFF830  }
.LBB2_6:
0x7a: {  	p1 =	sne.s32 s1, $0x1F00;
	[tilespmem:s8+$0x1DCE0] =	vst v1;
	s8 =	smov.u32 s1;
	s1 =	sadd.s32 $0x40, s1  }
.Ltmp2:
0x7b: {  	(pc) =	sbr.rel @p1 .LBB2_6-.Ltmp2, $2  }
0x7c: {  	_ =	sdelay $0x2  }
0x7d: {  	s8 =	sshra.s32 s8, $0x2  }
0x7e: {  	[tilespmem:s8+$0x1DCE0] =	vst v1;
	s1 =	simm.s32 $0x0;
	s11 =	rddreg [dreg:$0x7]  }
0x7f: {  	[tilespmem:s18], [sflag:$0x4] =	stream.linear.gather [hbm4b:s11+s1], $0x1900, $0x38;
	[tilespmem:$0x1E4B0] =	vst v63  }
0x80: {  	_ =	swait.ge [sflag:s16], $0x1900  }
0x81: {  	[sflag:s16] =	ssyncset.done $0x0  }
0x82: {  	s11 =	simm.s32 $0x17890;
	s8 =	rddreg [dreg:$0x8];
	[sflag:s16] =	ssyncadd.s32 $0xFFFFE700  }
0x83: {  	[tilespmem:s11], [sflag:$0x4] =	stream.linear.gather [hbm4b:s8+s1], $0x1900, $0x38;
	[tilespmem:$0x1E4B0] =	vst v63  }
0x84: {  	_ =	swait.ge [sflag:s16], $0x1900  }
0x85: {  	[sflag:s16] =	ssyncset.done $0x0  }
0x86: {  	s11 =	rddreg [dreg:$0x1c];
	[sflag:s16] =	ssyncadd.s32 $0xFFFFE700  }
0x87: {  	[tilespmem:s19], [sflag:$0x4] =	stream.linear.gather [hbm4b:s11+s1], $0x280, $0x38;
	[tilespmem:$0x1E4B0] =	vst v63  }
0x88: {  	_ =	swait.ge [sflag:s16], $0x280  }
0x89: {  	[sflag:s16] =	ssyncset.done $0x0  }
0x8a: {  	s11 =	rddreg [dreg:$0x1d];
	[sflag:s16] =	ssyncadd.s32 $0xFFFFFD80  }
0x8b: {  	[tilespmem:s20], [sflag:$0x4] =	stream.linear.gather [hbm4b:s11+s1], $0x280, $0x38;
	[tilespmem:$0x1E4B0] =	vst v63  }
0x8c: {  	_ =	swait.ge [sflag:s16], $0x280  }
0x8d: {  	[sflag:s16] =	ssyncset.done $0x0  }
0x8e: {  	[sflag:s16] =	ssyncadd.s32 $0xFFFFFD80  }
0x8f: {  	[bflag:$0x0] =	sbarrier.arrive $0xFFFF  }
0x90: {  	[spmem:s5] =	stream.indirect.scatter.add.f32 [tilespmem:s22], [sflag:$0x3], $0x10, s20, s21, $0xb8;
	[tilespmem:$0x1E4B0] =	vst v63  }
0x91: {  	_ = 	snop  }
0x92: {  	[spmem:s5] =	stream.indirect.scatter.add.f32 [tilespmem:s22], [sflag:$0x3], $0x10, s23, s21, $0xb8;
	[tilespmem:$0x1E4B0] =	vst v63  }
0x93: {  	_ = 	snop  }
0x94: {  	[spmem:s5] =	stream.indirect.scatter.add.f32 [tilespmem:s22], [sflag:$0x3], $0x10, s24, s21, $0xb8;
	[tilespmem:$0x1E4B0] =	vst v63  }
0x95: {  	_ = 	snop  }
0x96: {  	[spmem:s5] =	stream.indirect.scatter.add.f32 [tilespmem:s22], [sflag:$0x3], $0x10, s25, s21, $0xb8;
	[tilespmem:$0x1E4B0] =	vst v63  }
0x97: {  	_ = 	snop  }
0x98: {  	[spmem:s5] =	stream.indirect.scatter.add.f32 [tilespmem:s22], [sflag:$0x3], $0x10, s26, s21, $0xb8;
	[tilespmem:$0x1E4B0] =	vst v63  }
0x99: {  	_ = 	snop  }
0x9a: {  	[tilespmem:s10], [sflag:$0x1] =	stream.indirect.gather [hbm4b:s0+s21], $0x40, s18, s21, $0xb8;
	[tilespmem:$0x1E4B0] =	vst v63  }
0x9b: {  	_ =	swait.ge [sflag:s28], $0x1F40  }
0x9c: {  	[sflag:s28] =	ssyncset.done $0x0  }
0x9d: {  	s8 =	simm.s32 $0x16010;
	[sflag:s28] =	ssyncadd.s32 $0xFFFFE0C0  }
0x9e: {  	[tilespmem:s29], [sflag:$0x2] =	stream.indirect.gather [hbm4b:s0+s21], $0x40, s8, s21, $0xb8;
	[tilespmem:$0x1E4B0] =	vst v63  }
0x9f: {  	s11 =	simm.s32 $0x17890  }
0xa0: {  	[spmem:s2] =	stream.indirect.scatter.add.f32 [tilespmem:s10], [sflag:$0x4], $0x40, s11, s21, $0xb8;
	[tilespmem:$0x1E4B0] =	vst v63  }
0xa1: {  	_ =	swait.ge [sflag:s16], $0x1F40  }
0xa2: {  	[sflag:s16] =	ssyncset.done $0x0  }
0xa3: {  	[sflag:s16] =	ssyncadd.s32 $0xFFFFE0C0  }
0xa4: {  	_ =	swait.ge [sflag:s30], $0x1F40  }
0xa5: {  	[sflag:s30] =	ssyncset.done $0x0  }
0xa6: {  	s8 =	simm.s32 $0x16090;
	[sflag:s30] =	ssyncadd.s32 $0xFFFFE0C0  }
0xa7: {  	[tilespmem:s10], [sflag:$0x1] =	stream.indirect.gather [hbm4b:s0+s21], $0x40, s8, s21, $0xb8;
	[tilespmem:$0x1E4B0] =	vst v63  }
0xa8: {  	s11 =	simm.s32 $0x17910  }
0xa9: {  	[spmem:s2] =	stream.indirect.scatter.add.f32 [tilespmem:s29], [sflag:$0x4], $0x40, s11, s21, $0xb8;
	[tilespmem:$0x1E4B0] =	vst v63  }
0xaa: {  	_ =	swait.ge [sflag:s16], $0x1F40  }
0xab: {  	s1 =	simm.s32 $0x400;
	[sflag:s16] =	ssyncset.done $0x0  }
.LBB2_8:
0xac: {  	p1 =	sne.s32 s1, $0x5C00  }
0xad: {  	[sflag:s16] =	ssyncadd.s32 $0xFFFFE0C0;
	s8 =	smov.u32 s1;
	s1 =	sadd.s32 $0x400, s1  }
0xae: {  	_ = 	snop  }
0xaf: {  	_ =	swait.ge [sflag:s28], $0x1F40  }
0xb0: {  	s8 =	sshra.s32 s8, $0x2;
	[sflag:s28] =	ssyncset.done $0x0  }
0xb1: {  	s11 =	sadd.s32 $0x16010, s8;
	[sflag:s28] =	ssyncadd.s32 $0xFFFFE0C0  }
0xb2: {  	[tilespmem:s29], [sflag:$0x2] =	stream.indirect.gather [hbm4b:s0+s21], $0x40, s11, s21, $0xb8;
	[tilespmem:$0x1E4B0] =	vst v63  }
0xb3: {  	s11 =	sadd.s32 $0x17890, s8  }
0xb4: {  	[spmem:s2] =	stream.indirect.scatter.add.f32 [tilespmem:s10], [sflag:$0x4], $0x40, s11, s21, $0xb8;
	[tilespmem:$0x1E4B0] =	vst v63  }
0xb5: {  	_ =	swait.ge [sflag:s16], $0x1F40  }
0xb6: {  	[sflag:s16] =	ssyncset.done $0x0  }
0xb7: {  	[sflag:s16] =	ssyncadd.s32 $0xFFFFE0C0  }
0xb8: {  	_ =	swait.ge [sflag:s30], $0x1F40  }
0xb9: {  	[sflag:s30] =	ssyncset.done $0x0  }
0xba: {  	s11 =	sadd.s32 $0x16090, s8;
	[sflag:s30] =	ssyncadd.s32 $0xFFFFE0C0  }
0xbb: {  	[tilespmem:s10], [sflag:$0x1] =	stream.indirect.gather [hbm4b:s0+s21], $0x40, s11, s21, $0xb8;
	[tilespmem:$0x1E4B0] =	vst v63  }
.Ltmp3:
0xbc: {  	_ = 	snop;
	(pc) =	sbr.rel @p1 .LBB2_8-.Ltmp3, $4  }
0xbd: {  	s8 =	sadd.s32 $0x17910, s8  }
0xbe: {  	[spmem:s2] =	stream.indirect.scatter.add.f32 [tilespmem:s29], [sflag:$0x4], $0x40, s8, s21, $0xb8;
	[tilespmem:$0x1E4B0] =	vst v63  }
0xbf: {  	_ =	swait.ge [sflag:s16], $0x1F40  }
0xc0: {  	[sflag:s16] =	ssyncset.done $0x0  }
0xc1: {  	[sflag:s16] =	ssyncadd.s32 $0xFFFFE0C0  }
0xc2: {  	_ =	swait.ge [sflag:s28], $0x1F40  }
0xc3: {  	[sflag:s28] =	ssyncset.done $0x0  }
0xc4: {  	[sflag:s28] =	ssyncadd.s32 $0xFFFFE0C0  }
0xc5: {  	[tilespmem:s29], [sflag:$0x2] =	stream.indirect.gather [hbm4b:s0+s21], $0x40, s31, s21, $0xb8;
	[tilespmem:$0x1E4B0] =	vst v63  }
0xc6: {  	s1 =	simm.s32 $0x19090  }
0xc7: {  	[spmem:s2] =	stream.indirect.scatter.add.f32 [tilespmem:s10], [sflag:$0x4], $0x40, s1, s21, $0xb8;
	[tilespmem:$0x1E4B0] =	vst v63  }
0xc8: {  	_ =	swait.ge [sflag:s16], $0x1F40  }
0xc9: {  	[sflag:s16] =	ssyncset.done $0x0  }
0xca: {  	[sflag:s16] =	ssyncadd.s32 $0xFFFFE0C0  }
0xcb: {  	_ =	swait.ge [sflag:s30], $0x1F40  }
0xcc: {  	[sflag:s30] =	ssyncset.done $0x0  }
0xcd: {  	[sflag:s30] =	ssyncadd.s32 $0xFFFFE0C0  }
0xce: {  	[tilespmem:s10], [sflag:$0x1] =	stream.indirect.gather [hbm4b:s0+s21], $0x40, s31, s21, $0xb8;
	[tilespmem:$0x1E4B0] =	vst v63  }
0xcf: {  	s8 =	simm.s32 $0x19110  }
0xd0: {  	[spmem:s2] =	stream.indirect.scatter.add.f32 [tilespmem:s29], [sflag:$0x4], $0x40, s8, s21, $0xb8;
	[tilespmem:$0x1E4B0] =	vst v63  }
0xd1: {  	_ =	swait.ge [sflag:s16], $0x1F40  }
0xd2: {  	[sflag:s16] =	ssyncset.done $0x0  }
0xd3: {  	[sflag:s16] =	ssyncadd.s32 $0xFFFFE0C0  }
0xd4: {  	_ =	swait.ge [sflag:s28], $0x1F40  }
0xd5: {  	[sflag:s28] =	ssyncset.done $0x0  }
0xd6: {  	[sflag:s28] =	ssyncadd.s32 $0xFFFFE0C0  }
0xd7: {  	[tilespmem:s10], [sflag:$0x1] =	stream.indirect.gather [hbm4b:s7+s21], $0x40, s19, s21, $0xb8;
	[tilespmem:$0x1E4B0] =	vst v63  }
0xd8: {  	_ =	swait.ge [sflag:s28], $0x1F40  }
0xd9: {  	[sflag:s28] =	ssyncset.done $0x0  }
0xda: {  	s11 =	simm.s32 $0x19210;
	[sflag:s28] =	ssyncadd.s32 $0xFFFFE0C0  }
0xdb: {  	[tilespmem:s29], [sflag:$0x2] =	stream.indirect.gather [hbm4b:s7+s21], $0x40, s11, s21, $0xb8;
	[tilespmem:$0x1E4B0] =	vst v63  }
0xdc: {  	_ = 	snop  }
0xdd: {  	[spmem:s4] =	stream.indirect.scatter.add.f32 [tilespmem:s10], [sflag:$0x4], $0x40, s20, s21, $0xb8;
	[tilespmem:$0x1E4B0] =	vst v63  }
0xde: {  	_ =	swait.ge [sflag:s16], $0x1F40  }
0xdf: {  	[sflag:s16] =	ssyncset.done $0x0  }
0xe0: {  	[sflag:s16] =	ssyncadd.s32 $0xFFFFE0C0  }
0xe1: {  	_ =	swait.ge [sflag:s30], $0x1F40  }
0xe2: {  	[sflag:s30] =	ssyncset.done $0x0  }
0xe3: {  	s8 =	simm.s32 $0x19290;
	[sflag:s30] =	ssyncadd.s32 $0xFFFFE0C0  }
0xe4: {  	[tilespmem:s10], [sflag:$0x1] =	stream.indirect.gather [hbm4b:s7+s21], $0x40, s8, s21, $0xb8;
	[tilespmem:$0x1E4B0] =	vst v63  }
0xe5: {  	_ = 	snop  }
0xe6: {  	[spmem:s4] =	stream.indirect.scatter.add.f32 [tilespmem:s29], [sflag:$0x4], $0x40, s23, s21, $0xb8;
	[tilespmem:$0x1E4B0] =	vst v63  }
0xe7: {  	_ =	swait.ge [sflag:s16], $0x1F40  }
0xe8: {  	[sflag:s16] =	ssyncset.done $0x0  }
0xe9: {  	[sflag:s16] =	ssyncadd.s32 $0xFFFFE0C0  }
0xea: {  	_ =	swait.ge [sflag:s28], $0x1F40  }
0xeb: {  	[sflag:s28] =	ssyncset.done $0x0  }
0xec: {  	s11 =	simm.s32 $0x19310;
	[sflag:s28] =	ssyncadd.s32 $0xFFFFE0C0  }
0xed: {  	[tilespmem:s29], [sflag:$0x2] =	stream.indirect.gather [hbm4b:s7+s21], $0x40, s11, s21, $0xb8;
	[tilespmem:$0x1E4B0] =	vst v63  }
0xee: {  	_ = 	snop  }
0xef: {  	[spmem:s4] =	stream.indirect.scatter.add.f32 [tilespmem:s10], [sflag:$0x4], $0x40, s24, s21, $0xb8;
	[tilespmem:$0x1E4B0] =	vst v63  }
0xf0: {  	_ =	swait.ge [sflag:s16], $0x1F40  }
0xf1: {  	[sflag:s16] =	ssyncset.done $0x0  }
0xf2: {  	[sflag:s16] =	ssyncadd.s32 $0xFFFFE0C0  }
0xf3: {  	_ =	swait.ge [sflag:s30], $0x1F40  }
0xf4: {  	[sflag:s30] =	ssyncset.done $0x0  }
0xf5: {  	s8 =	simm.s32 $0x19390;
	[sflag:s30] =	ssyncadd.s32 $0xFFFFE0C0  }
0xf6: {  	[tilespmem:s10], [sflag:$0x1] =	stream.indirect.gather [hbm4b:s7+s21], $0x40, s8, s21, $0xb8;
	[tilespmem:$0x1E4B0] =	vst v63  }
0xf7: {  	_ = 	snop  }
0xf8: {  	[spmem:s4] =	stream.indirect.scatter.add.f32 [tilespmem:s29], [sflag:$0x4], $0x40, s25, s21, $0xb8;
	[tilespmem:$0x1E4B0] =	vst v63  }
0xf9: {  	_ =	swait.ge [sflag:s16], $0x1F40  }
0xfa: {  	[sflag:s16] =	ssyncset.done $0x0  }
0xfb: {  	[sflag:s16] =	ssyncadd.s32 $0xFFFFE0C0  }
0xfc: {  	_ =	swait.ge [sflag:s28], $0x1F40  }
0xfd: {  	[sflag:s28] =	ssyncset.done $0x0  }
0xfe: {  	[sflag:s28] =	ssyncadd.s32 $0xFFFFE0C0  }
0xff: {  	[spmem:s4] =	stream.indirect.scatter.add.f32 [tilespmem:s10], [sflag:$0x4], $0x40, s26, s21, $0xb8;
	[tilespmem:$0x1E4B0] =	vst v63  }
0x100: {  	_ =	swait.ge [sflag:s16], $0x1F40  }
0x101: {  	[sflag:s16] =	ssyncset.done $0x0  }
0x102: {  	[sflag:s16] =	ssyncadd.s32 $0xFFFFE0C0  }
0x103: {  	_ =	swait.ge [sflag:s3], $0x7D0  }
0x104: {  	[sflag:s3] =	ssyncset.done $0x0  }
0x105: {  	[sflag:s3] =	ssyncadd.s32 $0xFFFFF830  }
0x106: {  	_ =	swait.ge [sflag:s3], $0x7D0  }
0x107: {  	[sflag:s3] =	ssyncset.done $0x0  }
0x108: {  	[sflag:s3] =	ssyncadd.s32 $0xFFFFF830  }
0x109: {  	_ =	swait.ge [sflag:s3], $0x7D0  }
0x10a: {  	[sflag:s3] =	ssyncset.done $0x0  }
0x10b: {  	[sflag:s3] =	ssyncadd.s32 $0xFFFFF830  }
0x10c: {  	_ =	swait.ge [sflag:s3], $0x7D0  }
0x10d: {  	[sflag:s3] =	ssyncset.done $0x0  }
0x10e: {  	[sflag:s3] =	ssyncadd.s32 $0xFFFFF830  }
0x10f: {  	_ =	swait.ge [sflag:s3], $0x7D0  }
0x110: {  	[sflag:s3] =	ssyncset.done $0x0  }
0x111: {  	[sflag:s3] =	ssyncadd.s32 $0xFFFFF830  }
0x112: {  	[bflag:$0x0] =	sbarrier.arrive $0xFFFF  }
0x113: {  	s11 =	sld [smem:$0x7FD];
	_ =	sdelay $0x1  }
0x114: {  	s1 =	simm.s32 @p0 $0x1FC4;
	s8 =	rddreg [dreg:$0xb]  }
0x115: {  	[hbm:s8], [sflag:s1] =	dma.local @p0 [spmem:s11], $0x1400  }
0x116: {  	s8 =	simm.s32 @p0 $0x4  }
0x117: {  	_ =	swait.ge @p0 [sflag:s8], $0x1400  }
0x118: {  	[sflag:s8] =	ssyncset.done @p0 $0x0  }
0x119: {  	s11 =	rddreg [dreg:$0xc];
	[sflag:s8] =	ssyncadd.s32 @p0 $0xFFFFEC00  }
0x11a: {  	[hbm:s11], [sflag:s1] =	dma.local @p0 [spmem:s12], $0x1400  }
0x11b: {  	_ =	swait.ge @p0 [sflag:s8], $0x1400  }
0x11c: {  	[sflag:s8] =	ssyncset.done @p0 $0x0  }
0x11d: {  	s11 =	rddreg [dreg:$0x1e];
	[sflag:s8] =	ssyncadd.s32 @p0 $0xFFFFEC00  }
0x11e: {  	[hbm:s11], [sflag:s1] =	dma.local @p0 [spmem:s13], $0x500  }
0x11f: {  	s1 =	stileid.u32;
	_ =	swait.ge @p0 [sflag:s8], $0x500  }
0x120: {  	s1 =	sshll.u32 @!p0 s1, $0x6;
	[sflag:s8] =	ssyncset.done @p0 $0x0  }
0x121: {  	s1 =	sor.u32 @!p0 $0x1C04, s1;
	[sflag:s8] =	ssyncadd.s32 @p0 $0xFFFFFB00;
	s8 =	rddreg [dreg:$0x9]  }
0x122: {  	[hbm:s8], [sflag:s1] =	dma.local @!p0 [spmem:s14], $0x1380  }
0x123: {  	s8 =	simm.s32 @!p0 $0x4  }
0x124: {  	_ =	swait.ge @!p0 [sflag:s8], $0x1380  }
0x125: {  	[sflag:s8] =	ssyncset.done @!p0 $0x0  }
0x126: {  	s11 =	rddreg [dreg:$0xa];
	[sflag:s8] =	ssyncadd.s32 @!p0 $0xFFFFEC80  }
0x127: {  	[hbm:s11], [sflag:s1] =	dma.local @!p0 [spmem:s15], $0x1380  }
0x128: {  	_ =	swait.ge @!p0 [sflag:s8], $0x1380  }
0x129: {  	[sflag:s8] =	ssyncset.done @!p0 $0x0  }
0x12a: {  	s11 =	rddreg [dreg:$0xd];
	[sflag:s8] =	ssyncadd.s32 @!p0 $0xFFFFEC80  }
0x12b: {  	[hbm:s11], [sflag:s1] =	dma.local @!p0 [spmem:s9], $0x4E0  }
0x12c: {  	_ =	swait.ge @!p0 [sflag:s8], $0x4E0  }
0x12d: {  	s6 =	sadd.s32 $0x1, s6;
	s11 =	rddreg [dreg:$0x1f]  }
0x12e: {  	p1 =	sne.s32 s6, s11  }
.Ltmp4:
0x12f: {  	_ = 	snop;
	(pc) =	sbr.rel @p1 .LBB2_1-.Ltmp4, $3  }
0x130: {  	_ =	sdelay $0x1  }
0x131: {  	[sflag:s8] =	ssyncset.done @!p0 $0x0  }
0x132: {  	[sflag:s8] =	ssyncadd.s32 @!p0 $0xFFFFFB20  }
0x133: {  	_ =	sfence.sel $0x180000  }
0x134: {  	[bflag:$0x0] =	sbarrier.arrive $0xFFFF  }
0x135: {  	_ =	strace $0x90000047  }
0x136: {  	s0 =	stileid.u32;
	[bflag:$0x2] =	sbarrier.arrive $0xFFFF  }
0x137: {  	p0 =	sne.s32 s0, $0x0;
	s0 =	rddreg [dreg:$0x5]  }
0x138: {  	s0 =	sadd.s32 @!p0 $0x100000, s0  }
0x139: {  	[sflag:s0] =	ssyncadd.tile.s32 @!p0 $0x1;
	_ =	shalt  }
.Lfunc_end2:
_tile_overlayer_lowered:
.L_overlay_start_2:
0x13a: {  	(tag) =	ssettag $0x2  }
0x13b: {  	s0 =	rddreg [dreg:$0x0];
	s2 =	stileid.u32  }
0x13c: {  	s1 =	rddreg [dreg:$0x1];
	p0 =	sne.s32 s2, $0x0  }
0x13d: {  	s3 =	rddreg [dreg:$0x2];
	[bflag:$0x3] =	sbarrier.arrive $0xFFFF;
	s2 =	simm.s32 @!p0 $0x1C04  }
0x13e: {  	[timem:s3], [sflag:s2] =	dma.local @!p0 [hbm:s0], s1  }
0x13f: {  	s0 =	simm.s32 @!p0 $0x4  }
0x140: {  	_ =	swait.ge @!p0 [sflag:s0], s1  }
0x141: {  	s1 =	ssub.s32 @!p0 $0x0, s1;
	[sflag:s0] =	ssyncset.done @!p0 $0x0  }
0x142: {  	[sflag:s0] =	ssyncadd.s32 @!p0 s1  }
0x143: {  	[bflag:$0x3] =	sbarrier.arrive $0xFFFF  }
0x144: {  	_ =	shalt  }

// kernel: kernel.9.cloned.1.call-start
scs
__scs_entry_jumppad:
0x0: {  	(pc) =	sbr.rel $0x88, $3  }
0x1: {  	(tag) =	ssettag $0x0;
	lr =	simm.s32 $0x1  }
0x2: {  	[smem:$0x3F9A] =	sst lr;
	_ =	strace $0xD0000000  }
0x3: {  	_ = 	snop  }
0x4: {  	_ = 	snop  }
0x5: {  	_ = 	snop  }
0x6: {  	_ = 	snop  }
0x7: {  	_ = 	snop  }
__scs_overlays_trampoline_lowered:
0x8: {  	[smem:$0x3FA9] =	sst s0  }
0x9: {  	[smem:$0x3FAA] =	sst s1  }
0xa: {  	[smem:$0x3FAB] =	sst s2  }
0xb: {  	[smem:$0x3FAC] =	sst s3  }
0xc: {  	[smem:$0x3FAD] =	sst s4  }
0xd: {  	[smem:$0x3FAE] =	sst s5  }
0xe: {  	[smem:$0x3FAF] =	sst s6  }
0xf: {  	[smem:$0x3FB0] =	sst s7  }
0x10: {  	[smem:$0x3FB1] =	sst s8  }
0x11: {  	[smem:$0x3FB2] =	sst s9;
	s0 =	simm.s32 @!p0 $0x0  }
0x12: {  	s1 =	sld [smem:$0x3F98];
	s0 =	simm.s32 @p0 $0x1  }
0x13: {  	[smem:$0x3FB3] =	sst s0;
	s0 =	simm.s32 @!p1 $0x0  }
0x14: {  	s2 =	sld [smem:$0x3F97];
	s0 =	simm.s32 @p1 $0x1  }
0x15: {  	[smem:$0x3FB4] =	sst s0;
	s0 =	simm.s32 @!p2 $0x0  }
0x16: {  	s3 =	sld [smem:$0x3FDB];
	s0 =	simm.s32 @p2 $0x1  }
0x17: {  	s4 =	simm.s32 $0x1BF5;
	[smem:$0x3FB6] =	sst s0  }
0x18: {  	s0 =	sld [smem:$0x3F99];
	_ =	swait.ge [sflag:s4], $0x0  }
0x19: {  	s7 =	sld [smem:$0x3F9A]  }
0x1a: {  	s8 =	sadd.s32 $0xFFFFE003, lr  }
0x1b: {  	s9 =	sadd.s32 $0xFFFFFEF7, lr;
	s5 =	simm.s32 $0xFFFFFFFF;
	p2 =	slt.u32 s8, $0xFFFFF086  }
0x1c: {  	p1 =	slt.u32 s9, $0xF7A;
	s5 =	simm.s32 @!p2 $0x0  }
0x1d: {  	s5 =	simm.s32 @p1 $0x1;
	p0 =	seq.s32 s7, s2  }
0x1e: {  	s7 =	smul.u32 @!p0 $0xF7A, s2;
	p2 =	seq.s32 @!p0 s5, $0x0  }
0x1f: {  	s9 =	smul.u32 $0xF7A, s1;
	s8 =	simm.s32 @!p0 $0x1BF5;
	p2 =	por !p2, p0  }
0x20: {  	[sflag:s8] =	ssyncset.s32 @!p0 $0xFFFFF086;
	s6 =	sadd.s32 @!p0 s3, s7;
	s7 =	simm.s32 @!p0 $0x108  }
0x21: {  	s3 =	sadd.s32 s3, s9;
	s6 =	sadd.s32 @!p0 $0x88, s6;
	s7 =	simm.s32 @p2 $0x1082  }
0x22: {  	[simem:s7], [sflag:s8] =	dma.local @!p0 [hbm:s6], $0xF7A  }
0x23: {  	s9 =	sor.u32 $0xD0000000, s2;
	s6 =	simm.s32 $0x108;
	_ =	swait.ge @!p0 [sflag:s8], $0x0  }
0x24: {  	s3 =	sadd.s32 $0x88, s3;
	s6 =	simm.s32 @!p1 $0x1082;
	[sflag:s4] =	ssyncset.s32 $0xFFFFF086  }
0x25: {  	[simem:s6], [sflag:s4] =	dma.local [hbm:s3], $0xF7A  }
0x26: {  	[smem:$0x3F9A] =	sst s1;
	(tag) =	ssettag s2;
	_ =	strace s9  }
0x27: {  	s1 =	sld [smem:$0x3FAA]  }
0x28: {  	s2 =	sld [smem:$0x3FAB]  }
0x29: {  	s4 =	sld [smem:$0x3FAD]  }
0x2a: {  	p0 =	seq.s32 s5, $0x0;
	s5 =	sld [smem:$0x3FAE]  }
0x2b: {  	s6 =	sld [smem:$0x3FAF]  }
0x2c: {  	s7 =	sld [smem:$0x3FB0]  }
0x2d: {  	s3 =	simm.s32 $0x108;
	s8 =	sld [smem:$0x3FB1]  }
0x2e: {  	s3 =	simm.s32 @!p0 $0x1082;
	s9 =	sld [smem:$0x3FB2]  }
0x2f: {  	lr =	sadd.s32 s0, s3;
	s0 =	sld [smem:$0x3FA9]  }
0x30: {  	s3 =	sld [smem:$0x3FAC]  }
0x31: {  	[smem:$0x3FB5] =	sst s10  }
0x32: {  	s10 =	sld [smem:$0x3FB3];
	_ =	sdelay $0x3  }
0x33: {  	p0 =	seq.s32 s10, $0x1;
	s10 =	sld [smem:$0x3FB5];
	_ =	sdelay $0x3  }
0x34: {  	[smem:$0x3FB5] =	sst s10  }
0x35: {  	s10 =	sld [smem:$0x3FB4];
	_ =	sdelay $0x3  }
0x36: {  	p1 =	seq.s32 s10, $0x1;
	s10 =	sld [smem:$0x3FB5];
	_ =	sdelay $0x3  }
0x37: {  	[smem:$0x3FB5] =	sst s10  }
0x38: {  	s10 =	sld [smem:$0x3FB6]  }
0x39: {  	_ = 	snop;
	(pc) =	sbr.ind lr, $3  }
0x3a: {  	_ = 	snop  }
0x3b: {  	_ = 	snop  }
0x3c: {  	p2 =	seq.s32 s10, $0x1;
	s10 =	sld [smem:$0x3FB5]  }
0x3d: {  	_ =	shalt  }
0x3e: {  	_ =	shalt  }
0x3f: {  	_ =	shalt  }
0x40: {  	_ =	shalt  }
0x41: {  	_ =	shalt  }
0x42: {  	_ =	shalt  }
0x43: {  	_ =	shalt  }
0x44: {  	_ =	shalt  }
0x45: {  	_ =	shalt  }
0x46: {  	_ =	shalt  }
0x47: {  	_ =	shalt  }
0x48: {  	_ =	shalt  }
0x49: {  	_ =	shalt  }
0x4a: {  	_ =	shalt  }
0x4b: {  	_ =	shalt  }
0x4c: {  	_ =	shalt  }
0x4d: {  	_ =	shalt  }
0x4e: {  	_ =	shalt  }
0x4f: {  	_ =	shalt  }
0x50: {  	_ =	shalt  }
0x51: {  	_ =	shalt  }
0x52: {  	_ =	shalt  }
0x53: {  	_ =	shalt  }
0x54: {  	_ =	shalt  }
0x55: {  	_ =	shalt  }
0x56: {  	_ =	shalt  }
0x57: {  	_ =	shalt  }
0x58: {  	_ =	shalt  }
0x59: {  	_ =	shalt  }
0x5a: {  	_ =	shalt  }
0x5b: {  	_ =	shalt  }
0x5c: {  	_ =	shalt  }
0x5d: {  	_ =	shalt  }
0x5e: {  	_ =	shalt  }
0x5f: {  	_ =	shalt  }
0x60: {  	_ =	shalt  }
0x61: {  	_ =	shalt  }
0x62: {  	_ =	shalt  }
0x63: {  	_ =	shalt  }
0x64: {  	_ =	shalt  }
0x65: {  	_ =	shalt  }
0x66: {  	_ =	shalt  }
0x67: {  	_ =	shalt  }
0x68: {  	_ =	shalt  }
0x69: {  	_ =	shalt  }
0x6a: {  	_ =	shalt  }
0x6b: {  	_ =	shalt  }
0x6c: {  	_ =	shalt  }
0x6d: {  	_ =	shalt  }
0x6e: {  	_ =	shalt  }
0x6f: {  	_ =	shalt  }
0x70: {  	_ =	shalt  }
0x71: {  	_ =	shalt  }
0x72: {  	_ =	shalt  }
0x73: {  	_ =	shalt  }
0x74: {  	_ =	shalt  }
0x75: {  	_ =	shalt  }
0x76: {  	_ =	shalt  }
0x77: {  	_ =	shalt  }
0x78: {  	_ =	shalt  }
0x79: {  	_ =	shalt  }
0x7a: {  	_ =	shalt  }
0x7b: {  	_ =	shalt  }
0x7c: {  	_ =	shalt  }
0x7d: {  	_ =	shalt  }
0x7e: {  	_ =	shalt  }
0x7f: {  	_ =	shalt  }
0x80: {  	_ =	shalt  }
0x81: {  	_ =	shalt  }
0x82: {  	_ =	shalt  }
0x83: {  	_ =	shalt  }
0x84: {  	_ =	shalt  }
0x85: {  	_ =	shalt  }
0x86: {  	_ =	shalt  }
0x87: {  	_ =	shalt  }
.Lfunc_end0:
.L_simem_size_0:
called_computation.1_lowered:
.L_overlay_start_0:
0x88: {  	s2 =	sld [smem:$0x3FD9]  }
0x89: {  	s3 =	sld [smem:$0x3FFE];
	_ =	sdelay $0x1  }
0x8a: {  	s1 =	srdreg.scid  }
0x8b: {  	s0 =	sand.u32 $0x1, s1  }
0x8c: {  	s17 =	sshll.u32 s0, $0xA;
	s2 =	sadd.s32 s3, s2  }
0x8d: {  	s2 =	sadd.s32 s2, s17  }
0x8e: {  	[smem:$0x3FC1] =	sst s2  }
0x8f: {  	_ = 	snop  }
0x90: {  	s2 =	sld [smem:$0x3FD0];
	(tm) =	ssettm $0x1  }
0x91: {  	s18 =	sld [smem:$0x3FFB];
	_ =	sdelay $0x3  }
0x92: {  	_ =	strace s18  }
0x93: {  	s3 =	sld [smem:$0x3FFC];
	_ =	sdelay $0x3  }
0x94: {  	_ =	strace s3  }
0x95: {  	s3 =	sld [smem:$0x3FFD];
	_ =	sdelay $0x3  }
0x96: {  	_ =	strace s3  }
0x97: {  	_ =	strace $0x8FFFFFFF  }
0x98: {  	s19 =	sld [smem:$0x3FDB];
	_ =	sdelay $0x1  }
0x99: {  	s4 =	simm.s32 $_scs_section_size  }
0x9a: {  	s5 =	simm.s32 $_size__tile_overlayer_lowered;
	s6 =	simm.s32 $_tile_overlayer_lowered  }
0x9b: {  	s22 =	simm.s32 $0x1BFF;
	s21 =	sshll.u32 s6, $0x1;
	s3 =	sadd.s32 s4, s19  }
0x9c: {  	s7 =	simm.s32 $0x0;
	s20 =	sshll.u32 s5, $0x1;
	s5 =	sadd.s32 s21, s3  }
0x9d: {  	[timem:s7], [sflag:s22] =	dma.local [hbm:s5], s20  }
0x9e: {  	_ =	swait.ge [sflag:s22], s20  }
0x9f: {  	s4 =	ssub.s32 $0x0, s20;
	[sflag:s22] =	ssyncset.done $0x0  }
0xa0: {  	[sflag:s22] =	ssyncadd.s32 s4;
	_ =	sdelay $0x1  }
0xa1: {  	s23 =	simm.s32 $0x1B8B  }
0xa2: {  	_ =	swait.ge [sflag:s23], $0x1  }
0xa3: {  	[sflag:s23] =	ssyncset.done $0x0  }
0xa4: {  	s25 =	simm.s32 $0x1B8E;
	s24 =	sld [smem:$0x3FFE];
	[sflag:s23] =	ssyncadd.s32 $0xFFFFFFFF  }
0xa5: {  	s26 =	simm.s32 $execute0_lowered;
	[smem:$0x3FD2] =	sst s25  }
0xa6: {  	s5 =	sshll.u32 s26, $0x1;
	_ =	strace $0x80000049;
	[dreg:$0x1] =	wrdreg $0xFFFFFFFF  }
0xa7: {  	s28 =	simm.s32 $_size_execute0_lowered;
	s3 =	sadd.s32 s3, s5;
	[dreg:$0x0] =	wrdreg $0x0  }
0xa8: {  	s5 =	sshll.u32 s28, $0x1;
	[dreg:$0x2] =	wrdreg s3  }
0xa9: {  	[dreg:$0x3] =	wrdreg s5  }
0xaa: {  	[dreg:$0x4] =	wrdreg $0xC0  }
0xab: {  	_ =	task [dreg:s7], $0x5FFFF  }
0xac: {  	[dreg:$0x1] =	wrdreg $0xFFFFFFFF  }
0xad: {  	[dreg:$0x0] =	wrdreg $0x60  }
0xae: {  	[dreg:$0x2] =	wrdreg s2  }
0xaf: {  	[dreg:$0x3] =	wrdreg s24  }
0xb0: {  	[dreg:$0x4] =	wrdreg $0x0  }
0xb1: {  	[dreg:$0x5] =	wrdreg $0x9  }
0xb2: {  	_ =	task.clear_ibuf [dreg:s7], $0x6FFFF;
	_ =	strace $0x90000049  }
0xb3: {  	s29 =	simm.s32 $0x9;
	_ =	strace $0x8000004B  }
0xb4: {  	_ =	swait.ge [sflag:s29], $0x1  }
0xb5: {  	[sflag:s29] =	ssyncadd.s32 $0xFFFFFFFF  }
0xb6: {  	_ =	strace $0x9000004B  }
0xb7: {  	_ =	sfence  }
0xb8: {  	s30 =	sld [smem:$0x0];
	_ =	sdelay $0x2  }
0xb9: {  	s31 =	sshll.u32 s1, $0xD;
	s1 =	sshrl.u32 s1, $0x2  }
0xba: {  	s3 =	sand.u32 $0x4000, s31;
	s1 =	sadd.s32 s1, s30  }
0xbb: {  	s0 =	sor.u32 s3, s0;
	s1 =	sshll.u32 s1, $0x11  }
0xbc: {  	s0 =	sor.u32 s1, s0  }
0xbd: {  	s0 =	sadd.s32 $0x8F2B, s0  }
0xbe: {  	[sflag:s0] =	ssyncadd.remote.s32 $0x1  }
0xbf: {  	_ =	sfence.sel $0xFFFF  }
0xc0: {  	[dreg:$0x0] =	wrdreg $0xFFFFFFFF;
	(pc) =	sbr.abs _section_cstart, $3  }
0xc1: {  	[dreg:$0x1] =	wrdreg $0xFFFFFFFF  }
0xc2: {  	_ =	task.clear_ibuf [dreg:s7], $0x2FFFF;
	_ =	strace $0x9FFFFFFF  }
0xc3: {  	(tm) =	ssettm $0x7FFFFFFF  }
tec
execute0_lowered:
.L_overlay_start_1:
0x0: {  	(tag) =	ssettag $0x1  }
0x1: {  	s11 =	rddreg [dreg:$0x0]  }
0x2: {  	s4 =	rddreg [dreg:$0x1]  }
0x3: {  	s1 =	rddreg [dreg:$0x2]  }
0x4: {  	s0 =	rddreg [dreg:$0x3];
	s3 =	simm.s32 $0x0  }
0x5: {  	s5 =	srdreg.scid;
	s2 =	stileid.u32;
	s20 =	simm.s32 $0x1  }
0x6: {  	s21 =	simm.s32 $0x8FC0;
	s22 =	simm.s32 $0x2;
	s23 =	simm.s32 $0x66A0  }
0x7: {  	s26 =	simm.s32 $0x7F20;
	s28 =	simm.s32 $0x7FA0;
	[smem:$0x7FF] =	sst s3  }
0x8: {  	s9 =	sand.u32 $0x1, s5;
	s29 =	smul.u32 $0x13880, s2;
	s12 =	sadd.s32 $0x3000, s4  }
0x9: {  	s10 =	sadd.s32 $0x9400, s4;
	s13 =	sadd.s32 $0xF800, s4;
	s15 =	smul.u32 $0x1900, s2  }
0xa: {  	s18 =	smul.u32 $0x4E00, s2;
	s24 =	sadd.s32 $0x49200, s1;
	_ =	strace $0x8000004A  }
0xb: {  	s6 =	ssub.s32 $0x2, s9;
	s16 =	smul.u32 $0x4E200, s9;
	p0 =	seq.s32 s9, $0x1  }
0xc: {  	s30 =	sshrl.u32 s6, $0x1;
	s5 =	sshrl.u32 s29, $0x2;
	s15 =	sshrl.u32 s15, $0x3  }
0xd: {  	s25 =	sadd.s32 s18, s1;
	s14 =	ssub.s32 s6, s30;
	s4 =	sadd.s32 s5, s1  }
0xe: {  	s17 =	sadd.s32 $0x3200, s15;
	s9 =	sadd.s32 s10, s15;
	s15 =	sadd.s32 s12, s15  }
0xf: {  	s31 =	sshrl.u32 s16, $0x3;
	s16 =	sadd.s32 s18, s16;
	s18 =	simm.s32 $0x6720  }
0x10: {  	s5 =	sadd.s32 $0xFA0, s4;
	s6 =	sadd.s32 $0x1F40, s4;
	s7 =	sadd.s32 $0x2EE0, s4  }
0x11: {  	s8 =	sadd.s32 $0x3E80, s4;
	s10 =	sadd.s32 s10, s17;
	s17 =	sadd.s32 s12, s17  }
0x12: {  	s11 =	sadd.s32 s11, s31;
	s16 =	sshrl.u32 s16, $0x3;
	s19 =	sadd.s32 s13, s31  }
0x13: {  	s14 =	smax.u32 s14, $0x1;
	s12 =	sadd.s32 s13, s16;
	s13 =	sadd.s32 $0x9240, s19  }
0x14: {  	s9 =	smov.u32 @p0 s17;
	s10 =	smov.u32 @p0 s15;
	s15 =	simm.s32 $0x8020  }
0x15: {  	s16 =	simm.s32 $0x3;
	s17 =	simm.s32 $0x4E20;
	p0 =	seq.s32 s2, $0xF  }
0x16: {  	v0 =	vimm.f32 $0.0e+00;
	s19 =	simm.s32 $0x7D;
	s24 =	sshrl.u32 @p0 s24, $0x3;
	s25 =	sshrl.u32 @!p0 s25, $0x3  }
.LBB2_1:
0x17: {  	s29 =	simm.s32 $0x80;
	s30 =	simm.s32 $0x0  }
.LBB2_2:
0x18: {  	p1 =	sne.s32 s29, $0x3E00;
	[tilespmem:s30+$0x8020] =	vst v0;
	s31 =	smov.u32 s29;
	s29 =	sadd.s32 $0x80, s29  }
.Ltmp0:
0x19: {  	[tilespmem:s30+$0x8030] =	vst v0;
	(pc) =	sbr.rel @p1 .LBB2_2-.Ltmp0, $2  }
0x1a: {  	_ =	sdelay $0x2  }
0x1b: {  	s30 =	sshra.s32 s31, $0x2  }
0x1c: {  	[tilespmem:s30+$0x8020] =	vst v0  }
0x1d: {  	[tilespmem:s30+$0x8030] =	vst v0  }
0x1e: {  	[spmem:s4] =	stream.linear.scatter [tilespmem:s15], [sflag:$0x3], $0xFA0, $0x38;
	[tilespmem:$0x9F60] =	vst v63  }
0x1f: {  	_ =	swait.ge [sflag:s16], $0xFA0  }
0x20: {  	[sflag:s16] =	ssyncset.done $0x0  }
0x21: {  	[sflag:s16] =	ssyncadd.s32 $0xFFFFF060  }
0x22: {  	[spmem:s5] =	stream.linear.scatter [tilespmem:s15], [sflag:$0x3], $0xFA0, $0x38;
	[tilespmem:$0x9F60] =	vst v63  }
0x23: {  	_ =	swait.ge [sflag:s16], $0xFA0  }
0x24: {  	[sflag:s16] =	ssyncset.done $0x0  }
0x25: {  	[sflag:s16] =	ssyncadd.s32 $0xFFFFF060  }
0x26: {  	[spmem:s6] =	stream.linear.scatter [tilespmem:s15], [sflag:$0x3], $0xFA0, $0x38;
	[tilespmem:$0x9F60] =	vst v63  }
0x27: {  	_ =	swait.ge [sflag:s16], $0xFA0  }
0x28: {  	[sflag:s16] =	ssyncset.done $0x0  }
0x29: {  	[sflag:s16] =	ssyncadd.s32 $0xFFFFF060  }
0x2a: {  	[spmem:s7] =	stream.linear.scatter [tilespmem:s15], [sflag:$0x3], $0xFA0, $0x38;
	[tilespmem:$0x9F60] =	vst v63  }
0x2b: {  	_ =	swait.ge [sflag:s16], $0xFA0  }
0x2c: {  	[sflag:s16] =	ssyncset.done $0x0  }
0x2d: {  	[sflag:s16] =	ssyncadd.s32 $0xFFFFF060  }
0x2e: {  	[spmem:s8] =	stream.linear.scatter [tilespmem:s15], [sflag:$0x3], $0xFA0, $0x38;
	[tilespmem:$0x9F60] =	vst v63  }
0x2f: {  	_ =	swait.ge [sflag:s16], $0xFA0  }
0x30: {  	[sflag:s16] =	ssyncset.done $0x0  }
0x31: {  	s29 =	simm.s32 $0x0;
	[sflag:s16] =	ssyncadd.s32 $0xFFFFF060  }
0x32: {  	[tilespmem:s17], [sflag:$0x3] =	stream.linear.gather [hbm4b:s9+s29], $0x1900, $0x38;
	[tilespmem:$0x9F60] =	vst v63  }
0x33: {  	_ =	swait.ge [sflag:s16], $0x1900  }
0x34: {  	[sflag:s16] =	ssyncset.done $0x0  }
0x35: {  	[sflag:s16] =	ssyncadd.s32 $0xFFFFE700  }
0x36: {  	[tilespmem:s18], [sflag:$0x3] =	stream.linear.gather [hbm4b:s10+s29], $0x1900, $0x38;
	[tilespmem:$0x9F60] =	vst v63  }
0x37: {  	_ =	swait.ge [sflag:s16], $0x1900  }
0x38: {  	[sflag:s16] =	ssyncset.done $0x0  }
0x39: {  	[sflag:s16] =	ssyncadd.s32 $0xFFFFE700  }
0x3a: {  	[bflag:$0x0] =	sbarrier.arrive $0xFFFF  }
0x3b: {  	[tilespmem:s15], [sflag:$0x1] =	stream.indirect.gather [hbm4b:s11+s19], $0x20, s17, s19, $0xb8;
	[tilespmem:$0x9F60] =	vst v63  }
0x3c: {  	_ =	swait.ge [sflag:s20], $0xFA0  }
0x3d: {  	[sflag:s20] =	ssyncset.done $0x0  }
0x3e: {  	s29 =	simm.s32 $0x4EA0;
	[sflag:s20] =	ssyncadd.s32 $0xFFFFF060  }
0x3f: {  	[tilespmem:s21], [sflag:$0x2] =	stream.indirect.gather [hbm4b:s11+s19], $0x20, s29, s19, $0xb8;
	[tilespmem:$0x9F60] =	vst v63  }
0x40: {  	s29 =	simm.s32 $0x6720  }
0x41: {  	[spmem:s1] =	stream.indirect.scatter.add.f32 [tilespmem:s15], [sflag:$0x3], $0x20, s29, s19, $0xb8;
	[tilespmem:$0x9F60] =	vst v63  }
0x42: {  	_ =	swait.ge [sflag:s16], $0xFA0  }
0x43: {  	[sflag:s16] =	ssyncset.done $0x0  }
0x44: {  	[sflag:s16] =	ssyncadd.s32 $0xFFFFF060  }
0x45: {  	_ =	swait.ge [sflag:s22], $0xFA0  }
0x46: {  	[sflag:s22] =	ssyncset.done $0x0  }
0x47: {  	s29 =	simm.s32 $0x4F20;
	[sflag:s22] =	ssyncadd.s32 $0xFFFFF060  }
0x48: {  	[tilespmem:s15], [sflag:$0x1] =	stream.indirect.gather [hbm4b:s11+s19], $0x20, s29, s19, $0xb8;
	[tilespmem:$0x9F60] =	vst v63  }
0x49: {  	s29 =	simm.s32 $0x67A0  }
0x4a: {  	[spmem:s1] =	stream.indirect.scatter.add.f32 [tilespmem:s21], [sflag:$0x3], $0x20, s29, s19, $0xb8;
	[tilespmem:$0x9F60] =	vst v63  }
0x4b: {  	_ =	swait.ge [sflag:s16], $0xFA0  }
0x4c: {  	s29 =	simm.s32 $0x400;
	[sflag:s16] =	ssyncset.done $0x0  }
.LBB2_4:
0x4d: {  	p1 =	sne.s32 s29, $0x5C00  }
0x4e: {  	[sflag:s16] =	ssyncadd.s32 $0xFFFFF060;
	s30 =	smov.u32 s29;
	s29 =	sadd.s32 $0x400, s29  }
0x4f: {  	_ = 	snop  }
0x50: {  	_ =	swait.ge [sflag:s20], $0xFA0  }
0x51: {  	s30 =	sshra.s32 s30, $0x2;
	[sflag:s20] =	ssyncset.done $0x0  }
0x52: {  	s31 =	sadd.s32 $0x4EA0, s30;
	[sflag:s20] =	ssyncadd.s32 $0xFFFFF060  }
0x53: {  	[tilespmem:s21], [sflag:$0x2] =	stream.indirect.gather [hbm4b:s11+s19], $0x20, s31, s19, $0xb8;
	[tilespmem:$0x9F60] =	vst v63  }
0x54: {  	s31 =	sadd.s32 $0x6720, s30  }
0x55: {  	[spmem:s1] =	stream.indirect.scatter.add.f32 [tilespmem:s15], [sflag:$0x3], $0x20, s31, s19, $0xb8;
	[tilespmem:$0x9F60] =	vst v63  }
0x56: {  	_ =	swait.ge [sflag:s16], $0xFA0  }
0x57: {  	[sflag:s16] =	ssyncset.done $0x0  }
0x58: {  	[sflag:s16] =	ssyncadd.s32 $0xFFFFF060  }
0x59: {  	_ =	swait.ge [sflag:s22], $0xFA0  }
0x5a: {  	[sflag:s22] =	ssyncset.done $0x0  }
0x5b: {  	s31 =	sadd.s32 $0x4F20, s30;
	[sflag:s22] =	ssyncadd.s32 $0xFFFFF060  }
0x5c: {  	[tilespmem:s15], [sflag:$0x1] =	stream.indirect.gather [hbm4b:s11+s19], $0x20, s31, s19, $0xb8;
	[tilespmem:$0x9F60] =	vst v63  }
.Ltmp1:
0x5d: {  	_ = 	snop;
	(pc) =	sbr.rel @p1 .LBB2_4-.Ltmp1, $4  }
0x5e: {  	s30 =	sadd.s32 $0x67A0, s30  }
0x5f: {  	[spmem:s1] =	stream.indirect.scatter.add.f32 [tilespmem:s21], [sflag:$0x3], $0x20, s30, s19, $0xb8;
	[tilespmem:$0x9F60] =	vst v63  }
0x60: {  	_ =	swait.ge [sflag:s16], $0xFA0  }
0x61: {  	[sflag:s16] =	ssyncset.done $0x0  }
0x62: {  	[sflag:s16] =	ssyncadd.s32 $0xFFFFF060  }
0x63: {  	_ =	swait.ge [sflag:s20], $0xFA0  }
0x64: {  	[sflag:s20] =	ssyncset.done $0x0  }
0x65: {  	[sflag:s20] =	ssyncadd.s32 $0xFFFFF060  }
0x66: {  	[tilespmem:s21], [sflag:$0x2] =	stream.indirect.gather [hbm4b:s11+s19], $0x20, s23, s19, $0xb8;
	[tilespmem:$0x9F60] =	vst v63  }
0x67: {  	_ = 	snop  }
0x68: {  	[spmem:s1] =	stream.indirect.scatter.add.f32 [tilespmem:s15], [sflag:$0x3], $0x20, s26, s19, $0xb8;
	[tilespmem:$0x9F60] =	vst v63  }
0x69: {  	_ =	swait.ge [sflag:s16], $0xFA0  }
0x6a: {  	[sflag:s16] =	ssyncset.done $0x0  }
0x6b: {  	[sflag:s16] =	ssyncadd.s32 $0xFFFFF060  }
0x6c: {  	_ =	swait.ge [sflag:s22], $0xFA0  }
0x6d: {  	[sflag:s22] =	ssyncset.done $0x0  }
0x6e: {  	[sflag:s22] =	ssyncadd.s32 $0xFFFFF060  }
0x6f: {  	[tilespmem:s15], [sflag:$0x1] =	stream.indirect.gather [hbm4b:s11+s19], $0x20, s23, s19, $0xb8;
	[tilespmem:$0x9F60] =	vst v63  }
0x70: {  	_ = 	snop  }
0x71: {  	[spmem:s1] =	stream.indirect.scatter.add.f32 [tilespmem:s21], [sflag:$0x3], $0x20, s28, s19, $0xb8;
	[tilespmem:$0x9F60] =	vst v63  }
0x72: {  	_ =	swait.ge [sflag:s16], $0xFA0  }
0x73: {  	[sflag:s16] =	ssyncset.done $0x0  }
0x74: {  	[sflag:s16] =	ssyncadd.s32 $0xFFFFF060  }
0x75: {  	_ =	swait.ge [sflag:s20], $0xFA0  }
0x76: {  	[sflag:s20] =	ssyncset.done $0x0  }
0x77: {  	[sflag:s20] =	ssyncadd.s32 $0xFFFFF060  }
0x78: {  	s29 =	simm.s32 @p0 $0x1FC3;
	[bflag:$0x0] =	sbarrier.arrive $0xFFFF  }
0x79: {  	[hbm:s13], [sflag:s29] =	dma.local @p0 [spmem:s24], $0xA00  }
0x7a: {  	s29 =	simm.s32 @p0 $0x3  }
0x7b: {  	_ =	swait.ge @p0 [sflag:s29], $0xA00  }
0x7c: {  	s30 =	sshll.u32 @!p0 s2, $0x6;
	s3 =	sadd.s32 $0x1, s3;
	[sflag:s29] =	ssyncset.done @p0 $0x0  }
0x7d: {  	p1 =	sne.s32 s3, s14;
	[sflag:s29] =	ssyncadd.s32 @p0 $0xFFFFF600;
	s29 =	sor.u32 @!p0 $0x1C03, s30  }
0x7e: {  	[hbm:s12], [sflag:s29] =	dma.local @!p0 [spmem:s25], $0x9C0  }
.Ltmp2:
0x7f: {  	_ = 	snop;
	(pc) =	sbr.rel @p1 .LBB2_1-.Ltmp2, $4  }
0x80: {  	s29 =	simm.s32 @!p0 $0x3  }
0x81: {  	_ =	swait.ge @!p0 [sflag:s29], $0x9C0  }
0x82: {  	[sflag:s29] =	ssyncset.done @!p0 $0x0  }
0x83: {  	[sflag:s29] =	ssyncadd.s32 @!p0 $0xFFFFF640  }
0x84: {  	_ =	sfence.sel $0x180000  }
0x85: {  	[bflag:$0x0] =	sbarrier.arrive $0xFFFF  }
0x86: {  	p0 =	sne.s32 s2, $0x0;
	_ =	strace $0x9000004A  }
0x87: {  	s0 =	sadd.s32 @!p0 $0x100000, s0;
	[bflag:$0x2] =	sbarrier.arrive $0xFFFF  }
0x88: {  	[sflag:s0] =	ssyncadd.tile.s32 @!p0 $0x1;
	_ =	shalt  }
.Lfunc_end2:
_tile_overlayer_lowered:
.L_overlay_start_2:
0x89: {  	(tag) =	ssettag $0x2  }
0x8a: {  	s0 =	rddreg [dreg:$0x0];
	s2 =	stileid.u32  }
0x8b: {  	s1 =	rddreg [dreg:$0x1];
	p0 =	sne.s32 s2, $0x0  }
0x8c: {  	s3 =	rddreg [dreg:$0x2];
	[bflag:$0x3] =	sbarrier.arrive $0xFFFF;
	s2 =	simm.s32 @!p0 $0x1C03  }
0x8d: {  	[timem:s3], [sflag:s2] =	dma.local @!p0 [hbm:s0], s1  }
0x8e: {  	s0 =	simm.s32 @!p0 $0x3  }
0x8f: {  	_ =	swait.ge @!p0 [sflag:s0], s1  }
0x90: {  	s1 =	ssub.s32 @!p0 $0x0, s1;
	[sflag:s0] =	ssyncset.done @!p0 $0x0  }
0x91: {  	[sflag:s0] =	ssyncadd.s32 @!p0 s1  }
0x92: {  	[bflag:$0x3] =	sbarrier.arrive $0xFFFF  }
0x93: {  	_ =	shalt  }

</sc_bundles>
